<compile_context>
chip_gen: v7x
topology: tpu7x:2x2x1
jax: 0.10.2.dev20260603
libtpu: 0.0.44.dev20260713+nightly
codegen_flags: <defaults>
</compile_context>

<pallas_src>
import functools

import jax
import jax.numpy as jnp
from jax import lax
from jax.experimental import pallas as pl
from jax.experimental.pallas import tpu as pltpu
from jax.experimental.pallas import tpu_sc as plsc

N = 10000
E = 320000
H = 128
V = 1000

NC = 2
NS = 16
NW = NC * NS
NP = 10240
EPW = E // NW
ECH = 80
NECH = EPW // ECH
GSZ = 5
RPW = NP // NW
GCH = 64
NGCH = RPW // GCH
RPS = NP // NS

_mesh = plsc.VectorSubcoreMesh(
    core_axis_name="c", subcore_axis_name="s", num_cores=NC, num_subcores=NS)

f32 = jnp.float32
i32 = jnp.int32


@functools.partial(
    pl.kernel,
    out_type=jax.ShapeDtypeStruct((NP, H), f32),
    mesh=_mesh,
    scratch_types=[
        pltpu.VMEM((GCH,), i32),
        pltpu.VMEM((GCH, H), f32),
        pltpu.SemaphoreType.DMA,
    ],
)
def _sc_emb(feat_hbm, emb_hbm, h0_hbm, fidx_v, rows_v, sem):
  cid = lax.axis_index("c")
  sid = lax.axis_index("s")
  wid = sid * NC + cid

  def emb_body(j, carry):
    rb = wid * RPW + j * GCH
    pltpu.sync_copy(feat_hbm.at[pl.ds(rb, GCH)], fidx_v)
    pltpu.async_copy(emb_hbm.at[fidx_v], rows_v, sem).wait()
    pltpu.sync_copy(rows_v, h0_hbm.at[pl.ds(rb, GCH)])
    return carry

  lax.fori_loop(0, NGCH, emb_body, 0)


@functools.partial(
    pl.kernel,
    out_type=jax.ShapeDtypeStruct((NC * NP, H), f32),
    mesh=_mesh,
    scratch_types=[
        pltpu.VMEM((ECH,), i32),
        pltpu.VMEM((ECH,), i32),
        pltpu.VMEM((ECH, H), f32),
        pltpu.VMEM((ECH, H), f32),
        pltpu.VMEM_SHARED((NP, H), f32),
    ],
)
def _sc_deg(src_hbm, dst_hbm, ones_a_hbm, ones_b_hbm, zrows_hbm, out_hbm,
            sidx_v, didx_v, ones_a_v, ones_b_v, acc_sp):
  cid = lax.axis_index("c")
  sid = lax.axis_index("s")
  wid = sid * NC + cid

  @pl.when(sid == 0)
  def _():
    pltpu.sync_copy(zrows_hbm, acc_sp)

  pltpu.sync_copy(ones_a_hbm, ones_a_v)
  pltpu.sync_copy(ones_b_hbm, ones_b_v)
  plsc.subcore_barrier()

  def body(i, carry):
    base = wid * EPW + i * ECH
    pltpu.sync_copy(src_hbm.at[pl.ds(base, ECH)], sidx_v)
    pltpu.sync_copy(ones_a_v, acc_sp.at[sidx_v], add=True)
    pltpu.sync_copy(dst_hbm.at[pl.ds(base, ECH)], didx_v)
    pltpu.sync_copy(ones_b_v, acc_sp.at[didx_v], add=True)
    return carry

  lax.fori_loop(0, NECH, body, 0)

  plsc.subcore_barrier()
  out_base = cid * NP + sid * RPS
  pltpu.sync_copy(acc_sp.at[pl.ds(sid * RPS, RPS)],
                  out_hbm.at[pl.ds(out_base, RPS)])


@functools.partial(
    pl.kernel,
    out_type=jax.ShapeDtypeStruct((NC * NP, H), f32),
    mesh=_mesh,
    scratch_types=[
        pltpu.VMEM((ECH,), i32),
        pltpu.VMEM((ECH,), i32),
        pltpu.VMEM((ECH,), i32),
        pltpu.VMEM((ECH,), i32),
        pltpu.VMEM((ECH, H), f32),
        pltpu.VMEM((ECH, H), f32),
        pltpu.SemaphoreType.DMA,
        pltpu.SemaphoreType.DMA,
        pltpu.VMEM_SHARED((NP, H), f32),
    ],
)
def _sc_segsum(g_hbm, src_hbm, dst_hbm, zrows_hbm, out_hbm,
               sa_v, da_v, sb_v, db_v, rows_a, rows_b, sem_a, sem_b, m_sp):
  cid = lax.axis_index("c")
  sid = lax.axis_index("s")
  wid = sid * NC + cid

  pltpu.sync_copy(zrows_hbm.at[pl.ds(sid * RPS, RPS)],
                  m_sp.at[pl.ds(sid * RPS, RPS)])
  base = wid * EPW
  plsc.subcore_barrier()

  sbufs = (sa_v, sb_v)
  dbufs = (da_v, db_v)
  rbufs = (rows_a, rows_b)
  sems = (sem_a, sem_b)

  def group(g, carry):
    c0 = base + g * GSZ * ECH
    pltpu.sync_copy(src_hbm.at[pl.ds(c0, ECH)], sa_v)
    pltpu.sync_copy(dst_hbm.at[pl.ds(c0, ECH)], da_v)
    pend = pltpu.async_copy(g_hbm.at[sa_v], rows_a, sem_a)
    for k in range(1, GSZ):
      ck = base + (g * GSZ + k) * ECH
      pltpu.sync_copy(src_hbm.at[pl.ds(ck, ECH)], sbufs[k % 2])
      pltpu.sync_copy(dst_hbm.at[pl.ds(ck, ECH)], dbufs[k % 2])
      nxt = pltpu.async_copy(g_hbm.at[sbufs[k % 2]], rbufs[k % 2], sems[k % 2])
      pend.wait()
      pltpu.sync_copy(rbufs[(k - 1) % 2], m_sp.at[dbufs[(k - 1) % 2]],
                      add=True)
      pend = nxt
    pend.wait()
    pltpu.sync_copy(rbufs[(GSZ - 1) % 2], m_sp.at[dbufs[(GSZ - 1) % 2]],
                    add=True)
    return carry

  lax.fori_loop(0, NECH // GSZ, group, 0)

  plsc.subcore_barrier()
  out_base = cid * NP + sid * RPS
  pltpu.sync_copy(m_sp.at[pl.ds(sid * RPS, RPS)],
                  out_hbm.at[pl.ds(out_base, RPS)])


RB = 512
NB = NP // RB


def _scale_body(h_ref, ns_ref, o_ref):
  o_ref[...] = h_ref[...] * ns_ref[...]


_scale = pl.pallas_call(
    _scale_body,
    grid=(NB,),
    in_specs=[
        pl.BlockSpec((RB, H), lambda i: (i, 0)),
        pl.BlockSpec((RB, 1), lambda i: (i, 0)),
    ],
    out_specs=pl.BlockSpec((RB, H), lambda i: (i, 0)),
    out_shape=jax.ShapeDtypeStruct((NP, H), f32),
)


def _layer1_body(mp_ref, nd_ref, ns_ref, w_ref, b_ref, o_ref):
  m = (mp_ref[0] + mp_ref[1]) * nd_ref[...]
  y = jnp.dot(m, w_ref[...], preferred_element_type=f32) + b_ref[...]
  o_ref[...] = jnp.maximum(y, 0.0) * ns_ref[...]


_layer1 = pl.pallas_call(
    _layer1_body,
    grid=(NB,),
    in_specs=[
        pl.BlockSpec((NC, RB, H), lambda i: (0, i, 0)),
        pl.BlockSpec((RB, 1), lambda i: (i, 0)),
        pl.BlockSpec((RB, 1), lambda i: (i, 0)),
        pl.BlockSpec((H, H), lambda i: (0, 0)),
        pl.BlockSpec((1, H), lambda i: (0, 0)),
    ],
    out_specs=pl.BlockSpec((RB, H), lambda i: (i, 0)),
    out_shape=jax.ShapeDtypeStruct((NP, H), f32),
)


def _layer2_body(mp_ref, nd_ref, w_ref, b_ref, o_ref):
  i = pl.program_id(0)
  m = (mp_ref[0] + mp_ref[1]) * nd_ref[...]
  y = jnp.dot(m, w_ref[...], preferred_element_type=f32) + b_ref[...]
  y = jnp.maximum(y, 0.0)
  rows = lax.broadcasted_iota(i32, (RB, 1), 0) + i * RB
  y = jnp.where(rows < N, y, 0.0)
  part = jnp.sum(y, axis=0, keepdims=True)

  @pl.when(i == 0)
  def _():
    o_ref[...] = jnp.zeros_like(o_ref)

  o_ref[...] += part

  @pl.when(i == NB - 1)
  def _():
    o_ref[...] *= (1.0 / N)


_layer2 = pl.pallas_call(
    _layer2_body,
    grid=(NB,),
    in_specs=[
        pl.BlockSpec((NC, RB, H), lambda i: (0, i, 0)),
        pl.BlockSpec((RB, 1), lambda i: (i, 0)),
        pl.BlockSpec((H, H), lambda i: (0, 0)),
        pl.BlockSpec((1, H), lambda i: (0, 0)),
    ],
    out_specs=pl.BlockSpec((1, H), lambda i: (0, 0)),
    out_shape=jax.ShapeDtypeStruct((1, H), f32),
)


@jax.jit
def kernel(node_feat, edge_index, emb_table, W1, b1, W2, b2):
  src = edge_index[0]
  dst = edge_index[1]
  feat_p = jnp.concatenate(
      [node_feat, jnp.zeros((NP - N,), dtype=i32)])
  zrows = jnp.zeros((NP, H), dtype=f32)
  col = jnp.arange(H)[None, :]
  ones_a = jnp.broadcast_to((col < 64).astype(f32), (ECH, H))
  ones_b = jnp.broadcast_to((col >= 64).astype(f32), (ECH, H))

  h0 = _sc_emb(feat_p, emb_table)
  dg_p = _sc_deg(src, dst, ones_a, ones_b, zrows)

  deg_out = dg_p[:NP, 0] + dg_p[NP:, 0]
  deg_in = dg_p[:NP, 64] + dg_p[NP:, 64]
  ns = jnp.where(deg_out > 0,
                 lax.rsqrt(jnp.maximum(deg_out, 1e-12)), 0.0)[:, None]
  nd = jnp.where(deg_in > 0,
                 lax.rsqrt(jnp.maximum(deg_in, 1e-12)), 0.0)[:, None]

  g1 = _scale(h0, ns)
  m1p = _sc_segsum(g1, src, dst, zrows).reshape(NC, NP, H)
  g2 = _layer1(m1p, nd, ns, W1, b1.reshape(1, H))
  m2p = _sc_segsum(g2, src, dst, zrows).reshape(NC, NP, H)
  return _layer2(m2p, nd, W2, b2.reshape(1, H))

# --- scband reference (transcript-rebuilt; emitter-appended) ---
"""Pipeline reference for scband-graph-embedding-88940182766122 (READ-ONLY COPY).

The authoritative reference and input builder live on the scoring server;
editing this copy changes nothing except your own understanding.
"""

import jax, jax.numpy as jnp
import numpy as np

N = 10000
E = 320000
H = 128
V = 1000


def _graph_conv(h, src, dst, W, b, n_nodes):
    # DGL GraphConv with norm='both': D_out^{-1/2} on src feats, sum-aggregate by dst,
    # D_in^{-1/2} on aggregated feats, then linear.
    deg_out = jnp.zeros((n_nodes,), dtype=h.dtype).at[src].add(1.0)
    deg_in = jnp.zeros((n_nodes,), dtype=h.dtype).at[dst].add(1.0)
    norm_s = jnp.where(deg_out > 0, jax.lax.rsqrt(jnp.maximum(deg_out, 1e-12)), 0.0)
    norm_d = jnp.where(deg_in > 0, jax.lax.rsqrt(jnp.maximum(deg_in, 1e-12)), 0.0)
    h = h * norm_s[:, None]
    m = jax.ops.segment_sum(h[src], dst, num_segments=n_nodes)
    m = m * norm_d[:, None]
    return m @ W + b


def setup_inputs(seed: int = 0):
    key = jax.random.key(seed)
    ks = jax.random.split(key, 8)
    node_feat = jax.random.randint(ks[0], (N,), 0, V, dtype=jnp.int32)
    edge_index = jax.random.randint(ks[1], (2, E), 0, N, dtype=jnp.int32)
    emb_table = jax.random.normal(ks[2], (V, H), dtype=jnp.float32) * 0.02
    W1 = jax.random.normal(ks[3], (H, H), dtype=jnp.float32) * (1.0 / np.sqrt(H))
    b1 = jnp.zeros((H,), dtype=jnp.float32)
    W2 = jax.random.normal(ks[4], (H, H), dtype=jnp.float32) * (1.0 / np.sqrt(H))
    b2 = jnp.zeros((H,), dtype=jnp.float32)
    return {"node_feat": node_feat, "edge_index": edge_index, "emb_table": emb_table,
            "W1": W1, "b1": b1, "W2": W2, "b2": b2}


def reference(node_feat, edge_index, emb_table, W1, b1, W2, b2):
    src = edge_index[0]
    dst = edge_index[1]
    # embedding lookup on node type ids
    h = jnp.take(emb_table, node_feat, axis=0)
    # layer 1 (dropout is identity in eval mode)
    h = _graph_conv(h, src, dst, W1, b1, N)
    h = jax.nn.relu(h)
    # layer 2 (final layer: relu only)
    h = _graph_conv(h, src, dst, W2, b2, N)
    h = jax.nn.relu(h)
    # dgl.mean_nodes over a single graph -> [1, H]
    hg = jnp.mean(h, axis=0, keepdims=True)
    return hg

if __name__ == "__main__":
    import jax
    _d = setup_inputs()
    print(jax.jit(kernel)(*tuple(_d.values())))

</pallas_src>

<mosaic_0001>
#map = affine_map<(d0, d1) -> (0)>
#map1 = affine_map<(d0, d1) -> (0, 0)>
module attributes {stable_mosaic.version = 14 : i64} {
  func.func @_sc_deg(%arg0: i32, %arg1: i32, %arg2: memref<320000xi32, #tpu.memory_space<hbm>>, %arg3: memref<320000xi32, #tpu.memory_space<hbm>>, %arg4: memref<80x128xf32, #tpu.memory_space<hbm>>, %arg5: memref<80x128xf32, #tpu.memory_space<hbm>>, %arg6: memref<10240x128xf32, #tpu.memory_space<hbm>>, %arg7: memref<20480x128xf32, #tpu.memory_space<hbm>>, %arg8: memref<80xi32, #tpu.memory_space<vmem>>, %arg9: memref<80xi32, #tpu.memory_space<vmem>>, %arg10: memref<80x128xf32, #tpu.memory_space<vmem>>, %arg11: memref<80x128xf32, #tpu.memory_space<vmem>>, %arg12: memref<10240x128xf32, #tpu.memory_space<vmem_shared>>) attributes {dimension_semantics = [#tpu.dimension_semantics<core_parallel>, #tpu.dimension_semantics<subcore_parallel>], iteration_bounds = array<i64: 2, 16>, scalar_prefetch = 0 : i64, scratch_operands = 5 : i64, tpu.core_type = #tpu.core_type<sc_vector_subcore>, window_params = [{transform_indices = #map}, {transform_indices = #map}, {transform_indices = #map1}, {transform_indices = #map1}, {transform_indices = #map1}, {transform_indices = #map1}]} {
    %mul3A = arith.constant 2 : i32
    %mul3A_0 = arith.muli %arg1, %mul3A : i32
    %add3A = arith.addi %mul3A_0, %arg0 : i32
    %eq3A = arith.constant 0 : i32
    %eq3A_1 = arith.cmpi eq, %arg1, %eq3A : i32
    %convert_element_type3A = arith.extui %eq3A_1 : i1 to i32
    %cond3A = arith.constant 0 : i32
    %cond3A_2 = arith.cmpi ne, %convert_element_type3A, %cond3A : i32
    scf.if %cond3A_2 {
      "tpu.region"() ({
        %run_scoped3A = tpu.sem_alloc : memref<!tpu.dma_semaphore, #tpu.memory_space<semaphore_mem>>
        tpu.enqueue_dma source(%arg6 : memref<10240x128xf32, #tpu.memory_space<hbm>>) target(%arg12 : memref<10240x128xf32, #tpu.memory_space<vmem_shared>>) target_semaphore(%run_scoped3A : memref<!tpu.dma_semaphore, #tpu.memory_space<semaphore_mem>>)
        tpu.wait_dma2 semaphore(%run_scoped3A : memref<!tpu.dma_semaphore, #tpu.memory_space<semaphore_mem>>) src(%arg6 : memref<10240x128xf32, #tpu.memory_space<hbm>>) dst(%arg12 : memref<10240x128xf32, #tpu.memory_space<vmem_shared>>)
        tpu.yield
      }) : () -> ()
    } else {
    }
    "tpu.region"() ({
      %run_scoped3A = tpu.sem_alloc : memref<!tpu.dma_semaphore, #tpu.memory_space<semaphore_mem>>
      tpu.enqueue_dma source(%arg4 : memref<80x128xf32, #tpu.memory_space<hbm>>) target(%arg10 : memref<80x128xf32, #tpu.memory_space<vmem>>) target_semaphore(%run_scoped3A : memref<!tpu.dma_semaphore, #tpu.memory_space<semaphore_mem>>)
      tpu.wait_dma2 semaphore(%run_scoped3A : memref<!tpu.dma_semaphore, #tpu.memory_space<semaphore_mem>>) src(%arg4 : memref<80x128xf32, #tpu.memory_space<hbm>>) dst(%arg10 : memref<80x128xf32, #tpu.memory_space<vmem>>)
      tpu.yield
    }) : () -> ()
    "tpu.region"() ({
      %run_scoped3A = tpu.sem_alloc : memref<!tpu.dma_semaphore, #tpu.memory_space<semaphore_mem>>
      tpu.enqueue_dma source(%arg5 : memref<80x128xf32, #tpu.memory_space<hbm>>) target(%arg11 : memref<80x128xf32, #tpu.memory_space<vmem>>) target_semaphore(%run_scoped3A : memref<!tpu.dma_semaphore, #tpu.memory_space<semaphore_mem>>)
      tpu.wait_dma2 semaphore(%run_scoped3A : memref<!tpu.dma_semaphore, #tpu.memory_space<semaphore_mem>>) src(%arg5 : memref<80x128xf32, #tpu.memory_space<hbm>>) dst(%arg11 : memref<80x128xf32, #tpu.memory_space<vmem>>)
      tpu.yield
    }) : () -> ()
    %barrier3A = arith.constant 0 : index
    tpu.barrier barrier_id(%barrier3A)
    %scan3A = arith.constant 0 : i32
    %scan3A_3 = arith.constant 0 : i32
    %scan3A_4 = arith.constant 125 : i32
    %scan3A_5 = arith.addi %scan3A_3, %scan3A_4 : i32
    %scan3A_6 = arith.constant 1 : i32
    scf.for %scan3A_16 = %scan3A_3 to %scan3A_5 step %scan3A_6  : i32 {
      %mul3A_17 = arith.constant 10000 : i32
      %mul3A_18 = arith.muli %add3A, %mul3A_17 : i32
      %mul3A_19 = arith.constant 80 : i32
      %mul3A_20 = arith.muli %scan3A_16, %mul3A_19 : i32
      %add3A_21 = arith.addi %mul3A_18, %mul3A_20 : i32
      "tpu.region"() ({
        %run_scoped3A = tpu.sem_alloc : memref<!tpu.dma_semaphore, #tpu.memory_space<semaphore_mem>>
        %dma_start3A = tpu.memref_slice %arg2[%add3A_21] : memref<320000xi32, #tpu.memory_space<hbm>> -> memref<80xi32, #tpu.memory_space<hbm>>
        %dma_start3A_22 = tpu.memref_slice %arg2[%add3A_21] : memref<320000xi32, #tpu.memory_space<hbm>> -> memref<80xi32, #tpu.memory_space<hbm>>
        tpu.enqueue_dma source(%dma_start3A_22 : memref<80xi32, #tpu.memory_space<hbm>>) target(%arg8 : memref<80xi32, #tpu.memory_space<vmem>>) target_semaphore(%run_scoped3A : memref<!tpu.dma_semaphore, #tpu.memory_space<semaphore_mem>>)
        %dma_wait3A = tpu.memref_slice %arg2[%add3A_21] : memref<320000xi32, #tpu.memory_space<hbm>> -> memref<80xi32, #tpu.memory_space<hbm>>
        %dma_wait3A_23 = tpu.memref_slice %arg2[%add3A_21] : memref<320000xi32, #tpu.memory_space<hbm>> -> memref<80xi32, #tpu.memory_space<hbm>>
        tpu.wait_dma2 semaphore(%run_scoped3A : memref<!tpu.dma_semaphore, #tpu.memory_space<semaphore_mem>>) src(%dma_wait3A_23 : memref<80xi32, #tpu.memory_space<hbm>>) dst(%arg8 : memref<80xi32, #tpu.memory_space<vmem>>)
        tpu.yield
      }) : () -> ()
      "tpu.region"() ({
        %run_scoped3A = tpu.sem_alloc : memref<!tpu.dma_semaphore, #tpu.memory_space<semaphore_mem>>
        %dma_start3A = arith.constant 0 : i32
        %dma_start3A_22 = arith.constant 0 : i32
        %dma_start3A_23 = tpu.memref_slice %arg12[%dma_start3A, %dma_start3A_22] : memref<10240x128xf32, #tpu.memory_space<vmem_shared>> -> memref<10240x128xf32, #tpu.memory_space<vmem_shared>>
        tpu.enqueue_indirect_dma source(%arg10 : memref<80x128xf32, #tpu.memory_space<vmem>>) target(%dma_start3A_23 : memref<10240x128xf32, #tpu.memory_space<vmem_shared>>) offsets(%arg8 : memref<80xi32, #tpu.memory_space<vmem>>) semaphore(%run_scoped3A : memref<!tpu.dma_semaphore, #tpu.memory_space<semaphore_mem>>) {add = true}
        %dma_wait3A = arith.constant 0 : i32
        %dma_wait3A_24 = arith.constant 0 : i32
        %dma_wait3A_25 = tpu.memref_slice %arg12[%dma_wait3A, %dma_wait3A_24] : memref<10240x128xf32, #tpu.memory_space<vmem_shared>> -> memref<10240x128xf32, #tpu.memory_space<vmem_shared>>
        tpu.wait_indirect_dma semaphore(%run_scoped3A : memref<!tpu.dma_semaphore, #tpu.memory_space<semaphore_mem>>) src(%arg10 : memref<80x128xf32, #tpu.memory_space<vmem>>) dst(%dma_wait3A_25 : memref<10240x128xf32, #tpu.memory_space<vmem_shared>>)
        tpu.yield
      }) : () -> ()
      "tpu.region"() ({
        %run_scoped3A = tpu.sem_alloc : memref<!tpu.dma_semaphore, #tpu.memory_space<semaphore_mem>>
        %dma_start3A = tpu.memref_slice %arg3[%add3A_21] : memref<320000xi32, #tpu.memory_space<hbm>> -> memref<80xi32, #tpu.memory_space<hbm>>
        %dma_start3A_22 = tpu.memref_slice %arg3[%add3A_21] : memref<320000xi32, #tpu.memory_space<hbm>> -> memref<80xi32, #tpu.memory_space<hbm>>
        tpu.enqueue_dma source(%dma_start3A_22 : memref<80xi32, #tpu.memory_space<hbm>>) target(%arg9 : memref<80xi32, #tpu.memory_space<vmem>>) target_semaphore(%run_scoped3A : memref<!tpu.dma_semaphore, #tpu.memory_space<semaphore_mem>>)
        %dma_wait3A = tpu.memref_slice %arg3[%add3A_21] : memref<320000xi32, #tpu.memory_space<hbm>> -> memref<80xi32, #tpu.memory_space<hbm>>
        %dma_wait3A_23 = tpu.memref_slice %arg3[%add3A_21] : memref<320000xi32, #tpu.memory_space<hbm>> -> memref<80xi32, #tpu.memory_space<hbm>>
        tpu.wait_dma2 semaphore(%run_scoped3A : memref<!tpu.dma_semaphore, #tpu.memory_space<semaphore_mem>>) src(%dma_wait3A_23 : memref<80xi32, #tpu.memory_space<hbm>>) dst(%arg9 : memref<80xi32, #tpu.memory_space<vmem>>)
        tpu.yield
      }) : () -> ()
      "tpu.region"() ({
        %run_scoped3A = tpu.sem_alloc : memref<!tpu.dma_semaphore, #tpu.memory_space<semaphore_mem>>
        %dma_start3A = arith.constant 0 : i32
        %dma_start3A_22 = arith.constant 0 : i32
        %dma_start3A_23 = tpu.memref_slice %arg12[%dma_start3A, %dma_start3A_22] : memref<10240x128xf32, #tpu.memory_space<vmem_shared>> -> memref<10240x128xf32, #tpu.memory_space<vmem_shared>>
        tpu.enqueue_indirect_dma source(%arg11 : memref<80x128xf32, #tpu.memory_space<vmem>>) target(%dma_start3A_23 : memref<10240x128xf32, #tpu.memory_space<vmem_shared>>) offsets(%arg9 : memref<80xi32, #tpu.memory_space<vmem>>) semaphore(%run_scoped3A : memref<!tpu.dma_semaphore, #tpu.memory_space<semaphore_mem>>) {add = true}
        %dma_wait3A = arith.constant 0 : i32
        %dma_wait3A_24 = arith.constant 0 : i32
        %dma_wait3A_25 = tpu.memref_slice %arg12[%dma_wait3A, %dma_wait3A_24] : memref<10240x128xf32, #tpu.memory_space<vmem_shared>> -> memref<10240x128xf32, #tpu.memory_space<vmem_shared>>
        tpu.wait_indirect_dma semaphore(%run_scoped3A : memref<!tpu.dma_semaphore, #tpu.memory_space<semaphore_mem>>) src(%arg11 : memref<80x128xf32, #tpu.memory_space<vmem>>) dst(%dma_wait3A_25 : memref<10240x128xf32, #tpu.memory_space<vmem_shared>>)
        tpu.yield
      }) : () -> ()
    }
    %scan3A_7 = arith.constant 125 : i32
    %barrier3A_8 = arith.constant 0 : index
    tpu.barrier barrier_id(%barrier3A_8)
    %mul3A_9 = arith.constant 10240 : i32
    %mul3A_10 = arith.muli %arg0, %mul3A_9 : i32
    %mul3A_11 = arith.constant 640 : i32
    %mul3A_12 = arith.muli %arg1, %mul3A_11 : i32
    %add3A_13 = arith.addi %mul3A_10, %mul3A_12 : i32
    %mul3A_14 = arith.constant 640 : i32
    %mul3A_15 = arith.muli %arg1, %mul3A_14 : i32
    "tpu.region"() ({
      %run_scoped3A = tpu.sem_alloc : memref<!tpu.dma_semaphore, #tpu.memory_space<semaphore_mem>>
      %dma_start3A = arith.constant 0 : i32
      %dma_start3A_16 = tpu.memref_slice %arg7[%add3A_13, %dma_start3A] : memref<20480x128xf32, #tpu.memory_space<hbm>> -> memref<640x128xf32, #tpu.memory_space<hbm>>
      %dma_start3A_17 = arith.constant 0 : i32
      %dma_start3A_18 = tpu.memref_slice %arg12[%mul3A_15, %dma_start3A_17] : memref<10240x128xf32, #tpu.memory_space<vmem_shared>> -> memref<640x128xf32, #tpu.memory_space<vmem_shared>>
      tpu.enqueue_dma source(%dma_start3A_18 : memref<640x128xf32, #tpu.memory_space<vmem_shared>>) target(%dma_start3A_16 : memref<640x128xf32, #tpu.memory_space<hbm>>) target_semaphore(%run_scoped3A : memref<!tpu.dma_semaphore, #tpu.memory_space<semaphore_mem>>)
      %dma_wait3A = arith.constant 0 : i32
      %dma_wait3A_19 = tpu.memref_slice %arg7[%add3A_13, %dma_wait3A] : memref<20480x128xf32, #tpu.memory_space<hbm>> -> memref<640x128xf32, #tpu.memory_space<hbm>>
      %dma_wait3A_20 = arith.constant 0 : i32
      %dma_wait3A_21 = tpu.memref_slice %arg12[%mul3A_15, %dma_wait3A_20] : memref<10240x128xf32, #tpu.memory_space<vmem_shared>> -> memref<640x128xf32, #tpu.memory_space<vmem_shared>>
      tpu.wait_dma2 semaphore(%run_scoped3A : memref<!tpu.dma_semaphore, #tpu.memory_space<semaphore_mem>>) src(%dma_wait3A_21 : memref<640x128xf32, #tpu.memory_space<vmem_shared>>) dst(%dma_wait3A_19 : memref<640x128xf32, #tpu.memory_space<hbm>>)
      tpu.yield
    }) : () -> ()
    return
  }
}

#map = affine_map<(d0, d1) -> (0, 0)>
#map1 = affine_map<(d0, d1) -> (0)>
module attributes {stable_mosaic.version = 14 : i64} {
  func.func @_sc_segsum(%arg0: i32, %arg1: i32, %arg2: memref<10240x128xf32, #tpu.memory_space<hbm>>, %arg3: memref<320000xi32, #tpu.memory_space<hbm>>, %arg4: memref<320000xi32, #tpu.memory_space<hbm>>, %arg5: memref<10240x128xf32, #tpu.memory_space<hbm>>, %arg6: memref<20480x128xf32, #tpu.memory_space<hbm>>, %arg7: memref<80xi32, #tpu.memory_space<vmem>>, %arg8: memref<80xi32, #tpu.memory_space<vmem>>, %arg9: memref<80xi32, #tpu.memory_space<vmem>>, %arg10: memref<80xi32, #tpu.memory_space<vmem>>, %arg11: memref<80x128xf32, #tpu.memory_space<vmem>>, %arg12: memref<80x128xf32, #tpu.memory_space<vmem>>, %arg13: memref<!tpu.dma_semaphore, #tpu.memory_space<semaphore_mem>>, %arg14: memref<!tpu.dma_semaphore, #tpu.memory_space<semaphore_mem>>, %arg15: memref<10240x128xf32, #tpu.memory_space<vmem_shared>>) attributes {dimension_semantics = [#tpu.dimension_semantics<core_parallel>, #tpu.dimension_semantics<subcore_parallel>], iteration_bounds = array<i64: 2, 16>, scalar_prefetch = 0 : i64, scratch_operands = 9 : i64, tpu.core_type = #tpu.core_type<sc_vector_subcore>, window_params = [{transform_indices = #map}, {transform_indices = #map1}, {transform_indices = #map1}, {transform_indices = #map}, {transform_indices = #map}]} {
    %mul3A = arith.constant 2 : i32
    %mul3A_0 = arith.muli %arg1, %mul3A : i32
    %add3A = arith.addi %mul3A_0, %arg0 : i32
    %mul3A_1 = arith.constant 640 : i32
    %mul3A_2 = arith.muli %arg1, %mul3A_1 : i32
    %mul3A_3 = arith.constant 640 : i32
    %mul3A_4 = arith.muli %arg1, %mul3A_3 : i32
    "tpu.region"() ({
      %run_scoped3A = tpu.sem_alloc : memref<!tpu.dma_semaphore, #tpu.memory_space<semaphore_mem>>
      %dma_start3A = arith.constant 0 : i32
      %dma_start3A_20 = tpu.memref_slice %arg15[%mul3A_4, %dma_start3A] : memref<10240x128xf32, #tpu.memory_space<vmem_shared>> -> memref<640x128xf32, #tpu.memory_space<vmem_shared>>
      %dma_start3A_21 = arith.constant 0 : i32
      %dma_start3A_22 = tpu.memref_slice %arg5[%mul3A_2, %dma_start3A_21] : memref<10240x128xf32, #tpu.memory_space<hbm>> -> memref<640x128xf32, #tpu.memory_space<hbm>>
      tpu.enqueue_dma source(%dma_start3A_22 : memref<640x128xf32, #tpu.memory_space<hbm>>) target(%dma_start3A_20 : memref<640x128xf32, #tpu.memory_space<vmem_shared>>) target_semaphore(%run_scoped3A : memref<!tpu.dma_semaphore, #tpu.memory_space<semaphore_mem>>)
      %dma_wait3A = arith.constant 0 : i32
      %dma_wait3A_23 = tpu.memref_slice %arg15[%mul3A_4, %dma_wait3A] : memref<10240x128xf32, #tpu.memory_space<vmem_shared>> -> memref<640x128xf32, #tpu.memory_space<vmem_shared>>
      %dma_wait3A_24 = arith.constant 0 : i32
      %dma_wait3A_25 = tpu.memref_slice %arg5[%mul3A_2, %dma_wait3A_24] : memref<10240x128xf32, #tpu.memory_space<hbm>> -> memref<640x128xf32, #tpu.memory_space<hbm>>
      tpu.wait_dma2 semaphore(%run_scoped3A : memref<!tpu.dma_semaphore, #tpu.memory_space<semaphore_mem>>) src(%dma_wait3A_25 : memref<640x128xf32, #tpu.memory_space<hbm>>) dst(%dma_wait3A_23 : memref<640x128xf32, #tpu.memory_space<vmem_shared>>)
      tpu.yield
    }) : () -> ()
    %mul3A_5 = arith.constant 10000 : i32
    %mul3A_6 = arith.muli %add3A, %mul3A_5 : i32
    %barrier3A = arith.constant 0 : index
    tpu.barrier barrier_id(%barrier3A)
    %scan3A = arith.constant 0 : i32
    %scan3A_7 = arith.constant 0 : i32
    %scan3A_8 = arith.constant 25 : i32
    %scan3A_9 = arith.addi %scan3A_7, %scan3A_8 : i32
    %scan3A_10 = arith.constant 1 : i32
    scf.for %scan3A_20 = %scan3A_7 to %scan3A_9 step %scan3A_10  : i32 {
      %mul3A_21 = arith.constant 5 : i32
      %mul3A_22 = arith.muli %scan3A_20, %mul3A_21 : i32
      %mul3A_23 = arith.constant 80 : i32
      %mul3A_24 = arith.muli %mul3A_22, %mul3A_23 : i32
      %add3A_25 = arith.addi %mul3A_6, %mul3A_24 : i32
      "tpu.region"() ({
        %run_scoped3A = tpu.sem_alloc : memref<!tpu.dma_semaphore, #tpu.memory_space<semaphore_mem>>
        %dma_start3A_82 = tpu.memref_slice %arg3[%add3A_25] : memref<320000xi32, #tpu.memory_space<hbm>> -> memref<80xi32, #tpu.memory_space<hbm>>
        %dma_start3A_83 = tpu.memref_slice %arg3[%add3A_25] : memref<320000xi32, #tpu.memory_space<hbm>> -> memref<80xi32, #tpu.memory_space<hbm>>
        tpu.enqueue_dma source(%dma_start3A_83 : memref<80xi32, #tpu.memory_space<hbm>>) target(%arg7 : memref<80xi32, #tpu.memory_space<vmem>>) target_semaphore(%run_scoped3A : memref<!tpu.dma_semaphore, #tpu.memory_space<semaphore_mem>>)
        %dma_wait3A_84 = tpu.memref_slice %arg3[%add3A_25] : memref<320000xi32, #tpu.memory_space<hbm>> -> memref<80xi32, #tpu.memory_space<hbm>>
        %dma_wait3A_85 = tpu.memref_slice %arg3[%add3A_25] : memref<320000xi32, #tpu.memory_space<hbm>> -> memref<80xi32, #tpu.memory_space<hbm>>
        tpu.wait_dma2 semaphore(%run_scoped3A : memref<!tpu.dma_semaphore, #tpu.memory_space<semaphore_mem>>) src(%dma_wait3A_85 : memref<80xi32, #tpu.memory_space<hbm>>) dst(%arg7 : memref<80xi32, #tpu.memory_space<vmem>>)
        tpu.yield
      }) : () -> ()
      "tpu.region"() ({
        %run_scoped3A = tpu.sem_alloc : memref<!tpu.dma_semaphore, #tpu.memory_space<semaphore_mem>>
        %dma_start3A_82 = tpu.memref_slice %arg4[%add3A_25] : memref<320000xi32, #tpu.memory_space<hbm>> -> memref<80xi32, #tpu.memory_space<hbm>>
        %dma_start3A_83 = tpu.memref_slice %arg4[%add3A_25] : memref<320000xi32, #tpu.memory_space<hbm>> -> memref<80xi32, #tpu.memory_space<hbm>>
        tpu.enqueue_dma source(%dma_start3A_83 : memref<80xi32, #tpu.memory_space<hbm>>) target(%arg8 : memref<80xi32, #tpu.memory_space<vmem>>) target_semaphore(%run_scoped3A : memref<!tpu.dma_semaphore, #tpu.memory_space<semaphore_mem>>)
        %dma_wait3A_84 = tpu.memref_slice %arg4[%add3A_25] : memref<320000xi32, #tpu.memory_space<hbm>> -> memref<80xi32, #tpu.memory_space<hbm>>
        %dma_wait3A_85 = tpu.memref_slice %arg4[%add3A_25] : memref<320000xi32, #tpu.memory_space<hbm>> -> memref<80xi32, #tpu.memory_space<hbm>>
        tpu.wait_dma2 semaphore(%run_scoped3A : memref<!tpu.dma_semaphore, #tpu.memory_space<semaphore_mem>>) src(%dma_wait3A_85 : memref<80xi32, #tpu.memory_space<hbm>>) dst(%arg8 : memref<80xi32, #tpu.memory_space<vmem>>)
        tpu.yield
      }) : () -> ()
      %dma_start3A = arith.constant 0 : i32
      %dma_start3A_26 = arith.constant 0 : i32
      %dma_start3A_27 = tpu.memref_slice %arg2[%dma_start3A, %dma_start3A_26] : memref<10240x128xf32, #tpu.memory_space<hbm>> -> memref<10240x128xf32, #tpu.memory_space<hbm>>
      tpu.enqueue_indirect_dma source(%dma_start3A_27 : memref<10240x128xf32, #tpu.memory_space<hbm>>) target(%arg11 : memref<80x128xf32, #tpu.memory_space<vmem>>) offsets(%arg7 : memref<80xi32, #tpu.memory_space<vmem>>) semaphore(%arg13 : memref<!tpu.dma_semaphore, #tpu.memory_space<semaphore_mem>>)
      %mul3A_28 = arith.constant 5 : i32
      %mul3A_29 = arith.muli %scan3A_20, %mul3A_28 : i32
      %add3A_30 = arith.constant 1 : i32
      %add3A_31 = arith.addi %mul3A_29, %add3A_30 : i32
      %mul3A_32 = arith.constant 80 : i32
      %mul3A_33 = arith.muli %add3A_31, %mul3A_32 : i32
      %add3A_34 = arith.addi %mul3A_6, %mul3A_33 : i32
      "tpu.region"() ({
        %run_scoped3A = tpu.sem_alloc : memref<!tpu.dma_semaphore, #tpu.memory_space<semaphore_mem>>
        %dma_start3A_82 = tpu.memref_slice %arg3[%add3A_34] : memref<320000xi32, #tpu.memory_space<hbm>> -> memref<80xi32, #tpu.memory_space<hbm>>
        %dma_start3A_83 = tpu.memref_slice %arg3[%add3A_34] : memref<320000xi32, #tpu.memory_space<hbm>> -> memref<80xi32, #tpu.memory_space<hbm>>
        tpu.enqueue_dma source(%dma_start3A_83 : memref<80xi32, #tpu.memory_space<hbm>>) target(%arg9 : memref<80xi32, #tpu.memory_space<vmem>>) target_semaphore(%run_scoped3A : memref<!tpu.dma_semaphore, #tpu.memory_space<semaphore_mem>>)
        %dma_wait3A_84 = tpu.memref_slice %arg3[%add3A_34] : memref<320000xi32, #tpu.memory_space<hbm>> -> memref<80xi32, #tpu.memory_space<hbm>>
        %dma_wait3A_85 = tpu.memref_slice %arg3[%add3A_34] : memref<320000xi32, #tpu.memory_space<hbm>> -> memref<80xi32, #tpu.memory_space<hbm>>
        tpu.wait_dma2 semaphore(%run_scoped3A : memref<!tpu.dma_semaphore, #tpu.memory_space<semaphore_mem>>) src(%dma_wait3A_85 : memref<80xi32, #tpu.memory_space<hbm>>) dst(%arg9 : memref<80xi32, #tpu.memory_space<vmem>>)
        tpu.yield
      }) : () -> ()
      "tpu.region"() ({
        %run_scoped3A = tpu.sem_alloc : memref<!tpu.dma_semaphore, #tpu.memory_space<semaphore_mem>>
        %dma_start3A_82 = tpu.memref_slice %arg4[%add3A_34] : memref<320000xi32, #tpu.memory_space<hbm>> -> memref<80xi32, #tpu.memory_space<hbm>>
        %dma_start3A_83 = tpu.memref_slice %arg4[%add3A_34] : memref<320000xi32, #tpu.memory_space<hbm>> -> memref<80xi32, #tpu.memory_space<hbm>>
        tpu.enqueue_dma source(%dma_start3A_83 : memref<80xi32, #tpu.memory_space<hbm>>) target(%arg10 : memref<80xi32, #tpu.memory_space<vmem>>) target_semaphore(%run_scoped3A : memref<!tpu.dma_semaphore, #tpu.memory_space<semaphore_mem>>)
        %dma_wait3A_84 = tpu.memref_slice %arg4[%add3A_34] : memref<320000xi32, #tpu.memory_space<hbm>> -> memref<80xi32, #tpu.memory_space<hbm>>
        %dma_wait3A_85 = tpu.memref_slice %arg4[%add3A_34] : memref<320000xi32, #tpu.memory_space<hbm>> -> memref<80xi32, #tpu.memory_space<hbm>>
        tpu.wait_dma2 semaphore(%run_scoped3A : memref<!tpu.dma_semaphore, #tpu.memory_space<semaphore_mem>>) src(%dma_wait3A_85 : memref<80xi32, #tpu.memory_space<hbm>>) dst(%arg10 : memref<80xi32, #tpu.memory_space<vmem>>)
        tpu.yield
      }) : () -> ()
      %dma_start3A_35 = arith.constant 0 : i32
      %dma_start3A_36 = arith.constant 0 : i32
      %dma_start3A_37 = tpu.memref_slice %arg2[%dma_start3A_35, %dma_start3A_36] : memref<10240x128xf32, #tpu.memory_space<hbm>> -> memref<10240x128xf32, #tpu.memory_space<hbm>>
      tpu.enqueue_indirect_dma source(%dma_start3A_37 : memref<10240x128xf32, #tpu.memory_space<hbm>>) target(%arg12 : memref<80x128xf32, #tpu.memory_space<vmem>>) offsets(%arg9 : memref<80xi32, #tpu.memory_space<vmem>>) semaphore(%arg14 : memref<!tpu.dma_semaphore, #tpu.memory_space<semaphore_mem>>)
      %dma_wait3A = arith.constant 0 : i32
      %dma_wait3A_38 = arith.constant 0 : i32
      %dma_wait3A_39 = tpu.memref_slice %arg2[%dma_wait3A, %dma_wait3A_38] : memref<10240x128xf32, #tpu.memory_space<hbm>> -> memref<10240x128xf32, #tpu.memory_space<hbm>>
      tpu.wait_indirect_dma semaphore(%arg13 : memref<!tpu.dma_semaphore, #tpu.memory_space<semaphore_mem>>) src(%dma_wait3A_39 : memref<10240x128xf32, #tpu.memory_space<hbm>>) dst(%arg11 : memref<80x128xf32, #tpu.memory_space<vmem>>)
      "tpu.region"() ({
        %run_scoped3A = tpu.sem_alloc : memref<!tpu.dma_semaphore, #tpu.memory_space<semaphore_mem>>
        %dma_start3A_82 = arith.constant 0 : i32
        %dma_start3A_83 = arith.constant 0 : i32
        %dma_start3A_84 = tpu.memref_slice %arg15[%dma_start3A_82, %dma_start3A_83] : memref<10240x128xf32, #tpu.memory_space<vmem_shared>> -> memref<10240x128xf32, #tpu.memory_space<vmem_shared>>
        tpu.enqueue_indirect_dma source(%arg11 : memref<80x128xf32, #tpu.memory_space<vmem>>) target(%dma_start3A_84 : memref<10240x128xf32, #tpu.memory_space<vmem_shared>>) offsets(%arg8 : memref<80xi32, #tpu.memory_space<vmem>>) semaphore(%run_scoped3A : memref<!tpu.dma_semaphore, #tpu.memory_space<semaphore_mem>>) {add = true}
        %dma_wait3A_85 = arith.constant 0 : i32
        %dma_wait3A_86 = arith.constant 0 : i32
        %dma_wait3A_87 = tpu.memref_slice %arg15[%dma_wait3A_85, %dma_wait3A_86] : memref<10240x128xf32, #tpu.memory_space<vmem_shared>> -> memref<10240x128xf32, #tpu.memory_space<vmem_shared>>
        tpu.wait_indirect_dma semaphore(%run_scoped3A : memref<!tpu.dma_semaphore, #tpu.memory_space<semaphore_mem>>) src(%arg11 : memref<80x128xf32, #tpu.memory_space<vmem>>) dst(%dma_wait3A_87 : memref<10240x128xf32, #tpu.memory_space<vmem_shared>>)
        tpu.yield
      }) : () -> ()
      %mul3A_40 = arith.constant 5 : i32
      %mul3A_41 = arith.muli %scan3A_20, %mul3A_40 : i32
      %add3A_42 = arith.constant 2 : i32
      %add3A_43 = arith.addi %mul3A_41, %add3A_42 : i32
      %mul3A_44 = arith.constant 80 : i32
      %mul3A_45 = arith.muli %add3A_43, %mul3A_44 : i32
      %add3A_46 = arith.addi %mul3A_6, %mul3A_45 : i32
      "tpu.region"() ({
        %run_scoped3A = tpu.sem_alloc : memref<!tpu.dma_semaphore, #tpu.memory_space<semaphore_mem>>
        %dma_start3A_82 = tpu.memref_slice %arg3[%add3A_46] : memref<320000xi32, #tpu.memory_space<hbm>> -> memref<80xi32, #tpu.memory_space<hbm>>
        %dma_start3A_83 = tpu.memref_slice %arg3[%add3A_46] : memref<320000xi32, #tpu.memory_space<hbm>> -> memref<80xi32, #tpu.memory_space<hbm>>
        tpu.enqueue_dma source(%dma_start3A_83 : memref<80xi32, #tpu.memory_space<hbm>>) target(%arg7 : memref<80xi32, #tpu.memory_space<vmem>>) target_semaphore(%run_scoped3A : memref<!tpu.dma_semaphore, #tpu.memory_space<semaphore_mem>>)
        %dma_wait3A_84 = tpu.memref_slice %arg3[%add3A_46] : memref<320000xi32, #tpu.memory_space<hbm>> -> memref<80xi32, #tpu.memory_space<hbm>>
        %dma_wait3A_85 = tpu.memref_slice %arg3[%add3A_46] : memref<320000xi32, #tpu.memory_space<hbm>> -> memref<80xi32, #tpu.memory_space<hbm>>
        tpu.wait_dma2 semaphore(%run_scoped3A : memref<!tpu.dma_semaphore, #tpu.memory_space<semaphore_mem>>) src(%dma_wait3A_85 : memref<80xi32, #tpu.memory_space<hbm>>) dst(%arg7 : memref<80xi32, #tpu.memory_space<vmem>>)
        tpu.yield
      }) : () -> ()
      "tpu.region"() ({
        %run_scoped3A = tpu.sem_alloc : memref<!tpu.dma_semaphore, #tpu.memory_space<semaphore_mem>>
        %dma_start3A_82 = tpu.memref_slice %arg4[%add3A_46] : memref<320000xi32, #tpu.memory_space<hbm>> -> memref<80xi32, #tpu.memory_space<hbm>>
        %dma_start3A_83 = tpu.memref_slice %arg4[%add3A_46] : memref<320000xi32, #tpu.memory_space<hbm>> -> memref<80xi32, #tpu.memory_space<hbm>>
        tpu.enqueue_dma source(%dma_start3A_83 : memref<80xi32, #tpu.memory_space<hbm>>) target(%arg8 : memref<80xi32, #tpu.memory_space<vmem>>) target_semaphore(%run_scoped3A : memref<!tpu.dma_semaphore, #tpu.memory_space<semaphore_mem>>)
        %dma_wait3A_84 = tpu.memref_slice %arg4[%add3A_46] : memref<320000xi32, #tpu.memory_space<hbm>> -> memref<80xi32, #tpu.memory_space<hbm>>
        %dma_wait3A_85 = tpu.memref_slice %arg4[%add3A_46] : memref<320000xi32, #tpu.memory_space<hbm>> -> memref<80xi32, #tpu.memory_space<hbm>>
        tpu.wait_dma2 semaphore(%run_scoped3A : memref<!tpu.dma_semaphore, #tpu.memory_space<semaphore_mem>>) src(%dma_wait3A_85 : memref<80xi32, #tpu.memory_space<hbm>>) dst(%arg8 : memref<80xi32, #tpu.memory_space<vmem>>)
        tpu.yield
      }) : () -> ()
      %dma_start3A_47 = arith.constant 0 : i32
      %dma_start3A_48 = arith.constant 0 : i32
      %dma_start3A_49 = tpu.memref_slice %arg2[%dma_start3A_47, %dma_start3A_48] : memref<10240x128xf32, #tpu.memory_space<hbm>> -> memref<10240x128xf32, #tpu.memory_space<hbm>>
      tpu.enqueue_indirect_dma source(%dma_start3A_49 : memref<10240x128xf32, #tpu.memory_space<hbm>>) target(%arg11 : memref<80x128xf32, #tpu.memory_space<vmem>>) offsets(%arg7 : memref<80xi32, #tpu.memory_space<vmem>>) semaphore(%arg13 : memref<!tpu.dma_semaphore, #tpu.memory_space<semaphore_mem>>)
      %dma_wait3A_50 = arith.constant 0 : i32
      %dma_wait3A_51 = arith.constant 0 : i32
      %dma_wait3A_52 = tpu.memref_slice %arg2[%dma_wait3A_50, %dma_wait3A_51] : memref<10240x128xf32, #tpu.memory_space<hbm>> -> memref<10240x128xf32, #tpu.memory_space<hbm>>
      tpu.wait_indirect_dma semaphore(%arg14 : memref<!tpu.dma_semaphore, #tpu.memory_space<semaphore_mem>>) src(%dma_wait3A_52 : memref<10240x128xf32, #tpu.memory_space<hbm>>) dst(%arg12 : memref<80x128xf32, #tpu.memory_space<vmem>>)
      "tpu.region"() ({
        %run_scoped3A = tpu.sem_alloc : memref<!tpu.dma_semaphore, #tpu.memory_space<semaphore_mem>>
        %dma_start3A_82 = arith.constant 0 : i32
        %dma_start3A_83 = arith.constant 0 : i32
        %dma_start3A_84 = tpu.memref_slice %arg15[%dma_start3A_82, %dma_start3A_83] : memref<10240x128xf32, #tpu.memory_space<vmem_shared>> -> memref<10240x128xf32, #tpu.memory_space<vmem_shared>>
        tpu.enqueue_indirect_dma source(%arg12 : memref<80x128xf32, #tpu.memory_space<vmem>>) target(%dma_start3A_84 : memref<10240x128xf32, #tpu.memory_space<vmem_shared>>) offsets(%arg10 : memref<80xi32, #tpu.memory_space<vmem>>) semaphore(%run_scoped3A : memref<!tpu.dma_semaphore, #tpu.memory_space<semaphore_mem>>) {add = true}
        %dma_wait3A_85 = arith.constant 0 : i32
        %dma_wait3A_86 = arith.constant 0 : i32
        %dma_wait3A_87 = tpu.memref_slice %arg15[%dma_wait3A_85, %dma_wait3A_86] : memref<10240x128xf32, #tpu.memory_space<vmem_shared>> -> memref<10240x128xf32, #tpu.memory_space<vmem_shared>>
        tpu.wait_indirect_dma semaphore(%run_scoped3A : memref<!tpu.dma_semaphore, #tpu.memory_space<semaphore_mem>>) src(%arg12 : memref<80x128xf32, #tpu.memory_space<vmem>>) dst(%dma_wait3A_87 : memref<10240x128xf32, #tpu.memory_space<vmem_shared>>)
        tpu.yield
      }) : () -> ()
      %mul3A_53 = arith.constant 5 : i32
      %mul3A_54 = arith.muli %scan3A_20, %mul3A_53 : i32
      %add3A_55 = arith.constant 3 : i32
      %add3A_56 = arith.addi %mul3A_54, %add3A_55 : i32
      %mul3A_57 = arith.constant 80 : i32
      %mul3A_58 = arith.muli %add3A_56, %mul3A_57 : i32
      %add3A_59 = arith.addi %mul3A_6, %mul3A_58 : i32
      "tpu.region"() ({
        %run_scoped3A = tpu.sem_alloc : memref<!tpu.dma_semaphore, #tpu.memory_space<semaphore_mem>>
        %dma_start3A_82 = tpu.memref_slice %arg3[%add3A_59] : memref<320000xi32, #tpu.memory_space<hbm>> -> memref<80xi32, #tpu.memory_space<hbm>>
        %dma_start3A_83 = tpu.memref_slice %arg3[%add3A_59] : memref<320000xi32, #tpu.memory_space<hbm>> -> memref<80xi32, #tpu.memory_space<hbm>>
        tpu.enqueue_dma source(%dma_start3A_83 : memref<80xi32, #tpu.memory_space<hbm>>) target(%arg9 : memref<80xi32, #tpu.memory_space<vmem>>) target_semaphore(%run_scoped3A : memref<!tpu.dma_semaphore, #tpu.memory_space<semaphore_mem>>)
        %dma_wait3A_84 = tpu.memref_slice %arg3[%add3A_59] : memref<320000xi32, #tpu.memory_space<hbm>> -> memref<80xi32, #tpu.memory_space<hbm>>
        %dma_wait3A_85 = tpu.memref_slice %arg3[%add3A_59] : memref<320000xi32, #tpu.memory_space<hbm>> -> memref<80xi32, #tpu.memory_space<hbm>>
        tpu.wait_dma2 semaphore(%run_scoped3A : memref<!tpu.dma_semaphore, #tpu.memory_space<semaphore_mem>>) src(%dma_wait3A_85 : memref<80xi32, #tpu.memory_space<hbm>>) dst(%arg9 : memref<80xi32, #tpu.memory_space<vmem>>)
        tpu.yield
      }) : () -> ()
      "tpu.region"() ({
        %run_scoped3A = tpu.sem_alloc : memref<!tpu.dma_semaphore, #tpu.memory_space<semaphore_mem>>
        %dma_start3A_82 = tpu.memref_slice %arg4[%add3A_59] : memref<320000xi32, #tpu.memory_space<hbm>> -> memref<80xi32, #tpu.memory_space<hbm>>
        %dma_start3A_83 = tpu.memref_slice %arg4[%add3A_59] : memref<320000xi32, #tpu.memory_space<hbm>> -> memref<80xi32, #tpu.memory_space<hbm>>
        tpu.enqueue_dma source(%dma_start3A_83 : memref<80xi32, #tpu.memory_space<hbm>>) target(%arg10 : memref<80xi32, #tpu.memory_space<vmem>>) target_semaphore(%run_scoped3A : memref<!tpu.dma_semaphore, #tpu.memory_space<semaphore_mem>>)
        %dma_wait3A_84 = tpu.memref_slice %arg4[%add3A_59] : memref<320000xi32, #tpu.memory_space<hbm>> -> memref<80xi32, #tpu.memory_space<hbm>>
        %dma_wait3A_85 = tpu.memref_slice %arg4[%add3A_59] : memref<320000xi32, #tpu.memory_space<hbm>> -> memref<80xi32, #tpu.memory_space<hbm>>
        tpu.wait_dma2 semaphore(%run_scoped3A : memref<!tpu.dma_semaphore, #tpu.memory_space<semaphore_mem>>) src(%dma_wait3A_85 : memref<80xi32, #tpu.memory_space<hbm>>) dst(%arg10 : memref<80xi32, #tpu.memory_space<vmem>>)
        tpu.yield
      }) : () -> ()
      %dma_start3A_60 = arith.constant 0 : i32
      %dma_start3A_61 = arith.constant 0 : i32
      %dma_start3A_62 = tpu.memref_slice %arg2[%dma_start3A_60, %dma_start3A_61] : memref<10240x128xf32, #tpu.memory_space<hbm>> -> memref<10240x128xf32, #tpu.memory_space<hbm>>
      tpu.enqueue_indirect_dma source(%dma_start3A_62 : memref<10240x128xf32, #tpu.memory_space<hbm>>) target(%arg12 : memref<80x128xf32, #tpu.memory_space<vmem>>) offsets(%arg9 : memref<80xi32, #tpu.memory_space<vmem>>) semaphore(%arg14 : memref<!tpu.dma_semaphore, #tpu.memory_space<semaphore_mem>>)
      %dma_wait3A_63 = arith.constant 0 : i32
      %dma_wait3A_64 = arith.constant 0 : i32
      %dma_wait3A_65 = tpu.memref_slice %arg2[%dma_wait3A_63, %dma_wait3A_64] : memref<10240x128xf32, #tpu.memory_space<hbm>> -> memref<10240x128xf32, #tpu.memory_space<hbm>>
      tpu.wait_indirect_dma semaphore(%arg13 : memref<!tpu.dma_semaphore, #tpu.memory_space<semaphore_mem>>) src(%dma_wait3A_65 : memref<10240x128xf32, #tpu.memory_space<hbm>>) dst(%arg11 : memref<80x128xf32, #tpu.memory_space<vmem>>)
      "tpu.region"() ({
        %run_scoped3A = tpu.sem_alloc : memref<!tpu.dma_semaphore, #tpu.memory_space<semaphore_mem>>
        %dma_start3A_82 = arith.constant 0 : i32
        %dma_start3A_83 = arith.constant 0 : i32
        %dma_start3A_84 = tpu.memref_slice %arg15[%dma_start3A_82, %dma_start3A_83] : memref<10240x128xf32, #tpu.memory_space<vmem_shared>> -> memref<10240x128xf32, #tpu.memory_space<vmem_shared>>
        tpu.enqueue_indirect_dma source(%arg11 : memref<80x128xf32, #tpu.memory_space<vmem>>) target(%dma_start3A_84 : memref<10240x128xf32, #tpu.memory_space<vmem_shared>>) offsets(%arg8 : memref<80xi32, #tpu.memory_space<vmem>>) semaphore(%run_scoped3A : memref<!tpu.dma_semaphore, #tpu.memory_space<semaphore_mem>>) {add = true}
        %dma_wait3A_85 = arith.constant 0 : i32
        %dma_wait3A_86 = arith.constant 0 : i32
        %dma_wait3A_87 = tpu.memref_slice %arg15[%dma_wait3A_85, %dma_wait3A_86] : memref<10240x128xf32, #tpu.memory_space<vmem_shared>> -> memref<10240x128xf32, #tpu.memory_space<vmem_shared>>
        tpu.wait_indirect_dma semaphore(%run_scoped3A : memref<!tpu.dma_semaphore, #tpu.memory_space<semaphore_mem>>) src(%arg11 : memref<80x128xf32, #tpu.memory_space<vmem>>) dst(%dma_wait3A_87 : memref<10240x128xf32, #tpu.memory_space<vmem_shared>>)
        tpu.yield
      }) : () -> ()
      %mul3A_66 = arith.constant 5 : i32
      %mul3A_67 = arith.muli %scan3A_20, %mul3A_66 : i32
      %add3A_68 = arith.constant 4 : i32
      %add3A_69 = arith.addi %mul3A_67, %add3A_68 : i32
      %mul3A_70 = arith.constant 80 : i32
      %mul3A_71 = arith.muli %add3A_69, %mul3A_70 : i32
      %add3A_72 = arith.addi %mul3A_6, %mul3A_71 : i32
      "tpu.region"() ({
        %run_scoped3A = tpu.sem_alloc : memref<!tpu.dma_semaphore, #tpu.memory_space<semaphore_mem>>
        %dma_start3A_82 = tpu.memref_slice %arg3[%add3A_72] : memref<320000xi32, #tpu.memory_space<hbm>> -> memref<80xi32, #tpu.memory_space<hbm>>
        %dma_start3A_83 = tpu.memref_slice %arg3[%add3A_72] : memref<320000xi32, #tpu.memory_space<hbm>> -> memref<80xi32, #tpu.memory_space<hbm>>
        tpu.enqueue_dma source(%dma_start3A_83 : memref<80xi32, #tpu.memory_space<hbm>>) target(%arg7 : memref<80xi32, #tpu.memory_space<vmem>>) target_semaphore(%run_scoped3A : memref<!tpu.dma_semaphore, #tpu.memory_space<semaphore_mem>>)
        %dma_wait3A_84 = tpu.memref_slice %arg3[%add3A_72] : memref<320000xi32, #tpu.memory_space<hbm>> -> memref<80xi32, #tpu.memory_space<hbm>>
        %dma_wait3A_85 = tpu.memref_slice %arg3[%add3A_72] : memref<320000xi32, #tpu.memory_space<hbm>> -> memref<80xi32, #tpu.memory_space<hbm>>
        tpu.wait_dma2 semaphore(%run_scoped3A : memref<!tpu.dma_semaphore, #tpu.memory_space<semaphore_mem>>) src(%dma_wait3A_85 : memref<80xi32, #tpu.memory_space<hbm>>) dst(%arg7 : memref<80xi32, #tpu.memory_space<vmem>>)
        tpu.yield
      }) : () -> ()
      "tpu.region"() ({
        %run_scoped3A = tpu.sem_alloc : memref<!tpu.dma_semaphore, #tpu.memory_space<semaphore_mem>>
        %dma_start3A_82 = tpu.memref_slice %arg4[%add3A_72] : memref<320000xi32, #tpu.memory_space<hbm>> -> memref<80xi32, #tpu.memory_space<hbm>>
        %dma_start3A_83 = tpu.memref_slice %arg4[%add3A_72] : memref<320000xi32, #tpu.memory_space<hbm>> -> memref<80xi32, #tpu.memory_space<hbm>>
        tpu.enqueue_dma source(%dma_start3A_83 : memref<80xi32, #tpu.memory_space<hbm>>) target(%arg8 : memref<80xi32, #tpu.memory_space<vmem>>) target_semaphore(%run_scoped3A : memref<!tpu.dma_semaphore, #tpu.memory_space<semaphore_mem>>)
        %dma_wait3A_84 = tpu.memref_slice %arg4[%add3A_72] : memref<320000xi32, #tpu.memory_space<hbm>> -> memref<80xi32, #tpu.memory_space<hbm>>
        %dma_wait3A_85 = tpu.memref_slice %arg4[%add3A_72] : memref<320000xi32, #tpu.memory_space<hbm>> -> memref<80xi32, #tpu.memory_space<hbm>>
        tpu.wait_dma2 semaphore(%run_scoped3A : memref<!tpu.dma_semaphore, #tpu.memory_space<semaphore_mem>>) src(%dma_wait3A_85 : memref<80xi32, #tpu.memory_space<hbm>>) dst(%arg8 : memref<80xi32, #tpu.memory_space<vmem>>)
        tpu.yield
      }) : () -> ()
      %dma_start3A_73 = arith.constant 0 : i32
      %dma_start3A_74 = arith.constant 0 : i32
      %dma_start3A_75 = tpu.memref_slice %arg2[%dma_start3A_73, %dma_start3A_74] : memref<10240x128xf32, #tpu.memory_space<hbm>> -> memref<10240x128xf32, #tpu.memory_space<hbm>>
      tpu.enqueue_indirect_dma source(%dma_start3A_75 : memref<10240x128xf32, #tpu.memory_space<hbm>>) target(%arg11 : memref<80x128xf32, #tpu.memory_space<vmem>>) offsets(%arg7 : memref<80xi32, #tpu.memory_space<vmem>>) semaphore(%arg13 : memref<!tpu.dma_semaphore, #tpu.memory_space<semaphore_mem>>)
      %dma_wait3A_76 = arith.constant 0 : i32
      %dma_wait3A_77 = arith.constant 0 : i32
      %dma_wait3A_78 = tpu.memref_slice %arg2[%dma_wait3A_76, %dma_wait3A_77] : memref<10240x128xf32, #tpu.memory_space<hbm>> -> memref<10240x128xf32, #tpu.memory_space<hbm>>
      tpu.wait_indirect_dma semaphore(%arg14 : memref<!tpu.dma_semaphore, #tpu.memory_space<semaphore_mem>>) src(%dma_wait3A_78 : memref<10240x128xf32, #tpu.memory_space<hbm>>) dst(%arg12 : memref<80x128xf32, #tpu.memory_space<vmem>>)
      "tpu.region"() ({
        %run_scoped3A = tpu.sem_alloc : memref<!tpu.dma_semaphore, #tpu.memory_space<semaphore_mem>>
        %dma_start3A_82 = arith.constant 0 : i32
        %dma_start3A_83 = arith.constant 0 : i32
        %dma_start3A_84 = tpu.memref_slice %arg15[%dma_start3A_82, %dma_start3A_83] : memref<10240x128xf32, #tpu.memory_space<vmem_shared>> -> memref<10240x128xf32, #tpu.memory_space<vmem_shared>>
        tpu.enqueue_indirect_dma source(%arg12 : memref<80x128xf32, #tpu.memory_space<vmem>>) target(%dma_start3A_84 : memref<10240x128xf32, #tpu.memory_space<vmem_shared>>) offsets(%arg10 : memref<80xi32, #tpu.memory_space<vmem>>) semaphore(%run_scoped3A : memref<!tpu.dma_semaphore, #tpu.memory_space<semaphore_mem>>) {add = true}
        %dma_wait3A_85 = arith.constant 0 : i32
        %dma_wait3A_86 = arith.constant 0 : i32
        %dma_wait3A_87 = tpu.memref_slice %arg15[%dma_wait3A_85, %dma_wait3A_86] : memref<10240x128xf32, #tpu.memory_space<vmem_shared>> -> memref<10240x128xf32, #tpu.memory_space<vmem_shared>>
        tpu.wait_indirect_dma semaphore(%run_scoped3A : memref<!tpu.dma_semaphore, #tpu.memory_space<semaphore_mem>>) src(%arg12 : memref<80x128xf32, #tpu.memory_space<vmem>>) dst(%dma_wait3A_87 : memref<10240x128xf32, #tpu.memory_space<vmem_shared>>)
        tpu.yield
      }) : () -> ()
      %dma_wait3A_79 = arith.constant 0 : i32
      %dma_wait3A_80 = arith.constant 0 : i32
      %dma_wait3A_81 = tpu.memref_slice %arg2[%dma_wait3A_79, %dma_wait3A_80] : memref<10240x128xf32, #tpu.memory_space<hbm>> -> memref<10240x128xf32, #tpu.memory_space<hbm>>
      tpu.wait_indirect_dma semaphore(%arg13 : memref<!tpu.dma_semaphore, #tpu.memory_space<semaphore_mem>>) src(%dma_wait3A_81 : memref<10240x128xf32, #tpu.memory_space<hbm>>) dst(%arg11 : memref<80x128xf32, #tpu.memory_space<vmem>>)
      "tpu.region"() ({
        %run_scoped3A = tpu.sem_alloc : memref<!tpu.dma_semaphore, #tpu.memory_space<semaphore_mem>>
        %dma_start3A_82 = arith.constant 0 : i32
        %dma_start3A_83 = arith.constant 0 : i32
        %dma_start3A_84 = tpu.memref_slice %arg15[%dma_start3A_82, %dma_start3A_83] : memref<10240x128xf32, #tpu.memory_space<vmem_shared>> -> memref<10240x128xf32, #tpu.memory_space<vmem_shared>>
        tpu.enqueue_indirect_dma source(%arg11 : memref<80x128xf32, #tpu.memory_space<vmem>>) target(%dma_start3A_84 : memref<10240x128xf32, #tpu.memory_space<vmem_shared>>) offsets(%arg8 : memref<80xi32, #tpu.memory_space<vmem>>) semaphore(%run_scoped3A : memref<!tpu.dma_semaphore, #tpu.memory_space<semaphore_mem>>) {add = true}
        %dma_wait3A_85 = arith.constant 0 : i32
        %dma_wait3A_86 = arith.constant 0 : i32
        %dma_wait3A_87 = tpu.memref_slice %arg15[%dma_wait3A_85, %dma_wait3A_86] : memref<10240x128xf32, #tpu.memory_space<vmem_shared>> -> memref<10240x128xf32, #tpu.memory_space<vmem_shared>>
        tpu.wait_indirect_dma semaphore(%run_scoped3A : memref<!tpu.dma_semaphore, #tpu.memory_space<semaphore_mem>>) src(%arg11 : memref<80x128xf32, #tpu.memory_space<vmem>>) dst(%dma_wait3A_87 : memref<10240x128xf32, #tpu.memory_space<vmem_shared>>)
        tpu.yield
      }) : () -> ()
    }
    %scan3A_11 = arith.constant 25 : i32
    %barrier3A_12 = arith.constant 0 : index
    tpu.barrier barrier_id(%barrier3A_12)
    %mul3A_13 = arith.constant 10240 : i32
    %mul3A_14 = arith.muli %arg0, %mul3A_13 : i32
    %mul3A_15 = arith.constant 640 : i32
    %mul3A_16 = arith.muli %arg1, %mul3A_15 : i32
    %add3A_17 = arith.addi %mul3A_14, %mul3A_16 : i32
    %mul3A_18 = arith.constant 640 : i32
    %mul3A_19 = arith.muli %arg1, %mul3A_18 : i32
    "tpu.region"() ({
      %run_scoped3A = tpu.sem_alloc : memref<!tpu.dma_semaphore, #tpu.memory_space<semaphore_mem>>
      %dma_start3A = arith.constant 0 : i32
      %dma_start3A_20 = tpu.memref_slice %arg6[%add3A_17, %dma_start3A] : memref<20480x128xf32, #tpu.memory_space<hbm>> -> memref<640x128xf32, #tpu.memory_space<hbm>>
      %dma_start3A_21 = arith.constant 0 : i32
      %dma_start3A_22 = tpu.memref_slice %arg15[%mul3A_19, %dma_start3A_21] : memref<10240x128xf32, #tpu.memory_space<vmem_shared>> -> memref<640x128xf32, #tpu.memory_space<vmem_shared>>
      tpu.enqueue_dma source(%dma_start3A_22 : memref<640x128xf32, #tpu.memory_space<vmem_shared>>) target(%dma_start3A_20 : memref<640x128xf32, #tpu.memory_space<hbm>>) target_semaphore(%run_scoped3A : memref<!tpu.dma_semaphore, #tpu.memory_space<semaphore_mem>>)
      %dma_wait3A = arith.constant 0 : i32
      %dma_wait3A_23 = tpu.memref_slice %arg6[%add3A_17, %dma_wait3A] : memref<20480x128xf32, #tpu.memory_space<hbm>> -> memref<640x128xf32, #tpu.memory_space<hbm>>
      %dma_wait3A_24 = arith.constant 0 : i32
      %dma_wait3A_25 = tpu.memref_slice %arg15[%mul3A_19, %dma_wait3A_24] : memref<10240x128xf32, #tpu.memory_space<vmem_shared>> -> memref<640x128xf32, #tpu.memory_space<vmem_shared>>
      tpu.wait_dma2 semaphore(%run_scoped3A : memref<!tpu.dma_semaphore, #tpu.memory_space<semaphore_mem>>) src(%dma_wait3A_25 : memref<640x128xf32, #tpu.memory_space<vmem_shared>>) dst(%dma_wait3A_23 : memref<640x128xf32, #tpu.memory_space<hbm>>)
      tpu.yield
    }) : () -> ()
    return
  }
}

#map = affine_map<(d0, d1) -> (0)>
#map1 = affine_map<(d0, d1) -> (0, 0)>
module attributes {stable_mosaic.version = 14 : i64} {
  func.func @_sc_emb(%arg0: i32, %arg1: i32, %arg2: memref<10240xi32, #tpu.memory_space<hbm>>, %arg3: memref<1000x128xf32, #tpu.memory_space<hbm>>, %arg4: memref<10240x128xf32, #tpu.memory_space<hbm>>, %arg5: memref<64xi32, #tpu.memory_space<vmem>>, %arg6: memref<64x128xf32, #tpu.memory_space<vmem>>, %arg7: memref<!tpu.dma_semaphore, #tpu.memory_space<semaphore_mem>>) attributes {dimension_semantics = [#tpu.dimension_semantics<core_parallel>, #tpu.dimension_semantics<subcore_parallel>], iteration_bounds = array<i64: 2, 16>, scalar_prefetch = 0 : i64, scratch_operands = 3 : i64, tpu.core_type = #tpu.core_type<sc_vector_subcore>, window_params = [{transform_indices = #map}, {transform_indices = #map1}, {transform_indices = #map1}]} {
    %mul3A = arith.constant 2 : i32
    %mul3A_0 = arith.muli %arg1, %mul3A : i32
    %add3A = arith.addi %mul3A_0, %arg0 : i32
    %scan3A = arith.constant 0 : i32
    %scan3A_1 = arith.constant 0 : i32
    %scan3A_2 = arith.constant 5 : i32
    %scan3A_3 = arith.addi %scan3A_1, %scan3A_2 : i32
    %scan3A_4 = arith.constant 1 : i32
    scf.for %scan3A_6 = %scan3A_1 to %scan3A_3 step %scan3A_4  : i32 {
      %mul3A_7 = arith.constant 320 : i32
      %mul3A_8 = arith.muli %add3A, %mul3A_7 : i32
      %mul3A_9 = arith.constant 64 : i32
      %mul3A_10 = arith.muli %scan3A_6, %mul3A_9 : i32
      %add3A_11 = arith.addi %mul3A_8, %mul3A_10 : i32
      "tpu.region"() ({
        %run_scoped3A = tpu.sem_alloc : memref<!tpu.dma_semaphore, #tpu.memory_space<semaphore_mem>>
        %dma_start3A_16 = tpu.memref_slice %arg2[%add3A_11] : memref<10240xi32, #tpu.memory_space<hbm>> -> memref<64xi32, #tpu.memory_space<hbm>>
        %dma_start3A_17 = tpu.memref_slice %arg2[%add3A_11] : memref<10240xi32, #tpu.memory_space<hbm>> -> memref<64xi32, #tpu.memory_space<hbm>>
        tpu.enqueue_dma source(%dma_start3A_17 : memref<64xi32, #tpu.memory_space<hbm>>) target(%arg5 : memref<64xi32, #tpu.memory_space<vmem>>) target_semaphore(%run_scoped3A : memref<!tpu.dma_semaphore, #tpu.memory_space<semaphore_mem>>)
        %dma_wait3A_18 = tpu.memref_slice %arg2[%add3A_11] : memref<10240xi32, #tpu.memory_space<hbm>> -> memref<64xi32, #tpu.memory_space<hbm>>
        %dma_wait3A_19 = tpu.memref_slice %arg2[%add3A_11] : memref<10240xi32, #tpu.memory_space<hbm>> -> memref<64xi32, #tpu.memory_space<hbm>>
        tpu.wait_dma2 semaphore(%run_scoped3A : memref<!tpu.dma_semaphore, #tpu.memory_space<semaphore_mem>>) src(%dma_wait3A_19 : memref<64xi32, #tpu.memory_space<hbm>>) dst(%arg5 : memref<64xi32, #tpu.memory_space<vmem>>)
        tpu.yield
      }) : () -> ()
      %dma_start3A = arith.constant 0 : i32
      %dma_start3A_12 = arith.constant 0 : i32
      %dma_start3A_13 = tpu.memref_slice %arg3[%dma_start3A, %dma_start3A_12] : memref<1000x128xf32, #tpu.memory_space<hbm>> -> memref<1000x128xf32, #tpu.memory_space<hbm>>
      tpu.enqueue_indirect_dma source(%dma_start3A_13 : memref<1000x128xf32, #tpu.memory_space<hbm>>) target(%arg6 : memref<64x128xf32, #tpu.memory_space<vmem>>) offsets(%arg5 : memref<64xi32, #tpu.memory_space<vmem>>) semaphore(%arg7 : memref<!tpu.dma_semaphore, #tpu.memory_space<semaphore_mem>>)
      %dma_wait3A = arith.constant 0 : i32
      %dma_wait3A_14 = arith.constant 0 : i32
      %dma_wait3A_15 = tpu.memref_slice %arg3[%dma_wait3A, %dma_wait3A_14] : memref<1000x128xf32, #tpu.memory_space<hbm>> -> memref<1000x128xf32, #tpu.memory_space<hbm>>
      tpu.wait_indirect_dma semaphore(%arg7 : memref<!tpu.dma_semaphore, #tpu.memory_space<semaphore_mem>>) src(%dma_wait3A_15 : memref<1000x128xf32, #tpu.memory_space<hbm>>) dst(%arg6 : memref<64x128xf32, #tpu.memory_space<vmem>>)
      "tpu.region"() ({
        %run_scoped3A = tpu.sem_alloc : memref<!tpu.dma_semaphore, #tpu.memory_space<semaphore_mem>>
        %dma_start3A_16 = arith.constant 0 : i32
        %dma_start3A_17 = tpu.memref_slice %arg4[%add3A_11, %dma_start3A_16] : memref<10240x128xf32, #tpu.memory_space<hbm>> -> memref<64x128xf32, #tpu.memory_space<hbm>>
        %dma_start3A_18 = arith.constant 0 : i32
        %dma_start3A_19 = tpu.memref_slice %arg4[%add3A_11, %dma_start3A_18] : memref<10240x128xf32, #tpu.memory_space<hbm>> -> memref<64x128xf32, #tpu.memory_space<hbm>>
        tpu.enqueue_dma source(%arg6 : memref<64x128xf32, #tpu.memory_space<vmem>>) target(%dma_start3A_19 : memref<64x128xf32, #tpu.memory_space<hbm>>) target_semaphore(%run_scoped3A : memref<!tpu.dma_semaphore, #tpu.memory_space<semaphore_mem>>)
        %dma_wait3A_20 = arith.constant 0 : i32
        %dma_wait3A_21 = tpu.memref_slice %arg4[%add3A_11, %dma_wait3A_20] : memref<10240x128xf32, #tpu.memory_space<hbm>> -> memref<64x128xf32, #tpu.memory_space<hbm>>
        %dma_wait3A_22 = arith.constant 0 : i32
        %dma_wait3A_23 = tpu.memref_slice %arg4[%add3A_11, %dma_wait3A_22] : memref<10240x128xf32, #tpu.memory_space<hbm>> -> memref<64x128xf32, #tpu.memory_space<hbm>>
        tpu.wait_dma2 semaphore(%run_scoped3A : memref<!tpu.dma_semaphore, #tpu.memory_space<semaphore_mem>>) src(%arg6 : memref<64x128xf32, #tpu.memory_space<vmem>>) dst(%dma_wait3A_23 : memref<64x128xf32, #tpu.memory_space<hbm>>)
        tpu.yield
      }) : () -> ()
    }
    %scan3A_5 = arith.constant 5 : i32
    return
  }
}

#map = affine_map<(d0, d1) -> (0, 0)>
#map1 = affine_map<(d0, d1) -> (0)>
module attributes {stable_mosaic.version = 14 : i64} {
  func.func @_sc_segsum(%arg0: i32, %arg1: i32, %arg2: memref<10240x128xf32, #tpu.memory_space<hbm>>, %arg3: memref<320000xi32, #tpu.memory_space<hbm>>, %arg4: memref<320000xi32, #tpu.memory_space<hbm>>, %arg5: memref<10240x128xf32, #tpu.memory_space<hbm>>, %arg6: memref<20480x128xf32, #tpu.memory_space<hbm>>, %arg7: memref<80xi32, #tpu.memory_space<vmem>>, %arg8: memref<80xi32, #tpu.memory_space<vmem>>, %arg9: memref<80xi32, #tpu.memory_space<vmem>>, %arg10: memref<80xi32, #tpu.memory_space<vmem>>, %arg11: memref<80x128xf32, #tpu.memory_space<vmem>>, %arg12: memref<80x128xf32, #tpu.memory_space<vmem>>, %arg13: memref<!tpu.dma_semaphore, #tpu.memory_space<semaphore_mem>>, %arg14: memref<!tpu.dma_semaphore, #tpu.memory_space<semaphore_mem>>, %arg15: memref<10240x128xf32, #tpu.memory_space<vmem_shared>>) attributes {dimension_semantics = [#tpu.dimension_semantics<core_parallel>, #tpu.dimension_semantics<subcore_parallel>], iteration_bounds = array<i64: 2, 16>, scalar_prefetch = 0 : i64, scratch_operands = 9 : i64, tpu.core_type = #tpu.core_type<sc_vector_subcore>, window_params = [{transform_indices = #map}, {transform_indices = #map1}, {transform_indices = #map1}, {transform_indices = #map}, {transform_indices = #map}]} {
    %mul3A = arith.constant 2 : i32
    %mul3A_0 = arith.muli %arg1, %mul3A : i32
    %add3A = arith.addi %mul3A_0, %arg0 : i32
    %mul3A_1 = arith.constant 640 : i32
    %mul3A_2 = arith.muli %arg1, %mul3A_1 : i32
    %mul3A_3 = arith.constant 640 : i32
    %mul3A_4 = arith.muli %arg1, %mul3A_3 : i32
    "tpu.region"() ({
      %run_scoped3A = tpu.sem_alloc : memref<!tpu.dma_semaphore, #tpu.memory_space<semaphore_mem>>
      %dma_start3A = arith.constant 0 : i32
      %dma_start3A_20 = tpu.memref_slice %arg15[%mul3A_4, %dma_start3A] : memref<10240x128xf32, #tpu.memory_space<vmem_shared>> -> memref<640x128xf32, #tpu.memory_space<vmem_shared>>
      %dma_start3A_21 = arith.constant 0 : i32
      %dma_start3A_22 = tpu.memref_slice %arg5[%mul3A_2, %dma_start3A_21] : memref<10240x128xf32, #tpu.memory_space<hbm>> -> memref<640x128xf32, #tpu.memory_space<hbm>>
      tpu.enqueue_dma source(%dma_start3A_22 : memref<640x128xf32, #tpu.memory_space<hbm>>) target(%dma_start3A_20 : memref<640x128xf32, #tpu.memory_space<vmem_shared>>) target_semaphore(%run_scoped3A : memref<!tpu.dma_semaphore, #tpu.memory_space<semaphore_mem>>)
      %dma_wait3A = arith.constant 0 : i32
      %dma_wait3A_23 = tpu.memref_slice %arg15[%mul3A_4, %dma_wait3A] : memref<10240x128xf32, #tpu.memory_space<vmem_shared>> -> memref<640x128xf32, #tpu.memory_space<vmem_shared>>
      %dma_wait3A_24 = arith.constant 0 : i32
      %dma_wait3A_25 = tpu.memref_slice %arg5[%mul3A_2, %dma_wait3A_24] : memref<10240x128xf32, #tpu.memory_space<hbm>> -> memref<640x128xf32, #tpu.memory_space<hbm>>
      tpu.wait_dma2 semaphore(%run_scoped3A : memref<!tpu.dma_semaphore, #tpu.memory_space<semaphore_mem>>) src(%dma_wait3A_25 : memref<640x128xf32, #tpu.memory_space<hbm>>) dst(%dma_wait3A_23 : memref<640x128xf32, #tpu.memory_space<vmem_shared>>)
      tpu.yield
    }) : () -> ()
    %mul3A_5 = arith.constant 10000 : i32
    %mul3A_6 = arith.muli %add3A, %mul3A_5 : i32
    %barrier3A = arith.constant 0 : index
    tpu.barrier barrier_id(%barrier3A)
    %scan3A = arith.constant 0 : i32
    %scan3A_7 = arith.constant 0 : i32
    %scan3A_8 = arith.constant 25 : i32
    %scan3A_9 = arith.addi %scan3A_7, %scan3A_8 : i32
    %scan3A_10 = arith.constant 1 : i32
    scf.for %scan3A_20 = %scan3A_7 to %scan3A_9 step %scan3A_10  : i32 {
      %mul3A_21 = arith.constant 5 : i32
      %mul3A_22 = arith.muli %scan3A_20, %mul3A_21 : i32
      %mul3A_23 = arith.constant 80 : i32
      %mul3A_24 = arith.muli %mul3A_22, %mul3A_23 : i32
      %add3A_25 = arith.addi %mul3A_6, %mul3A_24 : i32
      "tpu.region"() ({
        %run_scoped3A = tpu.sem_alloc : memref<!tpu.dma_semaphore, #tpu.memory_space<semaphore_mem>>
        %dma_start3A_82 = tpu.memref_slice %arg3[%add3A_25] : memref<320000xi32, #tpu.memory_space<hbm>> -> memref<80xi32, #tpu.memory_space<hbm>>
        %dma_start3A_83 = tpu.memref_slice %arg3[%add3A_25] : memref<320000xi32, #tpu.memory_space<hbm>> -> memref<80xi32, #tpu.memory_space<hbm>>
        tpu.enqueue_dma source(%dma_start3A_83 : memref<80xi32, #tpu.memory_space<hbm>>) target(%arg7 : memref<80xi32, #tpu.memory_space<vmem>>) target_semaphore(%run_scoped3A : memref<!tpu.dma_semaphore, #tpu.memory_space<semaphore_mem>>)
        %dma_wait3A_84 = tpu.memref_slice %arg3[%add3A_25] : memref<320000xi32, #tpu.memory_space<hbm>> -> memref<80xi32, #tpu.memory_space<hbm>>
        %dma_wait3A_85 = tpu.memref_slice %arg3[%add3A_25] : memref<320000xi32, #tpu.memory_space<hbm>> -> memref<80xi32, #tpu.memory_space<hbm>>
        tpu.wait_dma2 semaphore(%run_scoped3A : memref<!tpu.dma_semaphore, #tpu.memory_space<semaphore_mem>>) src(%dma_wait3A_85 : memref<80xi32, #tpu.memory_space<hbm>>) dst(%arg7 : memref<80xi32, #tpu.memory_space<vmem>>)
        tpu.yield
      }) : () -> ()
      "tpu.region"() ({
        %run_scoped3A = tpu.sem_alloc : memref<!tpu.dma_semaphore, #tpu.memory_space<semaphore_mem>>
        %dma_start3A_82 = tpu.memref_slice %arg4[%add3A_25] : memref<320000xi32, #tpu.memory_space<hbm>> -> memref<80xi32, #tpu.memory_space<hbm>>
        %dma_start3A_83 = tpu.memref_slice %arg4[%add3A_25] : memref<320000xi32, #tpu.memory_space<hbm>> -> memref<80xi32, #tpu.memory_space<hbm>>
        tpu.enqueue_dma source(%dma_start3A_83 : memref<80xi32, #tpu.memory_space<hbm>>) target(%arg8 : memref<80xi32, #tpu.memory_space<vmem>>) target_semaphore(%run_scoped3A : memref<!tpu.dma_semaphore, #tpu.memory_space<semaphore_mem>>)
        %dma_wait3A_84 = tpu.memref_slice %arg4[%add3A_25] : memref<320000xi32, #tpu.memory_space<hbm>> -> memref<80xi32, #tpu.memory_space<hbm>>
        %dma_wait3A_85 = tpu.memref_slice %arg4[%add3A_25] : memref<320000xi32, #tpu.memory_space<hbm>> -> memref<80xi32, #tpu.memory_space<hbm>>
        tpu.wait_dma2 semaphore(%run_scoped3A : memref<!tpu.dma_semaphore, #tpu.memory_space<semaphore_mem>>) src(%dma_wait3A_85 : memref<80xi32, #tpu.memory_space<hbm>>) dst(%arg8 : memref<80xi32, #tpu.memory_space<vmem>>)
        tpu.yield
      }) : () -> ()
      %dma_start3A = arith.constant 0 : i32
      %dma_start3A_26 = arith.constant 0 : i32
      %dma_start3A_27 = tpu.memref_slice %arg2[%dma_start3A, %dma_start3A_26] : memref<10240x128xf32, #tpu.memory_space<hbm>> -> memref<10240x128xf32, #tpu.memory_space<hbm>>
      tpu.enqueue_indirect_dma source(%dma_start3A_27 : memref<10240x128xf32, #tpu.memory_space<hbm>>) target(%arg11 : memref<80x128xf32, #tpu.memory_space<vmem>>) offsets(%arg7 : memref<80xi32, #tpu.memory_space<vmem>>) semaphore(%arg13 : memref<!tpu.dma_semaphore, #tpu.memory_space<semaphore_mem>>)
      %mul3A_28 = arith.constant 5 : i32
      %mul3A_29 = arith.muli %scan3A_20, %mul3A_28 : i32
      %add3A_30 = arith.constant 1 : i32
      %add3A_31 = arith.addi %mul3A_29, %add3A_30 : i32
      %mul3A_32 = arith.constant 80 : i32
      %mul3A_33 = arith.muli %add3A_31, %mul3A_32 : i32
      %add3A_34 = arith.addi %mul3A_6, %mul3A_33 : i32
      "tpu.region"() ({
        %run_scoped3A = tpu.sem_alloc : memref<!tpu.dma_semaphore, #tpu.memory_space<semaphore_mem>>
        %dma_start3A_82 = tpu.memref_slice %arg3[%add3A_34] : memref<320000xi32, #tpu.memory_space<hbm>> -> memref<80xi32, #tpu.memory_space<hbm>>
        %dma_start3A_83 = tpu.memref_slice %arg3[%add3A_34] : memref<320000xi32, #tpu.memory_space<hbm>> -> memref<80xi32, #tpu.memory_space<hbm>>
        tpu.enqueue_dma source(%dma_start3A_83 : memref<80xi32, #tpu.memory_space<hbm>>) target(%arg9 : memref<80xi32, #tpu.memory_space<vmem>>) target_semaphore(%run_scoped3A : memref<!tpu.dma_semaphore, #tpu.memory_space<semaphore_mem>>)
        %dma_wait3A_84 = tpu.memref_slice %arg3[%add3A_34] : memref<320000xi32, #tpu.memory_space<hbm>> -> memref<80xi32, #tpu.memory_space<hbm>>
        %dma_wait3A_85 = tpu.memref_slice %arg3[%add3A_34] : memref<320000xi32, #tpu.memory_space<hbm>> -> memref<80xi32, #tpu.memory_space<hbm>>
        tpu.wait_dma2 semaphore(%run_scoped3A : memref<!tpu.dma_semaphore, #tpu.memory_space<semaphore_mem>>) src(%dma_wait3A_85 : memref<80xi32, #tpu.memory_space<hbm>>) dst(%arg9 : memref<80xi32, #tpu.memory_space<vmem>>)
        tpu.yield
      }) : () -> ()
      "tpu.region"() ({
        %run_scoped3A = tpu.sem_alloc : memref<!tpu.dma_semaphore, #tpu.memory_space<semaphore_mem>>
        %dma_start3A_82 = tpu.memref_slice %arg4[%add3A_34] : memref<320000xi32, #tpu.memory_space<hbm>> -> memref<80xi32, #tpu.memory_space<hbm>>
        %dma_start3A_83 = tpu.memref_slice %arg4[%add3A_34] : memref<320000xi32, #tpu.memory_space<hbm>> -> memref<80xi32, #tpu.memory_space<hbm>>
        tpu.enqueue_dma source(%dma_start3A_83 : memref<80xi32, #tpu.memory_space<hbm>>) target(%arg10 : memref<80xi32, #tpu.memory_space<vmem>>) target_semaphore(%run_scoped3A : memref<!tpu.dma_semaphore, #tpu.memory_space<semaphore_mem>>)
        %dma_wait3A_84 = tpu.memref_slice %arg4[%add3A_34] : memref<320000xi32, #tpu.memory_space<hbm>> -> memref<80xi32, #tpu.memory_space<hbm>>
        %dma_wait3A_85 = tpu.memref_slice %arg4[%add3A_34] : memref<320000xi32, #tpu.memory_space<hbm>> -> memref<80xi32, #tpu.memory_space<hbm>>
        tpu.wait_dma2 semaphore(%run_scoped3A : memref<!tpu.dma_semaphore, #tpu.memory_space<semaphore_mem>>) src(%dma_wait3A_85 : memref<80xi32, #tpu.memory_space<hbm>>) dst(%arg10 : memref<80xi32, #tpu.memory_space<vmem>>)
        tpu.yield
      }) : () -> ()
      %dma_start3A_35 = arith.constant 0 : i32
      %dma_start3A_36 = arith.constant 0 : i32
      %dma_start3A_37 = tpu.memref_slice %arg2[%dma_start3A_35, %dma_start3A_36] : memref<10240x128xf32, #tpu.memory_space<hbm>> -> memref<10240x128xf32, #tpu.memory_space<hbm>>
      tpu.enqueue_indirect_dma source(%dma_start3A_37 : memref<10240x128xf32, #tpu.memory_space<hbm>>) target(%arg12 : memref<80x128xf32, #tpu.memory_space<vmem>>) offsets(%arg9 : memref<80xi32, #tpu.memory_space<vmem>>) semaphore(%arg14 : memref<!tpu.dma_semaphore, #tpu.memory_space<semaphore_mem>>)
      %dma_wait3A = arith.constant 0 : i32
      %dma_wait3A_38 = arith.constant 0 : i32
      %dma_wait3A_39 = tpu.memref_slice %arg2[%dma_wait3A, %dma_wait3A_38] : memref<10240x128xf32, #tpu.memory_space<hbm>> -> memref<10240x128xf32, #tpu.memory_space<hbm>>
      tpu.wait_indirect_dma semaphore(%arg13 : memref<!tpu.dma_semaphore, #tpu.memory_space<semaphore_mem>>) src(%dma_wait3A_39 : memref<10240x128xf32, #tpu.memory_space<hbm>>) dst(%arg11 : memref<80x128xf32, #tpu.memory_space<vmem>>)
      "tpu.region"() ({
        %run_scoped3A = tpu.sem_alloc : memref<!tpu.dma_semaphore, #tpu.memory_space<semaphore_mem>>
        %dma_start3A_82 = arith.constant 0 : i32
        %dma_start3A_83 = arith.constant 0 : i32
        %dma_start3A_84 = tpu.memref_slice %arg15[%dma_start3A_82, %dma_start3A_83] : memref<10240x128xf32, #tpu.memory_space<vmem_shared>> -> memref<10240x128xf32, #tpu.memory_space<vmem_shared>>
        tpu.enqueue_indirect_dma source(%arg11 : memref<80x128xf32, #tpu.memory_space<vmem>>) target(%dma_start3A_84 : memref<10240x128xf32, #tpu.memory_space<vmem_shared>>) offsets(%arg8 : memref<80xi32, #tpu.memory_space<vmem>>) semaphore(%run_scoped3A : memref<!tpu.dma_semaphore, #tpu.memory_space<semaphore_mem>>) {add = true}
        %dma_wait3A_85 = arith.constant 0 : i32
        %dma_wait3A_86 = arith.constant 0 : i32
        %dma_wait3A_87 = tpu.memref_slice %arg15[%dma_wait3A_85, %dma_wait3A_86] : memref<10240x128xf32, #tpu.memory_space<vmem_shared>> -> memref<10240x128xf32, #tpu.memory_space<vmem_shared>>
        tpu.wait_indirect_dma semaphore(%run_scoped3A : memref<!tpu.dma_semaphore, #tpu.memory_space<semaphore_mem>>) src(%arg11 : memref<80x128xf32, #tpu.memory_space<vmem>>) dst(%dma_wait3A_87 : memref<10240x128xf32, #tpu.memory_space<vmem_shared>>)
        tpu.yield
      }) : () -> ()
      %mul3A_40 = arith.constant 5 : i32
      %mul3A_41 = arith.muli %scan3A_20, %mul3A_40 : i32
      %add3A_42 = arith.constant 2 : i32
      %add3A_43 = arith.addi %mul3A_41, %add3A_42 : i32
      %mul3A_44 = arith.constant 80 : i32
      %mul3A_45 = arith.muli %add3A_43, %mul3A_44 : i32
      %add3A_46 = arith.addi %mul3A_6, %mul3A_45 : i32
      "tpu.region"() ({
        %run_scoped3A = tpu.sem_alloc : memref<!tpu.dma_semaphore, #tpu.memory_space<semaphore_mem>>
        %dma_start3A_82 = tpu.memref_slice %arg3[%add3A_46] : memref<320000xi32, #tpu.memory_space<hbm>> -> memref<80xi32, #tpu.memory_space<hbm>>
        %dma_start3A_83 = tpu.memref_slice %arg3[%add3A_46] : memref<320000xi32, #tpu.memory_space<hbm>> -> memref<80xi32, #tpu.memory_space<hbm>>
        tpu.enqueue_dma source(%dma_start3A_83 : memref<80xi32, #tpu.memory_space<hbm>>) target(%arg7 : memref<80xi32, #tpu.memory_space<vmem>>) target_semaphore(%run_scoped3A : memref<!tpu.dma_semaphore, #tpu.memory_space<semaphore_mem>>)
        %dma_wait3A_84 = tpu.memref_slice %arg3[%add3A_46] : memref<320000xi32, #tpu.memory_space<hbm>> -> memref<80xi32, #tpu.memory_space<hbm>>
        %dma_wait3A_85 = tpu.memref_slice %arg3[%add3A_46] : memref<320000xi32, #tpu.memory_space<hbm>> -> memref<80xi32, #tpu.memory_space<hbm>>
        tpu.wait_dma2 semaphore(%run_scoped3A : memref<!tpu.dma_semaphore, #tpu.memory_space<semaphore_mem>>) src(%dma_wait3A_85 : memref<80xi32, #tpu.memory_space<hbm>>) dst(%arg7 : memref<80xi32, #tpu.memory_space<vmem>>)
        tpu.yield
      }) : () -> ()
      "tpu.region"() ({
        %run_scoped3A = tpu.sem_alloc : memref<!tpu.dma_semaphore, #tpu.memory_space<semaphore_mem>>
        %dma_start3A_82 = tpu.memref_slice %arg4[%add3A_46] : memref<320000xi32, #tpu.memory_space<hbm>> -> memref<80xi32, #tpu.memory_space<hbm>>
        %dma_start3A_83 = tpu.memref_slice %arg4[%add3A_46] : memref<320000xi32, #tpu.memory_space<hbm>> -> memref<80xi32, #tpu.memory_space<hbm>>
        tpu.enqueue_dma source(%dma_start3A_83 : memref<80xi32, #tpu.memory_space<hbm>>) target(%arg8 : memref<80xi32, #tpu.memory_space<vmem>>) target_semaphore(%run_scoped3A : memref<!tpu.dma_semaphore, #tpu.memory_space<semaphore_mem>>)
        %dma_wait3A_84 = tpu.memref_slice %arg4[%add3A_46] : memref<320000xi32, #tpu.memory_space<hbm>> -> memref<80xi32, #tpu.memory_space<hbm>>
        %dma_wait3A_85 = tpu.memref_slice %arg4[%add3A_46] : memref<320000xi32, #tpu.memory_space<hbm>> -> memref<80xi32, #tpu.memory_space<hbm>>
        tpu.wait_dma2 semaphore(%run_scoped3A : memref<!tpu.dma_semaphore, #tpu.memory_space<semaphore_mem>>) src(%dma_wait3A_85 : memref<80xi32, #tpu.memory_space<hbm>>) dst(%arg8 : memref<80xi32, #tpu.memory_space<vmem>>)
        tpu.yield
      }) : () -> ()
      %dma_start3A_47 = arith.constant 0 : i32
      %dma_start3A_48 = arith.constant 0 : i32
      %dma_start3A_49 = tpu.memref_slice %arg2[%dma_start3A_47, %dma_start3A_48] : memref<10240x128xf32, #tpu.memory_space<hbm>> -> memref<10240x128xf32, #tpu.memory_space<hbm>>
      tpu.enqueue_indirect_dma source(%dma_start3A_49 : memref<10240x128xf32, #tpu.memory_space<hbm>>) target(%arg11 : memref<80x128xf32, #tpu.memory_space<vmem>>) offsets(%arg7 : memref<80xi32, #tpu.memory_space<vmem>>) semaphore(%arg13 : memref<!tpu.dma_semaphore, #tpu.memory_space<semaphore_mem>>)
      %dma_wait3A_50 = arith.constant 0 : i32
      %dma_wait3A_51 = arith.constant 0 : i32
      %dma_wait3A_52 = tpu.memref_slice %arg2[%dma_wait3A_50, %dma_wait3A_51] : memref<10240x128xf32, #tpu.memory_space<hbm>> -> memref<10240x128xf32, #tpu.memory_space<hbm>>
      tpu.wait_indirect_dma semaphore(%arg14 : memref<!tpu.dma_semaphore, #tpu.memory_space<semaphore_mem>>) src(%dma_wait3A_52 : memref<10240x128xf32, #tpu.memory_space<hbm>>) dst(%arg12 : memref<80x128xf32, #tpu.memory_space<vmem>>)
      "tpu.region"() ({
        %run_scoped3A = tpu.sem_alloc : memref<!tpu.dma_semaphore, #tpu.memory_space<semaphore_mem>>
        %dma_start3A_82 = arith.constant 0 : i32
        %dma_start3A_83 = arith.constant 0 : i32
        %dma_start3A_84 = tpu.memref_slice %arg15[%dma_start3A_82, %dma_start3A_83] : memref<10240x128xf32, #tpu.memory_space<vmem_shared>> -> memref<10240x128xf32, #tpu.memory_space<vmem_shared>>
        tpu.enqueue_indirect_dma source(%arg12 : memref<80x128xf32, #tpu.memory_space<vmem>>) target(%dma_start3A_84 : memref<10240x128xf32, #tpu.memory_space<vmem_shared>>) offsets(%arg10 : memref<80xi32, #tpu.memory_space<vmem>>) semaphore(%run_scoped3A : memref<!tpu.dma_semaphore, #tpu.memory_space<semaphore_mem>>) {add = true}
        %dma_wait3A_85 = arith.constant 0 : i32
        %dma_wait3A_86 = arith.constant 0 : i32
        %dma_wait3A_87 = tpu.memref_slice %arg15[%dma_wait3A_85, %dma_wait3A_86] : memref<10240x128xf32, #tpu.memory_space<vmem_shared>> -> memref<10240x128xf32, #tpu.memory_space<vmem_shared>>
        tpu.wait_indirect_dma semaphore(%run_scoped3A : memref<!tpu.dma_semaphore, #tpu.memory_space<semaphore_mem>>) src(%arg12 : memref<80x128xf32, #tpu.memory_space<vmem>>) dst(%dma_wait3A_87 : memref<10240x128xf32, #tpu.memory_space<vmem_shared>>)
        tpu.yield
      }) : () -> ()
      %mul3A_53 = arith.constant 5 : i32
      %mul3A_54 = arith.muli %scan3A_20, %mul3A_53 : i32
      %add3A_55 = arith.constant 3 : i32
      %add3A_56 = arith.addi %mul3A_54, %add3A_55 : i32
      %mul3A_57 = arith.constant 80 : i32
      %mul3A_58 = arith.muli %add3A_56, %mul3A_57 : i32
      %add3A_59 = arith.addi %mul3A_6, %mul3A_58 : i32
      "tpu.region"() ({
        %run_scoped3A = tpu.sem_alloc : memref<!tpu.dma_semaphore, #tpu.memory_space<semaphore_mem>>
        %dma_start3A_82 = tpu.memref_slice %arg3[%add3A_59] : memref<320000xi32, #tpu.memory_space<hbm>> -> memref<80xi32, #tpu.memory_space<hbm>>
        %dma_start3A_83 = tpu.memref_slice %arg3[%add3A_59] : memref<320000xi32, #tpu.memory_space<hbm>> -> memref<80xi32, #tpu.memory_space<hbm>>
        tpu.enqueue_dma source(%dma_start3A_83 : memref<80xi32, #tpu.memory_space<hbm>>) target(%arg9 : memref<80xi32, #tpu.memory_space<vmem>>) target_semaphore(%run_scoped3A : memref<!tpu.dma_semaphore, #tpu.memory_space<semaphore_mem>>)
        %dma_wait3A_84 = tpu.memref_slice %arg3[%add3A_59] : memref<320000xi32, #tpu.memory_space<hbm>> -> memref<80xi32, #tpu.memory_space<hbm>>
        %dma_wait3A_85 = tpu.memref_slice %arg3[%add3A_59] : memref<320000xi32, #tpu.memory_space<hbm>> -> memref<80xi32, #tpu.memory_space<hbm>>
        tpu.wait_dma2 semaphore(%run_scoped3A : memref<!tpu.dma_semaphore, #tpu.memory_space<semaphore_mem>>) src(%dma_wait3A_85 : memref<80xi32, #tpu.memory_space<hbm>>) dst(%arg9 : memref<80xi32, #tpu.memory_space<vmem>>)
        tpu.yield
      }) : () -> ()
      "tpu.region"() ({
        %run_scoped3A = tpu.sem_alloc : memref<!tpu.dma_semaphore, #tpu.memory_space<semaphore_mem>>
        %dma_start3A_82 = tpu.memref_slice %arg4[%add3A_59] : memref<320000xi32, #tpu.memory_space<hbm>> -> memref<80xi32, #tpu.memory_space<hbm>>
        %dma_start3A_83 = tpu.memref_slice %arg4[%add3A_59] : memref<320000xi32, #tpu.memory_space<hbm>> -> memref<80xi32, #tpu.memory_space<hbm>>
        tpu.enqueue_dma source(%dma_start3A_83 : memref<80xi32, #tpu.memory_space<hbm>>) target(%arg10 : memref<80xi32, #tpu.memory_space<vmem>>) target_semaphore(%run_scoped3A : memref<!tpu.dma_semaphore, #tpu.memory_space<semaphore_mem>>)
        %dma_wait3A_84 = tpu.memref_slice %arg4[%add3A_59] : memref<320000xi32, #tpu.memory_space<hbm>> -> memref<80xi32, #tpu.memory_space<hbm>>
        %dma_wait3A_85 = tpu.memref_slice %arg4[%add3A_59] : memref<320000xi32, #tpu.memory_space<hbm>> -> memref<80xi32, #tpu.memory_space<hbm>>
        tpu.wait_dma2 semaphore(%run_scoped3A : memref<!tpu.dma_semaphore, #tpu.memory_space<semaphore_mem>>) src(%dma_wait3A_85 : memref<80xi32, #tpu.memory_space<hbm>>) dst(%arg10 : memref<80xi32, #tpu.memory_space<vmem>>)
        tpu.yield
      }) : () -> ()
      %dma_start3A_60 = arith.constant 0 : i32
      %dma_start3A_61 = arith.constant 0 : i32
      %dma_start3A_62 = tpu.memref_slice %arg2[%dma_start3A_60, %dma_start3A_61] : memref<10240x128xf32, #tpu.memory_space<hbm>> -> memref<10240x128xf32, #tpu.memory_space<hbm>>
      tpu.enqueue_indirect_dma source(%dma_start3A_62 : memref<10240x128xf32, #tpu.memory_space<hbm>>) target(%arg12 : memref<80x128xf32, #tpu.memory_space<vmem>>) offsets(%arg9 : memref<80xi32, #tpu.memory_space<vmem>>) semaphore(%arg14 : memref<!tpu.dma_semaphore, #tpu.memory_space<semaphore_mem>>)
      %dma_wait3A_63 = arith.constant 0 : i32
      %dma_wait3A_64 = arith.constant 0 : i32
      %dma_wait3A_65 = tpu.memref_slice %arg2[%dma_wait3A_63, %dma_wait3A_64] : memref<10240x128xf32, #tpu.memory_space<hbm>> -> memref<10240x128xf32, #tpu.memory_space<hbm>>
      tpu.wait_indirect_dma semaphore(%arg13 : memref<!tpu.dma_semaphore, #tpu.memory_space<semaphore_mem>>) src(%dma_wait3A_65 : memref<10240x128xf32, #tpu.memory_space<hbm>>) dst(%arg11 : memref<80x128xf32, #tpu.memory_space<vmem>>)
      "tpu.region"() ({
        %run_scoped3A = tpu.sem_alloc : memref<!tpu.dma_semaphore, #tpu.memory_space<semaphore_mem>>
        %dma_start3A_82 = arith.constant 0 : i32
        %dma_start3A_83 = arith.constant 0 : i32
        %dma_start3A_84 = tpu.memref_slice %arg15[%dma_start3A_82, %dma_start3A_83] : memref<10240x128xf32, #tpu.memory_space<vmem_shared>> -> memref<10240x128xf32, #tpu.memory_space<vmem_shared>>
        tpu.enqueue_indirect_dma source(%arg11 : memref<80x128xf32, #tpu.memory_space<vmem>>) target(%dma_start3A_84 : memref<10240x128xf32, #tpu.memory_space<vmem_shared>>) offsets(%arg8 : memref<80xi32, #tpu.memory_space<vmem>>) semaphore(%run_scoped3A : memref<!tpu.dma_semaphore, #tpu.memory_space<semaphore_mem>>) {add = true}
        %dma_wait3A_85 = arith.constant 0 : i32
        %dma_wait3A_86 = arith.constant 0 : i32
        %dma_wait3A_87 = tpu.memref_slice %arg15[%dma_wait3A_85, %dma_wait3A_86] : memref<10240x128xf32, #tpu.memory_space<vmem_shared>> -> memref<10240x128xf32, #tpu.memory_space<vmem_shared>>
        tpu.wait_indirect_dma semaphore(%run_scoped3A : memref<!tpu.dma_semaphore, #tpu.memory_space<semaphore_mem>>) src(%arg11 : memref<80x128xf32, #tpu.memory_space<vmem>>) dst(%dma_wait3A_87 : memref<10240x128xf32, #tpu.memory_space<vmem_shared>>)
        tpu.yield
      }) : () -> ()
      %mul3A_66 = arith.constant 5 : i32
      %mul3A_67 = arith.muli %scan3A_20, %mul3A_66 : i32
      %add3A_68 = arith.constant 4 : i32
      %add3A_69 = arith.addi %mul3A_67, %add3A_68 : i32
      %mul3A_70 = arith.constant 80 : i32
      %mul3A_71 = arith.muli %add3A_69, %mul3A_70 : i32
      %add3A_72 = arith.addi %mul3A_6, %mul3A_71 : i32
      "tpu.region"() ({
        %run_scoped3A = tpu.sem_alloc : memref<!tpu.dma_semaphore, #tpu.memory_space<semaphore_mem>>
        %dma_start3A_82 = tpu.memref_slice %arg3[%add3A_72] : memref<320000xi32, #tpu.memory_space<hbm>> -> memref<80xi32, #tpu.memory_space<hbm>>
        %dma_start3A_83 = tpu.memref_slice %arg3[%add3A_72] : memref<320000xi32, #tpu.memory_space<hbm>> -> memref<80xi32, #tpu.memory_space<hbm>>
        tpu.enqueue_dma source(%dma_start3A_83 : memref<80xi32, #tpu.memory_space<hbm>>) target(%arg7 : memref<80xi32, #tpu.memory_space<vmem>>) target_semaphore(%run_scoped3A : memref<!tpu.dma_semaphore, #tpu.memory_space<semaphore_mem>>)
        %dma_wait3A_84 = tpu.memref_slice %arg3[%add3A_72] : memref<320000xi32, #tpu.memory_space<hbm>> -> memref<80xi32, #tpu.memory_space<hbm>>
        %dma_wait3A_85 = tpu.memref_slice %arg3[%add3A_72] : memref<320000xi32, #tpu.memory_space<hbm>> -> memref<80xi32, #tpu.memory_space<hbm>>
        tpu.wait_dma2 semaphore(%run_scoped3A : memref<!tpu.dma_semaphore, #tpu.memory_space<semaphore_mem>>) src(%dma_wait3A_85 : memref<80xi32, #tpu.memory_space<hbm>>) dst(%arg7 : memref<80xi32, #tpu.memory_space<vmem>>)
        tpu.yield
      }) : () -> ()
      "tpu.region"() ({
        %run_scoped3A = tpu.sem_alloc : memref<!tpu.dma_semaphore, #tpu.memory_space<semaphore_mem>>
        %dma_start3A_82 = tpu.memref_slice %arg4[%add3A_72] : memref<320000xi32, #tpu.memory_space<hbm>> -> memref<80xi32, #tpu.memory_space<hbm>>
        %dma_start3A_83 = tpu.memref_slice %arg4[%add3A_72] : memref<320000xi32, #tpu.memory_space<hbm>> -> memref<80xi32, #tpu.memory_space<hbm>>
        tpu.enqueue_dma source(%dma_start3A_83 : memref<80xi32, #tpu.memory_space<hbm>>) target(%arg8 : memref<80xi32, #tpu.memory_space<vmem>>) target_semaphore(%run_scoped3A : memref<!tpu.dma_semaphore, #tpu.memory_space<semaphore_mem>>)
        %dma_wait3A_84 = tpu.memref_slice %arg4[%add3A_72] : memref<320000xi32, #tpu.memory_space<hbm>> -> memref<80xi32, #tpu.memory_space<hbm>>
        %dma_wait3A_85 = tpu.memref_slice %arg4[%add3A_72] : memref<320000xi32, #tpu.memory_space<hbm>> -> memref<80xi32, #tpu.memory_space<hbm>>
        tpu.wait_dma2 semaphore(%run_scoped3A : memref<!tpu.dma_semaphore, #tpu.memory_space<semaphore_mem>>) src(%dma_wait3A_85 : memref<80xi32, #tpu.memory_space<hbm>>) dst(%arg8 : memref<80xi32, #tpu.memory_space<vmem>>)
        tpu.yield
      }) : () -> ()
      %dma_start3A_73 = arith.constant 0 : i32
      %dma_start3A_74 = arith.constant 0 : i32
      %dma_start3A_75 = tpu.memref_slice %arg2[%dma_start3A_73, %dma_start3A_74] : memref<10240x128xf32, #tpu.memory_space<hbm>> -> memref<10240x128xf32, #tpu.memory_space<hbm>>
      tpu.enqueue_indirect_dma source(%dma_start3A_75 : memref<10240x128xf32, #tpu.memory_space<hbm>>) target(%arg11 : memref<80x128xf32, #tpu.memory_space<vmem>>) offsets(%arg7 : memref<80xi32, #tpu.memory_space<vmem>>) semaphore(%arg13 : memref<!tpu.dma_semaphore, #tpu.memory_space<semaphore_mem>>)
      %dma_wait3A_76 = arith.constant 0 : i32
      %dma_wait3A_77 = arith.constant 0 : i32
      %dma_wait3A_78 = tpu.memref_slice %arg2[%dma_wait3A_76, %dma_wait3A_77] : memref<10240x128xf32, #tpu.memory_space<hbm>> -> memref<10240x128xf32, #tpu.memory_space<hbm>>
      tpu.wait_indirect_dma semaphore(%arg14 : memref<!tpu.dma_semaphore, #tpu.memory_space<semaphore_mem>>) src(%dma_wait3A_78 : memref<10240x128xf32, #tpu.memory_space<hbm>>) dst(%arg12 : memref<80x128xf32, #tpu.memory_space<vmem>>)
      "tpu.region"() ({
        %run_scoped3A = tpu.sem_alloc : memref<!tpu.dma_semaphore, #tpu.memory_space<semaphore_mem>>
        %dma_start3A_82 = arith.constant 0 : i32
        %dma_start3A_83 = arith.constant 0 : i32
        %dma_start3A_84 = tpu.memref_slice %arg15[%dma_start3A_82, %dma_start3A_83] : memref<10240x128xf32, #tpu.memory_space<vmem_shared>> -> memref<10240x128xf32, #tpu.memory_space<vmem_shared>>
        tpu.enqueue_indirect_dma source(%arg12 : memref<80x128xf32, #tpu.memory_space<vmem>>) target(%dma_start3A_84 : memref<10240x128xf32, #tpu.memory_space<vmem_shared>>) offsets(%arg10 : memref<80xi32, #tpu.memory_space<vmem>>) semaphore(%run_scoped3A : memref<!tpu.dma_semaphore, #tpu.memory_space<semaphore_mem>>) {add = true}
        %dma_wait3A_85 = arith.constant 0 : i32
        %dma_wait3A_86 = arith.constant 0 : i32
        %dma_wait3A_87 = tpu.memref_slice %arg15[%dma_wait3A_85, %dma_wait3A_86] : memref<10240x128xf32, #tpu.memory_space<vmem_shared>> -> memref<10240x128xf32, #tpu.memory_space<vmem_shared>>
        tpu.wait_indirect_dma semaphore(%run_scoped3A : memref<!tpu.dma_semaphore, #tpu.memory_space<semaphore_mem>>) src(%arg12 : memref<80x128xf32, #tpu.memory_space<vmem>>) dst(%dma_wait3A_87 : memref<10240x128xf32, #tpu.memory_space<vmem_shared>>)
        tpu.yield
      }) : () -> ()
      %dma_wait3A_79 = arith.constant 0 : i32
      %dma_wait3A_80 = arith.constant 0 : i32
      %dma_wait3A_81 = tpu.memref_slice %arg2[%dma_wait3A_79, %dma_wait3A_80] : memref<10240x128xf32, #tpu.memory_space<hbm>> -> memref<10240x128xf32, #tpu.memory_space<hbm>>
      tpu.wait_indirect_dma semaphore(%arg13 : memref<!tpu.dma_semaphore, #tpu.memory_space<semaphore_mem>>) src(%dma_wait3A_81 : memref<10240x128xf32, #tpu.memory_space<hbm>>) dst(%arg11 : memref<80x128xf32, #tpu.memory_space<vmem>>)
      "tpu.region"() ({
        %run_scoped3A = tpu.sem_alloc : memref<!tpu.dma_semaphore, #tpu.memory_space<semaphore_mem>>
        %dma_start3A_82 = arith.constant 0 : i32
        %dma_start3A_83 = arith.constant 0 : i32
        %dma_start3A_84 = tpu.memref_slice %arg15[%dma_start3A_82, %dma_start3A_83] : memref<10240x128xf32, #tpu.memory_space<vmem_shared>> -> memref<10240x128xf32, #tpu.memory_space<vmem_shared>>
        tpu.enqueue_indirect_dma source(%arg11 : memref<80x128xf32, #tpu.memory_space<vmem>>) target(%dma_start3A_84 : memref<10240x128xf32, #tpu.memory_space<vmem_shared>>) offsets(%arg8 : memref<80xi32, #tpu.memory_space<vmem>>) semaphore(%run_scoped3A : memref<!tpu.dma_semaphore, #tpu.memory_space<semaphore_mem>>) {add = true}
        %dma_wait3A_85 = arith.constant 0 : i32
        %dma_wait3A_86 = arith.constant 0 : i32
        %dma_wait3A_87 = tpu.memref_slice %arg15[%dma_wait3A_85, %dma_wait3A_86] : memref<10240x128xf32, #tpu.memory_space<vmem_shared>> -> memref<10240x128xf32, #tpu.memory_space<vmem_shared>>
        tpu.wait_indirect_dma semaphore(%run_scoped3A : memref<!tpu.dma_semaphore, #tpu.memory_space<semaphore_mem>>) src(%arg11 : memref<80x128xf32, #tpu.memory_space<vmem>>) dst(%dma_wait3A_87 : memref<10240x128xf32, #tpu.memory_space<vmem_shared>>)
        tpu.yield
      }) : () -> ()
    }
    %scan3A_11 = arith.constant 25 : i32
    %barrier3A_12 = arith.constant 0 : index
    tpu.barrier barrier_id(%barrier3A_12)
    %mul3A_13 = arith.constant 10240 : i32
    %mul3A_14 = arith.muli %arg0, %mul3A_13 : i32
    %mul3A_15 = arith.constant 640 : i32
    %mul3A_16 = arith.muli %arg1, %mul3A_15 : i32
    %add3A_17 = arith.addi %mul3A_14, %mul3A_16 : i32
    %mul3A_18 = arith.constant 640 : i32
    %mul3A_19 = arith.muli %arg1, %mul3A_18 : i32
    "tpu.region"() ({
      %run_scoped3A = tpu.sem_alloc : memref<!tpu.dma_semaphore, #tpu.memory_space<semaphore_mem>>
      %dma_start3A = arith.constant 0 : i32
      %dma_start3A_20 = tpu.memref_slice %arg6[%add3A_17, %dma_start3A] : memref<20480x128xf32, #tpu.memory_space<hbm>> -> memref<640x128xf32, #tpu.memory_space<hbm>>
      %dma_start3A_21 = arith.constant 0 : i32
      %dma_start3A_22 = tpu.memref_slice %arg15[%mul3A_19, %dma_start3A_21] : memref<10240x128xf32, #tpu.memory_space<vmem_shared>> -> memref<640x128xf32, #tpu.memory_space<vmem_shared>>
      tpu.enqueue_dma source(%dma_start3A_22 : memref<640x128xf32, #tpu.memory_space<vmem_shared>>) target(%dma_start3A_20 : memref<640x128xf32, #tpu.memory_space<hbm>>) target_semaphore(%run_scoped3A : memref<!tpu.dma_semaphore, #tpu.memory_space<semaphore_mem>>)
      %dma_wait3A = arith.constant 0 : i32
      %dma_wait3A_23 = tpu.memref_slice %arg6[%add3A_17, %dma_wait3A] : memref<20480x128xf32, #tpu.memory_space<hbm>> -> memref<640x128xf32, #tpu.memory_space<hbm>>
      %dma_wait3A_24 = arith.constant 0 : i32
      %dma_wait3A_25 = tpu.memref_slice %arg15[%mul3A_19, %dma_wait3A_24] : memref<10240x128xf32, #tpu.memory_space<vmem_shared>> -> memref<640x128xf32, #tpu.memory_space<vmem_shared>>
      tpu.wait_dma2 semaphore(%run_scoped3A : memref<!tpu.dma_semaphore, #tpu.memory_space<semaphore_mem>>) src(%dma_wait3A_25 : memref<640x128xf32, #tpu.memory_space<vmem_shared>>) dst(%dma_wait3A_23 : memref<640x128xf32, #tpu.memory_space<hbm>>)
      tpu.yield
    }) : () -> ()
    return
  }
}

module attributes {stable_mosaic.version = 14 : i64} {
  func.func @_scale_body(%arg0: i32, %arg1: memref<512x128xf32, #tpu.memory_space<vmem>>, %arg2: memref<512x1xf32, #tpu.memory_space<vmem>>, %arg3: memref<512x128xf32, #tpu.memory_space<vmem>>) attributes {dimension_semantics = [#tpu.dimension_semantics<arbitrary>], iteration_bounds = array<i64: 20>, scalar_prefetch = 0 : i64, scratch_operands = 0 : i64, tpu.core_type = #tpu.core_type<tc>, window_params = [{transform_indices = @transform_0, window_bounds = array<i64: 512, 128>}, {transform_indices = @transform_1, window_bounds = array<i64: 512, 1>}, {transform_indices = @transform_2, window_bounds = array<i64: 512, 128>}]} {
    %get3A = arith.constant 0 : index
    %get3A_0 = arith.constant 0 : index
    %get3A_1 = vector.load %arg1[%get3A, %get3A_0] : memref<512x128xf32, #tpu.memory_space<vmem>>, vector<512x128xf32>
    %get3A_2 = arith.constant 0 : index
    %get3A_3 = arith.constant 0 : index
    %get3A_4 = vector.load %arg2[%get3A_2, %get3A_3] : memref<512x1xf32, #tpu.memory_space<vmem>>, vector<512x1xf32>
    %mul3A = vector.broadcast %get3A_4 : vector<512x1xf32> to vector<512x128xf32>
    %mul3A_5 = arith.mulf %get3A_1, %mul3A : vector<512x128xf32>
    %swap3A = arith.constant 0 : index
    %swap3A_6 = arith.constant 0 : index
    %swap3A_7 = vector.load %arg3[%swap3A, %swap3A_6] : memref<512x128xf32, #tpu.memory_space<vmem>>, vector<512x128xf32>
    tpu.vector_store %arg3[%swap3A, %swap3A_6], %mul3A_5 {strides = array<i32>} : memref<512x128xf32, #tpu.memory_space<vmem>>, vector<512x128xf32>,
    return
  }
  func.func @transform_0(%arg0: i32) -> (i32, i32) {
    %c0_i32 = arith.constant 0 : i32
    %c0_i32_0 = arith.constant 0 : i32
    return %arg0, %c0_i32 : i32, i32
  }
  func.func @transform_1(%arg0: i32) -> (i32, i32) {
    %c0_i32 = arith.constant 0 : i32
    %c0_i32_0 = arith.constant 0 : i32
    return %arg0, %c0_i32 : i32, i32
  }
  func.func @transform_2(%arg0: i32) -> (i32, i32) {
    %c0_i32 = arith.constant 0 : i32
    %c0_i32_0 = arith.constant 0 : i32
    return %arg0, %c0_i32 : i32, i32
  }
}

module attributes {stable_mosaic.version = 14 : i64} {
  func.func @_layer1_body(%arg0: i32, %arg1: memref<2x512x128xf32, #tpu.memory_space<vmem>>, %arg2: memref<512x1xf32, #tpu.memory_space<vmem>>, %arg3: memref<512x1xf32, #tpu.memory_space<vmem>>, %arg4: memref<128x128xf32, #tpu.memory_space<vmem>>, %arg5: memref<1x128xf32, #tpu.memory_space<vmem>>, %arg6: memref<512x128xf32, #tpu.memory_space<vmem>>) attributes {dimension_semantics = [#tpu.dimension_semantics<arbitrary>], iteration_bounds = array<i64: 20>, scalar_prefetch = 0 : i64, scratch_operands = 0 : i64, tpu.core_type = #tpu.core_type<tc>, window_params = [{transform_indices = @transform_0, window_bounds = array<i64: 2, 512, 128>}, {transform_indices = @transform_1, window_bounds = array<i64: 512, 1>}, {transform_indices = @transform_2, window_bounds = array<i64: 512, 1>}, {pipeline_mode = #tpu.pipeline_mode<synchronous>, transform_indices = @transform_3, window_bounds = array<i64: 128, 128>}, {pipeline_mode = #tpu.pipeline_mode<synchronous>, transform_indices = @transform_4, window_bounds = array<i64: 1, 128>}, {transform_indices = @transform_5, window_bounds = array<i64: 512, 128>}]} {
    %get3A = arith.constant 0 : index
    %get3A_0 = arith.constant 0 : index
    %get3A_1 = arith.constant 0 : index
    %get3A_2 = vector.load %arg1[%get3A, %get3A_0, %get3A_1] : memref<2x512x128xf32, #tpu.memory_space<vmem>>, vector<1x512x128xf32>
    %get3A_3 = vector.shape_cast %get3A_2 : vector<1x512x128xf32> to vector<512x128xf32>
    %get3A_4 = arith.constant 1 : index
    %get3A_5 = arith.constant 0 : index
    %get3A_6 = arith.constant 0 : index
    %get3A_7 = vector.load %arg1[%get3A_4, %get3A_5, %get3A_6] : memref<2x512x128xf32, #tpu.memory_space<vmem>>, vector<1x512x128xf32>
    %get3A_8 = vector.shape_cast %get3A_7 : vector<1x512x128xf32> to vector<512x128xf32>
    %add3A = arith.addf %get3A_3, %get3A_8 : vector<512x128xf32>
    %get3A_9 = arith.constant 0 : index
    %get3A_10 = arith.constant 0 : index
    %get3A_11 = vector.load %arg2[%get3A_9, %get3A_10] : memref<512x1xf32, #tpu.memory_space<vmem>>, vector<512x1xf32>
    %mul3A = vector.broadcast %get3A_11 : vector<512x1xf32> to vector<512x128xf32>
    %mul3A_12 = arith.mulf %add3A, %mul3A : vector<512x128xf32>
    %get3A_13 = arith.constant 0 : index
    %get3A_14 = arith.constant 0 : index
    %get3A_15 = vector.load %arg4[%get3A_13, %get3A_14] : memref<128x128xf32, #tpu.memory_space<vmem>>, vector<128x128xf32>
    %dot_general3A = arith.constant dense<0.000000e+00> : vector<512x128xf32>
    %dot_general3A_16 = tpu.matmul %mul3A_12, %get3A_15, %dot_general3A {dimension_numbers = #tpu.dot_dimension_numbers<[1], [0], [0], [1], [0, 0, 1, 1], [], []>, transpose_lhs_hint = false} : vector<512x128xf32>, vector<128x128xf32>, vector<512x128xf32> -> vector<512x128xf32>
    %get3A_17 = arith.constant 0 : index
    %get3A_18 = arith.constant 0 : index
    %get3A_19 = vector.load %arg5[%get3A_17, %get3A_18] : memref<1x128xf32, #tpu.memory_space<vmem>>, vector<1x128xf32>
    %add3A_20 = vector.broadcast %get3A_19 : vector<1x128xf32> to vector<512x128xf32>
    %add3A_21 = arith.addf %dot_general3A_16, %add3A_20 : vector<512x128xf32>
    %max3A = arith.constant 0.000000e+00 : f32
    %max3A_22 = vector.broadcast %max3A : f32 to vector<512x128xf32>
    %max3A_23 = arith.maximumf %add3A_21, %max3A_22 : vector<512x128xf32>
    %get3A_24 = arith.constant 0 : index
    %get3A_25 = arith.constant 0 : index
    %get3A_26 = vector.load %arg3[%get3A_24, %get3A_25] : memref<512x1xf32, #tpu.memory_space<vmem>>, vector<512x1xf32>
    %mul3A_27 = vector.broadcast %get3A_26 : vector<512x1xf32> to vector<512x128xf32>
    %mul3A_28 = arith.mulf %max3A_23, %mul3A_27 : vector<512x128xf32>
    %swap3A = arith.constant 0 : index
    %swap3A_29 = arith.constant 0 : index
    %swap3A_30 = vector.load %arg6[%swap3A, %swap3A_29] : memref<512x128xf32, #tpu.memory_space<vmem>>, vector<512x128xf32>
    tpu.vector_store %arg6[%swap3A, %swap3A_29], %mul3A_28 {strides = array<i32>} : memref<512x128xf32, #tpu.memory_space<vmem>>, vector<512x128xf32>,
    return
  }
  func.func @transform_0(%arg0: i32) -> (i32, i32, i32) {
    %c0_i32 = arith.constant 0 : i32
    %c0_i32_0 = arith.constant 0 : i32
    %c0_i32_1 = arith.constant 0 : i32
    return %c0_i32, %arg0, %c0_i32_0 : i32, i32, i32
  }
  func.func @transform_1(%arg0: i32) -> (i32, i32) {
    %c0_i32 = arith.constant 0 : i32
    %c0_i32_0 = arith.constant 0 : i32
    return %arg0, %c0_i32 : i32, i32
  }
  func.func @transform_2(%arg0: i32) -> (i32, i32) {
    %c0_i32 = arith.constant 0 : i32
    %c0_i32_0 = arith.constant 0 : i32
    return %arg0, %c0_i32 : i32, i32
  }
  func.func @transform_3(%arg0: i32) -> (i32, i32) {
    %c0_i32 = arith.constant 0 : i32
    %c0_i32_0 = arith.constant 0 : i32
    %c0_i32_1 = arith.constant 0 : i32
    return %c0_i32, %c0_i32_0 : i32, i32
  }
  func.func @transform_4(%arg0: i32) -> (i32, i32) {
    %c0_i32 = arith.constant 0 : i32
    %c0_i32_0 = arith.constant 0 : i32
    %c0_i32_1 = arith.constant 0 : i32
    return %c0_i32, %c0_i32_0 : i32, i32
  }
  func.func @transform_5(%arg0: i32) -> (i32, i32) {
    %c0_i32 = arith.constant 0 : i32
    %c0_i32_0 = arith.constant 0 : i32
    return %arg0, %c0_i32 : i32, i32
  }
}

module attributes {stable_mosaic.version = 14 : i64} {
  func.func @_layer2_body(%arg0: i32, %arg1: memref<2x512x128xf32, #tpu.memory_space<vmem>>, %arg2: memref<512x1xf32, #tpu.memory_space<vmem>>, %arg3: memref<128x128xf32, #tpu.memory_space<vmem>>, %arg4: memref<1x128xf32, #tpu.memory_space<vmem>>, %arg5: memref<1x128xf32, #tpu.memory_space<vmem>>) attributes {dimension_semantics = [#tpu.dimension_semantics<arbitrary>], iteration_bounds = array<i64: 20>, scalar_prefetch = 0 : i64, scratch_operands = 0 : i64, tpu.core_type = #tpu.core_type<tc>, window_params = [{transform_indices = @transform_0, window_bounds = array<i64: 2, 512, 128>}, {transform_indices = @transform_1, window_bounds = array<i64: 512, 1>}, {pipeline_mode = #tpu.pipeline_mode<synchronous>, transform_indices = @transform_2, window_bounds = array<i64: 128, 128>}, {pipeline_mode = #tpu.pipeline_mode<synchronous>, transform_indices = @transform_3, window_bounds = array<i64: 1, 128>}, {pipeline_mode = #tpu.pipeline_mode<synchronous>, transform_indices = @transform_4, window_bounds = array<i64: 1, 128>}]} {
    %get3A = arith.constant 0 : index
    %get3A_0 = arith.constant 0 : index
    %get3A_1 = arith.constant 0 : index
    %get3A_2 = vector.load %arg1[%get3A, %get3A_0, %get3A_1] : memref<2x512x128xf32, #tpu.memory_space<vmem>>, vector<1x512x128xf32>
    %get3A_3 = vector.shape_cast %get3A_2 : vector<1x512x128xf32> to vector<512x128xf32>
    %get3A_4 = arith.constant 1 : index
    %get3A_5 = arith.constant 0 : index
    %get3A_6 = arith.constant 0 : index
    %get3A_7 = vector.load %arg1[%get3A_4, %get3A_5, %get3A_6] : memref<2x512x128xf32, #tpu.memory_space<vmem>>, vector<1x512x128xf32>
    %get3A_8 = vector.shape_cast %get3A_7 : vector<1x512x128xf32> to vector<512x128xf32>
    %add3A = arith.addf %get3A_3, %get3A_8 : vector<512x128xf32>
    %get3A_9 = arith.constant 0 : index
    %get3A_10 = arith.constant 0 : index
    %get3A_11 = vector.load %arg2[%get3A_9, %get3A_10] : memref<512x1xf32, #tpu.memory_space<vmem>>, vector<512x1xf32>
    %mul3A = vector.broadcast %get3A_11 : vector<512x1xf32> to vector<512x128xf32>
    %mul3A_12 = arith.mulf %add3A, %mul3A : vector<512x128xf32>
    %get3A_13 = arith.constant 0 : index
    %get3A_14 = arith.constant 0 : index
    %get3A_15 = vector.load %arg3[%get3A_13, %get3A_14] : memref<128x128xf32, #tpu.memory_space<vmem>>, vector<128x128xf32>
    %dot_general3A = arith.constant dense<0.000000e+00> : vector<512x128xf32>
    %dot_general3A_16 = tpu.matmul %mul3A_12, %get3A_15, %dot_general3A {dimension_numbers = #tpu.dot_dimension_numbers<[1], [0], [0], [1], [0, 0, 1, 1], [], []>, transpose_lhs_hint = false} : vector<512x128xf32>, vector<128x128xf32>, vector<512x128xf32> -> vector<512x128xf32>
    %get3A_17 = arith.constant 0 : index
    %get3A_18 = arith.constant 0 : index
    %get3A_19 = vector.load %arg4[%get3A_17, %get3A_18] : memref<1x128xf32, #tpu.memory_space<vmem>>, vector<1x128xf32>
    %add3A_20 = vector.broadcast %get3A_19 : vector<1x128xf32> to vector<512x128xf32>
    %add3A_21 = arith.addf %dot_general3A_16, %add3A_20 : vector<512x128xf32>
    %max3A = arith.constant 0.000000e+00 : f32
    %max3A_22 = vector.broadcast %max3A : f32 to vector<512x128xf32>
    %max3A_23 = arith.maximumf %add3A_21, %max3A_22 : vector<512x128xf32>
    %iota3A = tpu.iota {dimensions = array<i32: 0>} : vector<512x1xi32>
    %mul3A_24 = arith.constant 512 : i32
    %mul3A_25 = arith.muli %arg0, %mul3A_24 : i32
    %add3A_26 = vector.broadcast %mul3A_25 : i32 to vector<512x1xi32>
    %add3A_27 = arith.addi %iota3A, %add3A_26 : vector<512x1xi32>
    %lt3A = arith.constant 10000 : i32
    %lt3A_28 = vector.broadcast %lt3A : i32 to vector<512x1xi32>
    %lt3A_29 = arith.cmpi slt, %add3A_27, %lt3A_28 : vector<512x1xi32>
    %jit3A = arith.constant 0.000000e+00 : f32
    %broadcast_in_dim3A = vector.shape_cast %lt3A_29 : vector<512x1xi1> to vector<512x1xi1>
    %broadcast_in_dim3A_30 = vector.broadcast %broadcast_in_dim3A : vector<512x1xi1> to vector<512x128xi1>
    %broadcast_in_dim3A_31 = vector.broadcast %jit3A : f32 to vector<512x128xf32>
    %select_n3A = arith.select %broadcast_in_dim3A_30, %max3A_23, %broadcast_in_dim3A_31 : vector<512x128xi1>, vector<512x128xf32>
    %reduce_sum3A = arith.constant dense<0.000000e+00> : vector<128xf32>
    %reduce_sum3A_32 = vector.multi_reduction <add>, %select_n3A, %reduce_sum3A [0] : vector<512x128xf32> to vector<128xf32>
    %broadcast_in_dim3A_33 = vector.shape_cast %reduce_sum3A_32 : vector<128xf32> to vector<1x128xf32>
    %eq3A = arith.constant 0 : i32
    %eq3A_34 = arith.cmpi eq, %arg0, %eq3A : i32
    %convert_element_type3A = arith.extui %eq3A_34 : i1 to i32
    %cond3A = arith.constant 0 : i32
    %cond3A_35 = arith.cmpi ne, %convert_element_type3A, %cond3A : i32
    scf.if %cond3A_35 {
      %broadcast_in_dim3A_47 = arith.constant 0.000000e+00 : f32
      %broadcast_in_dim3A_48 = vector.broadcast %broadcast_in_dim3A_47 : f32 to vector<1x128xf32>
      %swap3A_49 = arith.constant 0 : index
      %swap3A_50 = arith.constant 0 : index
      %swap3A_51 = vector.load %arg5[%swap3A_49, %swap3A_50] : memref<1x128xf32, #tpu.memory_space<vmem>>, vector<1x128xf32>
      tpu.vector_store %arg5[%swap3A_49, %swap3A_50], %broadcast_in_dim3A_48 {strides = array<i32>} : memref<1x128xf32, #tpu.memory_space<vmem>>, vector<1x128xf32>,
    } else {
    }
    %get3A_36 = arith.constant 0 : index
    %get3A_37 = arith.constant 0 : index
    %get3A_38 = vector.load %arg5[%get3A_36, %get3A_37] : memref<1x128xf32, #tpu.memory_space<vmem>>, vector<1x128xf32>
    %add3A_39 = arith.addf %get3A_38, %broadcast_in_dim3A_33 : vector<1x128xf32>
    %swap3A = arith.constant 0 : index
    %swap3A_40 = arith.constant 0 : index
    %swap3A_41 = vector.load %arg5[%swap3A, %swap3A_40] : memref<1x128xf32, #tpu.memory_space<vmem>>, vector<1x128xf32>
    tpu.vector_store %arg5[%swap3A, %swap3A_40], %add3A_39 {strides = array<i32>} : memref<1x128xf32, #tpu.memory_space<vmem>>, vector<1x128xf32>,
    %eq3A_42 = arith.constant 19 : i32
    %eq3A_43 = arith.cmpi eq, %arg0, %eq3A_42 : i32
    %convert_element_type3A_44 = arith.extui %eq3A_43 : i1 to i32
    %cond3A_45 = arith.constant 0 : i32
    %cond3A_46 = arith.cmpi ne, %convert_element_type3A_44, %cond3A_45 : i32
    scf.if %cond3A_46 {
      %get3A_47 = arith.constant 0 : index
      %get3A_48 = arith.constant 0 : index
      %get3A_49 = vector.load %arg5[%get3A_47, %get3A_48] : memref<1x128xf32, #tpu.memory_space<vmem>>, vector<1x128xf32>
      %mul3A_50 = arith.constant 9.99999974E-5 : f32
      %mul3A_51 = vector.broadcast %mul3A_50 : f32 to vector<1x128xf32>
      %mul3A_52 = arith.mulf %get3A_49, %mul3A_51 : vector<1x128xf32>
      %swap3A_53 = arith.constant 0 : index
      %swap3A_54 = arith.constant 0 : index
      %swap3A_55 = vector.load %arg5[%swap3A_53, %swap3A_54] : memref<1x128xf32, #tpu.memory_space<vmem>>, vector<1x128xf32>
      tpu.vector_store %arg5[%swap3A_53, %swap3A_54], %mul3A_52 {strides = array<i32>} : memref<1x128xf32, #tpu.memory_space<vmem>>, vector<1x128xf32>,
    } else {
    }
    return
  }
  func.func @transform_0(%arg0: i32) -> (i32, i32, i32) {
    %c0_i32 = arith.constant 0 : i32
    %c0_i32_0 = arith.constant 0 : i32
    %c0_i32_1 = arith.constant 0 : i32
    return %c0_i32, %arg0, %c0_i32_0 : i32, i32, i32
  }
  func.func @transform_1(%arg0: i32) -> (i32, i32) {
    %c0_i32 = arith.constant 0 : i32
    %c0_i32_0 = arith.constant 0 : i32
    return %arg0, %c0_i32 : i32, i32
  }
  func.func @transform_2(%arg0: i32) -> (i32, i32) {
    %c0_i32 = arith.constant 0 : i32
    %c0_i32_0 = arith.constant 0 : i32
    %c0_i32_1 = arith.constant 0 : i32
    return %c0_i32, %c0_i32_0 : i32, i32
  }
  func.func @transform_3(%arg0: i32) -> (i32, i32) {
    %c0_i32 = arith.constant 0 : i32
    %c0_i32_0 = arith.constant 0 : i32
    %c0_i32_1 = arith.constant 0 : i32
    return %c0_i32, %c0_i32_0 : i32, i32
  }
  func.func @transform_4(%arg0: i32) -> (i32, i32) {
    %c0_i32 = arith.constant 0 : i32
    %c0_i32_0 = arith.constant 0 : i32
    %c0_i32_1 = arith.constant 0 : i32
    return %c0_i32, %c0_i32_0 : i32, i32
  }
}

</mosaic_0001>

<sc_bundles>
// kernel: kernel.12.cloned.1.call-start
scs
__scs_entry_jumppad:
0x0: {  	(pc) =	sbr.rel $0x88, $3  }
0x1: {  	(tag) =	ssettag $0x0;
	lr =	simm.s32 $0x1  }
0x2: {  	[smem:$0x3F9A] =	sst lr;
	_ =	strace $0xD0000000  }
0x3: {  	_ = 	snop  }
0x4: {  	_ = 	snop  }
0x5: {  	_ = 	snop  }
0x6: {  	_ = 	snop  }
0x7: {  	_ = 	snop  }
__scs_overlays_trampoline_lowered:
0x8: {  	[smem:$0x3FA9] =	sst s0  }
0x9: {  	[smem:$0x3FAA] =	sst s1  }
0xa: {  	[smem:$0x3FAB] =	sst s2  }
0xb: {  	[smem:$0x3FAC] =	sst s3  }
0xc: {  	[smem:$0x3FAD] =	sst s4  }
0xd: {  	[smem:$0x3FAE] =	sst s5  }
0xe: {  	[smem:$0x3FAF] =	sst s6  }
0xf: {  	[smem:$0x3FB0] =	sst s7  }
0x10: {  	[smem:$0x3FB1] =	sst s8  }
0x11: {  	[smem:$0x3FB2] =	sst s9;
	s0 =	simm.s32 @!p0 $0x0  }
0x12: {  	s1 =	sld [smem:$0x3F98];
	s0 =	simm.s32 @p0 $0x1  }
0x13: {  	[smem:$0x3FB3] =	sst s0;
	s0 =	simm.s32 @!p1 $0x0  }
0x14: {  	s2 =	sld [smem:$0x3F97];
	s0 =	simm.s32 @p1 $0x1  }
0x15: {  	[smem:$0x3FB4] =	sst s0;
	s0 =	simm.s32 @!p2 $0x0  }
0x16: {  	s3 =	sld [smem:$0x3FDB];
	s0 =	simm.s32 @p2 $0x1  }
0x17: {  	s4 =	simm.s32 $0x1BF5;
	[smem:$0x3FB6] =	sst s0  }
0x18: {  	s0 =	sld [smem:$0x3F99];
	_ =	swait.ge [sflag:s4], $0x0  }
0x19: {  	s7 =	sld [smem:$0x3F9A]  }
0x1a: {  	s8 =	sadd.s32 $0xFFFFE003, lr  }
0x1b: {  	s9 =	sadd.s32 $0xFFFFFEF7, lr;
	s5 =	simm.s32 $0xFFFFFFFF;
	p2 =	slt.u32 s8, $0xFFFFF086  }
0x1c: {  	p1 =	slt.u32 s9, $0xF7A;
	s5 =	simm.s32 @!p2 $0x0  }
0x1d: {  	s5 =	simm.s32 @p1 $0x1;
	p0 =	seq.s32 s7, s2  }
0x1e: {  	s7 =	smul.u32 @!p0 $0xF7A, s2;
	p2 =	seq.s32 @!p0 s5, $0x0  }
0x1f: {  	s9 =	smul.u32 $0xF7A, s1;
	s8 =	simm.s32 @!p0 $0x1BF5;
	p2 =	por !p2, p0  }
0x20: {  	[sflag:s8] =	ssyncset.s32 @!p0 $0xFFFFF086;
	s6 =	sadd.s32 @!p0 s3, s7;
	s7 =	simm.s32 @!p0 $0x108  }
0x21: {  	s3 =	sadd.s32 s3, s9;
	s6 =	sadd.s32 @!p0 $0x88, s6;
	s7 =	simm.s32 @p2 $0x1082  }
0x22: {  	[simem:s7], [sflag:s8] =	dma.local @!p0 [hbm:s6], $0xF7A  }
0x23: {  	s9 =	sor.u32 $0xD0000000, s2;
	s6 =	simm.s32 $0x108;
	_ =	swait.ge @!p0 [sflag:s8], $0x0  }
0x24: {  	s3 =	sadd.s32 $0x88, s3;
	s6 =	simm.s32 @!p1 $0x1082;
	[sflag:s4] =	ssyncset.s32 $0xFFFFF086  }
0x25: {  	[simem:s6], [sflag:s4] =	dma.local [hbm:s3], $0xF7A  }
0x26: {  	[smem:$0x3F9A] =	sst s1;
	(tag) =	ssettag s2;
	_ =	strace s9  }
0x27: {  	s1 =	sld [smem:$0x3FAA]  }
0x28: {  	s2 =	sld [smem:$0x3FAB]  }
0x29: {  	s4 =	sld [smem:$0x3FAD]  }
0x2a: {  	p0 =	seq.s32 s5, $0x0;
	s5 =	sld [smem:$0x3FAE]  }
0x2b: {  	s6 =	sld [smem:$0x3FAF]  }
0x2c: {  	s7 =	sld [smem:$0x3FB0]  }
0x2d: {  	s3 =	simm.s32 $0x108;
	s8 =	sld [smem:$0x3FB1]  }
0x2e: {  	s3 =	simm.s32 @!p0 $0x1082;
	s9 =	sld [smem:$0x3FB2]  }
0x2f: {  	lr =	sadd.s32 s0, s3;
	s0 =	sld [smem:$0x3FA9]  }
0x30: {  	s3 =	sld [smem:$0x3FAC]  }
0x31: {  	[smem:$0x3FB5] =	sst s10  }
0x32: {  	s10 =	sld [smem:$0x3FB3];
	_ =	sdelay $0x3  }
0x33: {  	p0 =	seq.s32 s10, $0x1;
	s10 =	sld [smem:$0x3FB5];
	_ =	sdelay $0x3  }
0x34: {  	[smem:$0x3FB5] =	sst s10  }
0x35: {  	s10 =	sld [smem:$0x3FB4];
	_ =	sdelay $0x3  }
0x36: {  	p1 =	seq.s32 s10, $0x1;
	s10 =	sld [smem:$0x3FB5];
	_ =	sdelay $0x3  }
0x37: {  	[smem:$0x3FB5] =	sst s10  }
0x38: {  	s10 =	sld [smem:$0x3FB6]  }
0x39: {  	_ = 	snop;
	(pc) =	sbr.ind lr, $3  }
0x3a: {  	_ = 	snop  }
0x3b: {  	_ = 	snop  }
0x3c: {  	p2 =	seq.s32 s10, $0x1;
	s10 =	sld [smem:$0x3FB5]  }
0x3d: {  	_ =	shalt  }
0x3e: {  	_ =	shalt  }
0x3f: {  	_ =	shalt  }
0x40: {  	_ =	shalt  }
0x41: {  	_ =	shalt  }
0x42: {  	_ =	shalt  }
0x43: {  	_ =	shalt  }
0x44: {  	_ =	shalt  }
0x45: {  	_ =	shalt  }
0x46: {  	_ =	shalt  }
0x47: {  	_ =	shalt  }
0x48: {  	_ =	shalt  }
0x49: {  	_ =	shalt  }
0x4a: {  	_ =	shalt  }
0x4b: {  	_ =	shalt  }
0x4c: {  	_ =	shalt  }
0x4d: {  	_ =	shalt  }
0x4e: {  	_ =	shalt  }
0x4f: {  	_ =	shalt  }
0x50: {  	_ =	shalt  }
0x51: {  	_ =	shalt  }
0x52: {  	_ =	shalt  }
0x53: {  	_ =	shalt  }
0x54: {  	_ =	shalt  }
0x55: {  	_ =	shalt  }
0x56: {  	_ =	shalt  }
0x57: {  	_ =	shalt  }
0x58: {  	_ =	shalt  }
0x59: {  	_ =	shalt  }
0x5a: {  	_ =	shalt  }
0x5b: {  	_ =	shalt  }
0x5c: {  	_ =	shalt  }
0x5d: {  	_ =	shalt  }
0x5e: {  	_ =	shalt  }
0x5f: {  	_ =	shalt  }
0x60: {  	_ =	shalt  }
0x61: {  	_ =	shalt  }
0x62: {  	_ =	shalt  }
0x63: {  	_ =	shalt  }
0x64: {  	_ =	shalt  }
0x65: {  	_ =	shalt  }
0x66: {  	_ =	shalt  }
0x67: {  	_ =	shalt  }
0x68: {  	_ =	shalt  }
0x69: {  	_ =	shalt  }
0x6a: {  	_ =	shalt  }
0x6b: {  	_ =	shalt  }
0x6c: {  	_ =	shalt  }
0x6d: {  	_ =	shalt  }
0x6e: {  	_ =	shalt  }
0x6f: {  	_ =	shalt  }
0x70: {  	_ =	shalt  }
0x71: {  	_ =	shalt  }
0x72: {  	_ =	shalt  }
0x73: {  	_ =	shalt  }
0x74: {  	_ =	shalt  }
0x75: {  	_ =	shalt  }
0x76: {  	_ =	shalt  }
0x77: {  	_ =	shalt  }
0x78: {  	_ =	shalt  }
0x79: {  	_ =	shalt  }
0x7a: {  	_ =	shalt  }
0x7b: {  	_ =	shalt  }
0x7c: {  	_ =	shalt  }
0x7d: {  	_ =	shalt  }
0x7e: {  	_ =	shalt  }
0x7f: {  	_ =	shalt  }
0x80: {  	_ =	shalt  }
0x81: {  	_ =	shalt  }
0x82: {  	_ =	shalt  }
0x83: {  	_ =	shalt  }
0x84: {  	_ =	shalt  }
0x85: {  	_ =	shalt  }
0x86: {  	_ =	shalt  }
0x87: {  	_ =	shalt  }
.Lfunc_end0:
.L_simem_size_0:
called_computation.1_lowered:
.L_overlay_start_0:
0x88: {  	s2 =	sld [smem:$0x3FD9]  }
0x89: {  	s3 =	sld [smem:$0x3FFE];
	_ =	sdelay $0x1  }
0x8a: {  	s1 =	srdreg.scid  }
0x8b: {  	s0 =	sand.u32 $0x1, s1  }
0x8c: {  	s16 =	sshll.u32 s0, $0xA;
	s2 =	sadd.s32 s3, s2  }
0x8d: {  	s2 =	sadd.s32 s2, s16  }
0x8e: {  	[smem:$0x3FC1] =	sst s2  }
0x8f: {  	_ = 	snop  }
0x90: {  	(tm) =	ssettm $0x1  }
0x91: {  	s17 =	sld [smem:$0x3FFB];
	_ =	sdelay $0x3  }
0x92: {  	_ =	strace s17  }
0x93: {  	s2 =	sld [smem:$0x3FFC];
	_ =	sdelay $0x3  }
0x94: {  	_ =	strace s2  }
0x95: {  	s2 =	sld [smem:$0x3FFD];
	_ =	sdelay $0x3  }
0x96: {  	_ =	strace s2  }
0x97: {  	_ =	strace $0x8FFFFFFF  }
0x98: {  	s18 =	sld [smem:$0x3FDB];
	_ =	sdelay $0x1  }
0x99: {  	s19 =	simm.s32 $_scs_section_size  }
0x9a: {  	s4 =	simm.s32 $_size__tile_overlayer_lowered;
	s5 =	simm.s32 $_tile_overlayer_lowered  }
0x9b: {  	s22 =	simm.s32 $0x1BFF;
	s21 =	sshll.u32 s5, $0x1;
	s2 =	sadd.s32 s19, s18  }
0x9c: {  	s6 =	simm.s32 $0x0;
	s20 =	sshll.u32 s4, $0x1;
	s4 =	sadd.s32 s21, s2  }
0x9d: {  	[timem:s6], [sflag:s22] =	dma.local [hbm:s4], s20  }
0x9e: {  	_ =	swait.ge [sflag:s22], s20  }
0x9f: {  	s3 =	ssub.s32 $0x0, s20;
	[sflag:s22] =	ssyncset.done $0x0  }
0xa0: {  	[sflag:s22] =	ssyncadd.s32 s3;
	_ =	sdelay $0x1  }
0xa1: {  	s23 =	simm.s32 $0x1B8B  }
0xa2: {  	_ =	swait.ge [sflag:s23], $0x1  }
0xa3: {  	[sflag:s23] =	ssyncset.done $0x0  }
0xa4: {  	s25 =	simm.s32 $0x1B8E;
	s24 =	sld [smem:$0x3FFE];
	[sflag:s23] =	ssyncadd.s32 $0xFFFFFFFF  }
0xa5: {  	s26 =	simm.s32 $execute0_lowered;
	[smem:$0x3FD2] =	sst s25  }
0xa6: {  	s4 =	sshll.u32 s26, $0x1;
	_ =	strace $0x80000046;
	[dreg:$0x1] =	wrdreg $0xFFFFFFFF  }
0xa7: {  	s28 =	simm.s32 $_size_execute0_lowered;
	s2 =	sadd.s32 s2, s4;
	[dreg:$0x0] =	wrdreg $0x0  }
0xa8: {  	s4 =	sshll.u32 s28, $0x1;
	[dreg:$0x2] =	wrdreg s2  }
0xa9: {  	[dreg:$0x3] =	wrdreg s4  }
0xaa: {  	[dreg:$0x4] =	wrdreg $0xC0  }
0xab: {  	_ =	task [dreg:s6], $0x5FFFF  }
0xac: {  	[dreg:$0x1] =	wrdreg $0xFFFFFFFF  }
0xad: {  	[dreg:$0x0] =	wrdreg $0x60  }
0xae: {  	[dreg:$0x2] =	wrdreg s24  }
0xaf: {  	[dreg:$0x3] =	wrdreg $0x51000  }
0xb0: {  	[dreg:$0x4] =	wrdreg $0xA  }
0xb1: {  	_ =	task.clear_ibuf [dreg:s6], $0x5FFFF;
	_ =	strace $0x90000046  }
0xb2: {  	s29 =	simm.s32 $0xA;
	_ =	strace $0x80000048  }
0xb3: {  	_ =	swait.ge [sflag:s29], $0x1  }
0xb4: {  	[sflag:s29] =	ssyncadd.s32 $0xFFFFFFFF  }
0xb5: {  	_ =	strace $0x90000048  }
0xb6: {  	_ =	sfence  }
0xb7: {  	s30 =	sld [smem:$0x0];
	_ =	sdelay $0x2  }
0xb8: {  	s31 =	sshll.u32 s1, $0xD;
	s1 =	sshrl.u32 s1, $0x2  }
0xb9: {  	s3 =	sand.u32 $0x4000, s31;
	s1 =	sadd.s32 s1, s30  }
0xba: {  	s0 =	sor.u32 s3, s0;
	s1 =	sshll.u32 s1, $0x11  }
0xbb: {  	s0 =	sor.u32 s1, s0  }
0xbc: {  	s0 =	sadd.s32 $0x8F2B, s0  }
0xbd: {  	[sflag:s0] =	ssyncadd.remote.s32 $0x1  }
0xbe: {  	_ =	sfence.sel $0xFFFF  }
0xbf: {  	[dreg:$0x0] =	wrdreg $0xFFFFFFFF;
	(pc) =	sbr.abs _section_cstart, $3  }
0xc0: {  	[dreg:$0x1] =	wrdreg $0xFFFFFFFF  }
0xc1: {  	_ =	task.clear_ibuf [dreg:s6], $0x2FFFF;
	_ =	strace $0x9FFFFFFF  }
0xc2: {  	(tm) =	ssettm $0x7FFFFFFF  }
0xc3: {  	_ =	shalt  }
tec
execute0_lowered:
.L_overlay_start_1:
0x0: {  	(tag) =	ssettag $0x1  }
0x1: {  	s0 =	srdreg.scid  }
0x2: {  	s16 =	stileid.u32;
	s6 =	rddreg [dreg:$0x0]  }
0x3: {  	s1 =	rddreg [dreg:$0x1];
	s2 =	simm.s32 $0x0;
	s12 =	simm.s32 $0x1  }
0x4: {  	s13 =	simm.s32 $0x2900;
	s14 =	simm.s32 $0x50;
	s3 =	smul.u32 $0x4E20, s16  }
0x5: {  	s15 =	simm.s32 $0x80;
	s18 =	simm.s32 $0x0;
	s9 =	smul.u32 $0x2800, s16  }
0x6: {  	s7 =	sand.u32 $0x1, s0;
	s0 =	rddreg [dreg:$0x2];
	s11 =	smul.u32 $0x50000, s16  }
0x7: {  	[smem:$0x7FF] =	sst s2;
	s5 =	sadd.s32 $0x16400, s6;
	s4 =	smul.u32 $0x2710, s7  }
0x8: {  	p0 =	sne.s32 s16, $0x0;
	s16 =	sshll.u32 s16, $0x6;
	s8 =	smul.u32 $0x28000, s7  }
0x9: {  	_ =	strace $0x80000047;
	s7 =	ssub.s32 $0x2, s7;
	s16 =	sor.u32 $0x1C01, s16  }
0xa: {  	s31 =	sshrl.u32 s7, $0x1;
	s11 =	sshrl.u32 s11, $0x2;
	s3 =	sadd.s32 s4, s3  }
0xb: {  	s4 =	sadd.s32 $0x15800, s6;
	s8 =	sadd.s32 s9, s8;
	s7 =	ssub.s32 s7, s31  }
0xc: {  	s17 =	sadd.s32 s11, s1;
	s11 =	simm.s32 $0x100;
	s3 =	sshrl.u32 s3, $0x3  }
0xd: {  	s10 =	sadd.s32 s3, s6;
	s3 =	sadd.s32 $0x15E00, s6;
	s6 =	sadd.s32 s8, s6  }
0xe: {  	s7 =	smax.u32 s7, $0x1;
	s17 =	sshrl.u32 s17, $0x3;
	s6 =	sadd.s32 $0x3E400, s6  }
0xf: {  	s8 =	sadd.s32 $0x1C00, s10;
	s9 =	sadd.s32 $0xBA00, s10;
	s10 =	sshrl.u32 @!p0 s1, $0x3  }
.LBB2_1:
0x10: {  	s19 =	simm.s32 @!p0 $0x1C01  }
0x11: {  	[spmem:s10], [sflag:s19] =	dma.local @!p0 [hbm:s5], $0x28000  }
0x12: {  	s19 =	simm.s32 @!p0 $0x1  }
0x13: {  	_ =	swait.ge @!p0 [sflag:s19], $0x28000  }
0x14: {  	[sflag:s19] =	ssyncset.done @!p0 $0x0  }
0x15: {  	[sflag:s19] =	ssyncadd.s32 @!p0 $0xFFFD8000  }
0x16: {  	[tilespmem:s11], [sflag:$0x1] =	stream.linear.gather [hbm4b:s3+s2], $0x2800, $0x38;
	[tilespmem:$0x19100] =	vst v63  }
0x17: {  	_ =	swait.ge [sflag:s12], $0x2800  }
0x18: {  	[sflag:s12] =	ssyncset.done $0x0  }
0x19: {  	[sflag:s12] =	ssyncadd.s32 $0xFFFFD800  }
0x1a: {  	[tilespmem:s13], [sflag:$0x1] =	stream.linear.gather [hbm4b:s4+s2], $0x2800, $0x38;
	[tilespmem:$0x19100] =	vst v63  }
0x1b: {  	_ =	swait.ge [sflag:s12], $0x2800  }
0x1c: {  	[sflag:s12] =	ssyncset.done $0x0  }
0x1d: {  	[sflag:s12] =	ssyncadd.s32 $0xFFFFD800  }
0x1e: {  	s30 =	sadd.s32 $0x0, s9;
	[bflag:$0x0] =	sbarrier.arrive $0xFFFF  }
0x1f: {  	[tilespmem:s2], [sflag:$0x1] =	stream.linear.gather [hbm4b:s30+s2], $0x50, $0x38;
	[tilespmem:$0x19100] =	vst v63  }
0x20: {  	_ =	swait.ge [sflag:s12], $0x50  }
0x21: {  	[sflag:s12] =	ssyncset.done $0x0  }
0x22: {  	[sflag:s12] =	ssyncadd.s32 $0xFFFFFFB0  }
0x23: {  	[spmem:s1] =	stream.indirect.scatter.add.f32 [tilespmem:s11], [sflag:$0x1], $0x80, s2, s14, $0xb8;
	[tilespmem:$0x19100] =	vst v63  }
0x24: {  	_ =	swait.ge [sflag:s12], $0x2800  }
0x25: {  	[sflag:s12] =	ssyncset.done $0x0  }
0x26: {  	s31 =	sadd.s32 $0x0, s8;
	[sflag:s12] =	ssyncadd.s32 $0xFFFFD800  }
0x27: {  	[tilespmem:s15], [sflag:$0x1] =	stream.linear.gather [hbm4b:s31+s2], $0x50, $0x38;
	[tilespmem:$0x19100] =	vst v63  }
0x28: {  	_ =	swait.ge [sflag:s12], $0x50  }
0x29: {  	[sflag:s12] =	ssyncset.done $0x0  }
0x2a: {  	[sflag:s12] =	ssyncadd.s32 $0xFFFFFFB0  }
0x2b: {  	[spmem:s1] =	stream.indirect.scatter.add.f32 [tilespmem:s13], [sflag:$0x1], $0x80, s15, s14, $0xb8;
	[tilespmem:$0x19100] =	vst v63  }
0x2c: {  	_ =	swait.ge [sflag:s12], $0x2800  }
0x2d: {  	s20 =	simm.s32 $0x14;
	s19 =	simm.s32 $0xA;
	[sflag:s12] =	ssyncset.done $0x0  }
.LBB2_2:
0x2e: {  	s21 =	sadd.s32 s19, s9  }
0x2f: {  	[sflag:s12] =	ssyncadd.s32 $0xFFFFD800;
	s22 =	smov.u32 s20;
	s23 =	sadd.s32 $0xA, s20  }
0x30: {  	[tilespmem:s2], [sflag:$0x1] =	stream.linear.gather [hbm4b:s21+s2], $0x50, $0x38;
	[tilespmem:$0x19100] =	vst v63  }
0x31: {  	p1 =	sne.s32 s20, $0x4D8;
	_ =	swait.ge [sflag:s12], $0x50  }
0x32: {  	[sflag:s12] =	ssyncset.done $0x0  }
0x33: {  	[sflag:s12] =	ssyncadd.s32 $0xFFFFFFB0  }
0x34: {  	[spmem:s1] =	stream.indirect.scatter.add.f32 [tilespmem:s11], [sflag:$0x1], $0x80, s2, s14, $0xb8;
	[tilespmem:$0x19100] =	vst v63  }
0x35: {  	_ =	swait.ge [sflag:s12], $0x2800  }
0x36: {  	[sflag:s12] =	ssyncset.done $0x0  }
0x37: {  	s20 =	sadd.s32 s19, s8;
	s19 =	smov.u32 s22;
	[sflag:s12] =	ssyncadd.s32 $0xFFFFD800  }
0x38: {  	[tilespmem:s15], [sflag:$0x1] =	stream.linear.gather [hbm4b:s20+s2], $0x50, $0x38;
	[tilespmem:$0x19100] =	vst v63  }
0x39: {  	_ =	swait.ge [sflag:s12], $0x50  }
.Ltmp0:
0x3a: {  	[sflag:s12] =	ssyncset.done $0x0;
	(pc) =	sbr.rel @p1 .LBB2_2-.Ltmp0, $4  }
0x3b: {  	[sflag:s12] =	ssyncadd.s32 $0xFFFFFFB0  }
0x3c: {  	[spmem:s1] =	stream.indirect.scatter.add.f32 [tilespmem:s13], [sflag:$0x1], $0x80, s15, s14, $0xb8;
	[tilespmem:$0x19100] =	vst v63  }
0x3d: {  	_ =	swait.ge [sflag:s12], $0x2800  }
0x3e: {  	s20 =	smov.u32 s23;
	[sflag:s12] =	ssyncset.done $0x0  }
0x3f: {  	s20 =	sadd.s32 s19, s9;
	[sflag:s12] =	ssyncadd.s32 $0xFFFFD800  }
0x40: {  	[tilespmem:s2], [sflag:$0x1] =	stream.linear.gather [hbm4b:s20+s2], $0x50, $0x38;
	[tilespmem:$0x19100] =	vst v63  }
0x41: {  	_ =	swait.ge [sflag:s12], $0x50  }
0x42: {  	[sflag:s12] =	ssyncset.done $0x0  }
0x43: {  	[sflag:s12] =	ssyncadd.s32 $0xFFFFFFB0  }
0x44: {  	[spmem:s1] =	stream.indirect.scatter.add.f32 [tilespmem:s11], [sflag:$0x1], $0x80, s2, s14, $0xb8;
	[tilespmem:$0x19100] =	vst v63  }
0x45: {  	_ =	swait.ge [sflag:s12], $0x2800  }
0x46: {  	[sflag:s12] =	ssyncset.done $0x0  }
0x47: {  	s31 =	sadd.s32 s19, s8;
	[sflag:s12] =	ssyncadd.s32 $0xFFFFD800  }
0x48: {  	[tilespmem:s15], [sflag:$0x1] =	stream.linear.gather [hbm4b:s31+s2], $0x50, $0x38;
	[tilespmem:$0x19100] =	vst v63  }
0x49: {  	_ =	swait.ge [sflag:s12], $0x50  }
0x4a: {  	[sflag:s12] =	ssyncset.done $0x0  }
0x4b: {  	[sflag:s12] =	ssyncadd.s32 $0xFFFFFFB0  }
0x4c: {  	[spmem:s1] =	stream.indirect.scatter.add.f32 [tilespmem:s13], [sflag:$0x1], $0x80, s15, s14, $0xb8;
	[tilespmem:$0x19100] =	vst v63  }
0x4d: {  	_ =	swait.ge [sflag:s12], $0x2800  }
0x4e: {  	s18 =	sadd.s32 $0x1, s18;
	[sflag:s12] =	ssyncset.done $0x0  }
0x4f: {  	p1 =	sne.s32 s18, s7;
	[sflag:s12] =	ssyncadd.s32 $0xFFFFD800  }
.Ltmp1:
0x50: {  	[bflag:$0x0] =	sbarrier.arrive $0xFFFF;
	(pc) =	sbr.rel @p1 .LBB2_1-.Ltmp1, $4  }
0x51: {  	[hbm:s6], [sflag:s16] =	dma.local [spmem:s17], $0x2800  }
0x52: {  	_ =	swait.ge [sflag:s12], $0x2800  }
0x53: {  	[sflag:s12] =	ssyncset.done $0x0  }
0x54: {  	[sflag:s12] =	ssyncadd.s32 $0xFFFFD800  }
0x55: {  	_ =	sfence.sel $0x180000  }
0x56: {  	[bflag:$0x0] =	sbarrier.arrive $0xFFFF  }
0x57: {  	_ =	strace $0x90000047  }
0x58: {  	s0 =	sadd.s32 @!p0 $0x100000, s0;
	[bflag:$0x2] =	sbarrier.arrive $0xFFFF  }
0x59: {  	[sflag:s0] =	ssyncadd.tile.s32 @!p0 $0x1;
	_ =	shalt  }
.Lfunc_end2:
_tile_overlayer_lowered:
.L_overlay_start_2:
0x5a: {  	(tag) =	ssettag $0x2  }
0x5b: {  	s0 =	rddreg [dreg:$0x0];
	s2 =	stileid.u32  }
0x5c: {  	s1 =	rddreg [dreg:$0x1];
	p0 =	sne.s32 s2, $0x0  }
0x5d: {  	s3 =	rddreg [dreg:$0x2];
	[bflag:$0x3] =	sbarrier.arrive $0xFFFF;
	s2 =	simm.s32 @!p0 $0x1C01  }
0x5e: {  	[timem:s3], [sflag:s2] =	dma.local @!p0 [hbm:s0], s1  }
0x5f: {  	s0 =	simm.s32 @!p0 $0x1  }
0x60: {  	_ =	swait.ge @!p0 [sflag:s0], s1  }
0x61: {  	s1 =	ssub.s32 @!p0 $0x0, s1;
	[sflag:s0] =	ssyncset.done @!p0 $0x0  }
0x62: {  	[sflag:s0] =	ssyncadd.s32 @!p0 s1  }
0x63: {  	[bflag:$0x3] =	sbarrier.arrive $0xFFFF  }
0x64: {  	_ =	shalt  }

// kernel: kernel.15.cloned.1.call-start
scs
__scs_entry_jumppad:
0x0: {  	(pc) =	sbr.rel $0x88, $3  }
0x1: {  	(tag) =	ssettag $0x0;
	lr =	simm.s32 $0x1  }
0x2: {  	[smem:$0x3F9A] =	sst lr;
	_ =	strace $0xD0000000  }
0x3: {  	_ = 	snop  }
0x4: {  	_ = 	snop  }
0x5: {  	_ = 	snop  }
0x6: {  	_ = 	snop  }
0x7: {  	_ = 	snop  }
__scs_overlays_trampoline_lowered:
0x8: {  	[smem:$0x3FA9] =	sst s0  }
0x9: {  	[smem:$0x3FAA] =	sst s1  }
0xa: {  	[smem:$0x3FAB] =	sst s2  }
0xb: {  	[smem:$0x3FAC] =	sst s3  }
0xc: {  	[smem:$0x3FAD] =	sst s4  }
0xd: {  	[smem:$0x3FAE] =	sst s5  }
0xe: {  	[smem:$0x3FAF] =	sst s6  }
0xf: {  	[smem:$0x3FB0] =	sst s7  }
0x10: {  	[smem:$0x3FB1] =	sst s8  }
0x11: {  	[smem:$0x3FB2] =	sst s9;
	s0 =	simm.s32 @!p0 $0x0  }
0x12: {  	s1 =	sld [smem:$0x3F98];
	s0 =	simm.s32 @p0 $0x1  }
0x13: {  	[smem:$0x3FB3] =	sst s0;
	s0 =	simm.s32 @!p1 $0x0  }
0x14: {  	s2 =	sld [smem:$0x3F97];
	s0 =	simm.s32 @p1 $0x1  }
0x15: {  	[smem:$0x3FB4] =	sst s0;
	s0 =	simm.s32 @!p2 $0x0  }
0x16: {  	s3 =	sld [smem:$0x3FDB];
	s0 =	simm.s32 @p2 $0x1  }
0x17: {  	s4 =	simm.s32 $0x1BF5;
	[smem:$0x3FB6] =	sst s0  }
0x18: {  	s0 =	sld [smem:$0x3F99];
	_ =	swait.ge [sflag:s4], $0x0  }
0x19: {  	s7 =	sld [smem:$0x3F9A]  }
0x1a: {  	s8 =	sadd.s32 $0xFFFFE003, lr  }
0x1b: {  	s9 =	sadd.s32 $0xFFFFFEF7, lr;
	s5 =	simm.s32 $0xFFFFFFFF;
	p2 =	slt.u32 s8, $0xFFFFF086  }
0x1c: {  	p1 =	slt.u32 s9, $0xF7A;
	s5 =	simm.s32 @!p2 $0x0  }
0x1d: {  	s5 =	simm.s32 @p1 $0x1;
	p0 =	seq.s32 s7, s2  }
0x1e: {  	s7 =	smul.u32 @!p0 $0xF7A, s2;
	p2 =	seq.s32 @!p0 s5, $0x0  }
0x1f: {  	s9 =	smul.u32 $0xF7A, s1;
	s8 =	simm.s32 @!p0 $0x1BF5;
	p2 =	por !p2, p0  }
0x20: {  	[sflag:s8] =	ssyncset.s32 @!p0 $0xFFFFF086;
	s6 =	sadd.s32 @!p0 s3, s7;
	s7 =	simm.s32 @!p0 $0x108  }
0x21: {  	s3 =	sadd.s32 s3, s9;
	s6 =	sadd.s32 @!p0 $0x88, s6;
	s7 =	simm.s32 @p2 $0x1082  }
0x22: {  	[simem:s7], [sflag:s8] =	dma.local @!p0 [hbm:s6], $0xF7A  }
0x23: {  	s9 =	sor.u32 $0xD0000000, s2;
	s6 =	simm.s32 $0x108;
	_ =	swait.ge @!p0 [sflag:s8], $0x0  }
0x24: {  	s3 =	sadd.s32 $0x88, s3;
	s6 =	simm.s32 @!p1 $0x1082;
	[sflag:s4] =	ssyncset.s32 $0xFFFFF086  }
0x25: {  	[simem:s6], [sflag:s4] =	dma.local [hbm:s3], $0xF7A  }
0x26: {  	[smem:$0x3F9A] =	sst s1;
	(tag) =	ssettag s2;
	_ =	strace s9  }
0x27: {  	s1 =	sld [smem:$0x3FAA]  }
0x28: {  	s2 =	sld [smem:$0x3FAB]  }
0x29: {  	s4 =	sld [smem:$0x3FAD]  }
0x2a: {  	p0 =	seq.s32 s5, $0x0;
	s5 =	sld [smem:$0x3FAE]  }
0x2b: {  	s6 =	sld [smem:$0x3FAF]  }
0x2c: {  	s7 =	sld [smem:$0x3FB0]  }
0x2d: {  	s3 =	simm.s32 $0x108;
	s8 =	sld [smem:$0x3FB1]  }
0x2e: {  	s3 =	simm.s32 @!p0 $0x1082;
	s9 =	sld [smem:$0x3FB2]  }
0x2f: {  	lr =	sadd.s32 s0, s3;
	s0 =	sld [smem:$0x3FA9]  }
0x30: {  	s3 =	sld [smem:$0x3FAC]  }
0x31: {  	[smem:$0x3FB5] =	sst s10  }
0x32: {  	s10 =	sld [smem:$0x3FB3];
	_ =	sdelay $0x3  }
0x33: {  	p0 =	seq.s32 s10, $0x1;
	s10 =	sld [smem:$0x3FB5];
	_ =	sdelay $0x3  }
0x34: {  	[smem:$0x3FB5] =	sst s10  }
0x35: {  	s10 =	sld [smem:$0x3FB4];
	_ =	sdelay $0x3  }
0x36: {  	p1 =	seq.s32 s10, $0x1;
	s10 =	sld [smem:$0x3FB5];
	_ =	sdelay $0x3  }
0x37: {  	[smem:$0x3FB5] =	sst s10  }
0x38: {  	s10 =	sld [smem:$0x3FB6]  }
0x39: {  	_ = 	snop;
	(pc) =	sbr.ind lr, $3  }
0x3a: {  	_ = 	snop  }
0x3b: {  	_ = 	snop  }
0x3c: {  	p2 =	seq.s32 s10, $0x1;
	s10 =	sld [smem:$0x3FB5]  }
0x3d: {  	_ =	shalt  }
0x3e: {  	_ =	shalt  }
0x3f: {  	_ =	shalt  }
0x40: {  	_ =	shalt  }
0x41: {  	_ =	shalt  }
0x42: {  	_ =	shalt  }
0x43: {  	_ =	shalt  }
0x44: {  	_ =	shalt  }
0x45: {  	_ =	shalt  }
0x46: {  	_ =	shalt  }
0x47: {  	_ =	shalt  }
0x48: {  	_ =	shalt  }
0x49: {  	_ =	shalt  }
0x4a: {  	_ =	shalt  }
0x4b: {  	_ =	shalt  }
0x4c: {  	_ =	shalt  }
0x4d: {  	_ =	shalt  }
0x4e: {  	_ =	shalt  }
0x4f: {  	_ =	shalt  }
0x50: {  	_ =	shalt  }
0x51: {  	_ =	shalt  }
0x52: {  	_ =	shalt  }
0x53: {  	_ =	shalt  }
0x54: {  	_ =	shalt  }
0x55: {  	_ =	shalt  }
0x56: {  	_ =	shalt  }
0x57: {  	_ =	shalt  }
0x58: {  	_ =	shalt  }
0x59: {  	_ =	shalt  }
0x5a: {  	_ =	shalt  }
0x5b: {  	_ =	shalt  }
0x5c: {  	_ =	shalt  }
0x5d: {  	_ =	shalt  }
0x5e: {  	_ =	shalt  }
0x5f: {  	_ =	shalt  }
0x60: {  	_ =	shalt  }
0x61: {  	_ =	shalt  }
0x62: {  	_ =	shalt  }
0x63: {  	_ =	shalt  }
0x64: {  	_ =	shalt  }
0x65: {  	_ =	shalt  }
0x66: {  	_ =	shalt  }
0x67: {  	_ =	shalt  }
0x68: {  	_ =	shalt  }
0x69: {  	_ =	shalt  }
0x6a: {  	_ =	shalt  }
0x6b: {  	_ =	shalt  }
0x6c: {  	_ =	shalt  }
0x6d: {  	_ =	shalt  }
0x6e: {  	_ =	shalt  }
0x6f: {  	_ =	shalt  }
0x70: {  	_ =	shalt  }
0x71: {  	_ =	shalt  }
0x72: {  	_ =	shalt  }
0x73: {  	_ =	shalt  }
0x74: {  	_ =	shalt  }
0x75: {  	_ =	shalt  }
0x76: {  	_ =	shalt  }
0x77: {  	_ =	shalt  }
0x78: {  	_ =	shalt  }
0x79: {  	_ =	shalt  }
0x7a: {  	_ =	shalt  }
0x7b: {  	_ =	shalt  }
0x7c: {  	_ =	shalt  }
0x7d: {  	_ =	shalt  }
0x7e: {  	_ =	shalt  }
0x7f: {  	_ =	shalt  }
0x80: {  	_ =	shalt  }
0x81: {  	_ =	shalt  }
0x82: {  	_ =	shalt  }
0x83: {  	_ =	shalt  }
0x84: {  	_ =	shalt  }
0x85: {  	_ =	shalt  }
0x86: {  	_ =	shalt  }
0x87: {  	_ =	shalt  }
.Lfunc_end0:
.L_simem_size_0:
called_computation.2_lowered:
.L_overlay_start_0:
0x88: {  	s2 =	sld [smem:$0x3FD9]  }
0x89: {  	s3 =	sld [smem:$0x3FFE];
	_ =	sdelay $0x1  }
0x8a: {  	s1 =	srdreg.scid  }
0x8b: {  	s0 =	sand.u32 $0x1, s1  }
0x8c: {  	s16 =	sshll.u32 s0, $0xA;
	s2 =	sadd.s32 s3, s2  }
0x8d: {  	s2 =	sadd.s32 s2, s16  }
0x8e: {  	[smem:$0x3FC1] =	sst s2  }
0x8f: {  	_ = 	snop  }
0x90: {  	(tm) =	ssettm $0x1  }
0x91: {  	s17 =	sld [smem:$0x3FFB];
	_ =	sdelay $0x3  }
0x92: {  	_ =	strace s17  }
0x93: {  	s2 =	sld [smem:$0x3FFC];
	_ =	sdelay $0x3  }
0x94: {  	_ =	strace s2  }
0x95: {  	s2 =	sld [smem:$0x3FFD];
	_ =	sdelay $0x3  }
0x96: {  	_ =	strace s2  }
0x97: {  	_ =	strace $0x8FFFFFFF  }
0x98: {  	s18 =	sld [smem:$0x3FDB];
	_ =	sdelay $0x1  }
0x99: {  	s19 =	simm.s32 $_scs_section_size  }
0x9a: {  	s4 =	simm.s32 $_size__tile_overlayer_lowered;
	s5 =	simm.s32 $_tile_overlayer_lowered  }
0x9b: {  	s22 =	simm.s32 $0x1BFF;
	s21 =	sshll.u32 s5, $0x1;
	s2 =	sadd.s32 s19, s18  }
0x9c: {  	s6 =	simm.s32 $0x0;
	s20 =	sshll.u32 s4, $0x1;
	s4 =	sadd.s32 s21, s2  }
0x9d: {  	[timem:s6], [sflag:s22] =	dma.local [hbm:s4], s20  }
0x9e: {  	_ =	swait.ge [sflag:s22], s20  }
0x9f: {  	s3 =	ssub.s32 $0x0, s20;
	[sflag:s22] =	ssyncset.done $0x0  }
0xa0: {  	[sflag:s22] =	ssyncadd.s32 s3;
	_ =	sdelay $0x1  }
0xa1: {  	s23 =	simm.s32 $0x1B8B  }
0xa2: {  	_ =	swait.ge [sflag:s23], $0x1  }
0xa3: {  	[sflag:s23] =	ssyncset.done $0x0  }
0xa4: {  	s25 =	simm.s32 $0x1B8E;
	s24 =	sld [smem:$0x3FFE];
	[sflag:s23] =	ssyncadd.s32 $0xFFFFFFFF  }
0xa5: {  	s26 =	simm.s32 $execute0_lowered;
	[smem:$0x3FD2] =	sst s25  }
0xa6: {  	s4 =	sshll.u32 s26, $0x1;
	_ =	strace $0x8000004C;
	[dreg:$0x1] =	wrdreg $0xFFFFFFFF  }
0xa7: {  	s28 =	simm.s32 $_size_execute0_lowered;
	s2 =	sadd.s32 s2, s4;
	[dreg:$0x0] =	wrdreg $0x0  }
0xa8: {  	s4 =	sshll.u32 s28, $0x1;
	[dreg:$0x2] =	wrdreg s2  }
0xa9: {  	[dreg:$0x3] =	wrdreg s4  }
0xaa: {  	[dreg:$0x4] =	wrdreg $0xC0  }
0xab: {  	_ =	task [dreg:s6], $0x5FFFF  }
0xac: {  	[dreg:$0x1] =	wrdreg $0xFFFFFFFF  }
0xad: {  	[dreg:$0x0] =	wrdreg $0x60  }
0xae: {  	[dreg:$0x2] =	wrdreg s24  }
0xaf: {  	[dreg:$0x3] =	wrdreg $0x52000  }
0xb0: {  	[dreg:$0x4] =	wrdreg $0x9  }
0xb1: {  	_ =	task.clear_ibuf [dreg:s6], $0x5FFFF;
	_ =	strace $0x9000004C  }
0xb2: {  	s29 =	simm.s32 $0x9;
	_ =	strace $0x8000004E  }
0xb3: {  	_ =	swait.ge [sflag:s29], $0x1  }
0xb4: {  	[sflag:s29] =	ssyncadd.s32 $0xFFFFFFFF  }
0xb5: {  	_ =	strace $0x9000004E  }
0xb6: {  	_ =	sfence  }
0xb7: {  	s30 =	sld [smem:$0x0];
	_ =	sdelay $0x2  }
0xb8: {  	s31 =	sshll.u32 s1, $0xD;
	s1 =	sshrl.u32 s1, $0x2  }
0xb9: {  	s3 =	sand.u32 $0x4000, s31;
	s1 =	sadd.s32 s1, s30  }
0xba: {  	s0 =	sor.u32 s3, s0;
	s1 =	sshll.u32 s1, $0x11  }
0xbb: {  	s0 =	sor.u32 s1, s0  }
0xbc: {  	s0 =	sadd.s32 $0x8F2B, s0  }
0xbd: {  	[sflag:s0] =	ssyncadd.remote.s32 $0x1  }
0xbe: {  	_ =	sfence.sel $0xFFFF  }
0xbf: {  	[dreg:$0x0] =	wrdreg $0xFFFFFFFF;
	(pc) =	sbr.abs _section_cstart, $3  }
0xc0: {  	[dreg:$0x1] =	wrdreg $0xFFFFFFFF  }
0xc1: {  	_ =	task.clear_ibuf [dreg:s6], $0x2FFFF;
	_ =	strace $0x9FFFFFFF  }
0xc2: {  	(tm) =	ssettm $0x7FFFFFFF  }
0xc3: {  	_ =	shalt  }
tec
execute0_lowered:
.L_overlay_start_1:
0x0: {  	(tag) =	ssettag $0x1  }
0x1: {  	s0 =	rddreg [dreg:$0x0]  }
0x2: {  	s2 =	rddreg [dreg:$0x1]  }
0x3: {  	s10 =	stileid.u32;
	s1 =	srdreg.scid;
	s3 =	simm.s32 $0x0  }
0x4: {  	s28 =	simm.s32 $0x2;
	s29 =	simm.s32 $0x0;
	s5 =	smul.u32 $0x2800, s10  }
0x5: {  	s1 =	sand.u32 $0x1, s1;
	[smem:$0x7FF] =	sst s3;
	s7 =	smul.u32 $0x50000, s10  }
0x6: {  	s4 =	sadd.s32 $0x3E400, s0;
	s18 =	sadd.s32 $0xBA00, s0;
	s8 =	smul.u32 $0x4E20, s10  }
0x7: {  	s17 =	sadd.s32 $0x1C00, s0;
	s19 =	sshll.u32 s10, $0x6;
	s6 =	smul.u32 $0x28000, s1  }
0x8: {  	_ =	strace $0x8000004D;
	s9 =	ssub.s32 $0x2, s1;
	s1 =	smul.u32 $0x2710, s1  }
0x9: {  	s15 =	sshrl.u32 s9, $0x1;
	s16 =	sshrl.u32 s7, $0x2;
	s7 =	sor.u32 $0x1C03, s19  }
0xa: {  	s19 =	simm.s32 $0x3;
	s6 =	sadd.s32 s5, s6;
	s5 =	sadd.s32 s5, s0  }
0xb: {  	s9 =	ssub.s32 s9, s15;
	s1 =	sadd.s32 s1, s8;
	s0 =	sadd.s32 s6, s0  }
0xc: {  	s6 =	sadd.s32 s16, s2;
	s8 =	sadd.s32 $0x140, s1;
	s5 =	sadd.s32 $0x16400, s5  }
0xd: {  	s22 =	sadd.s32 $0xF0, s1;
	s9 =	smax.u32 s9, $0x1;
	s24 =	sadd.s32 $0xA0, s1  }
0xe: {  	s26 =	sadd.s32 $0x50, s1;
	s31 =	sshrl.u32 s1, $0x3;
	[dreg:$0x4] =	wrdreg s6  }
0xf: {  	[dreg:$0x5] =	wrdreg s5;
	s20 =	sshrl.u32 s8, $0x3;
	s8 =	sadd.s32 $0x66400, s0  }
0x10: {  	s23 =	sshrl.u32 s22, $0x3;
	s25 =	sshrl.u32 s24, $0x3;
	s30 =	sshrl.u32 s26, $0x3  }
0x11: {  	s22 =	simm.s32 $0x200;
	s24 =	simm.s32 $0x180;
	s26 =	simm.s32 $0x1  }
0x12: {  	s21 =	sadd.s32 s20, s17;
	s10 =	sadd.s32 s20, s18;
	s11 =	sadd.s32 s23, s17  }
0x13: {  	s12 =	sadd.s32 s23, s18;
	s13 =	sadd.s32 s25, s17;
	s14 =	sadd.s32 s25, s18  }
0x14: {  	s15 =	sadd.s32 s30, s17;
	s16 =	sadd.s32 s30, s18;
	s17 =	sadd.s32 s31, s17  }
0x15: {  	s18 =	sadd.s32 s31, s18;
	s20 =	simm.s32 $0x80;
	s23 =	simm.s32 $0x100  }
0x16: {  	s25 =	simm.s32 $0x2A00;
	[dreg:$0x3] =	wrdreg s21;
	s21 =	simm.s32 $0x50  }
.LBB2_1:
0x17: {  	s0 =	rddreg [dreg:$0x4]  }
0x18: {  	s5 =	rddreg [dreg:$0x5];
	s30 =	sshrl.u32 s0, $0x3  }
0x19: {  	[spmem:s30], [sflag:s7] =	dma.local [hbm:s5], $0x2800  }
0x1a: {  	_ =	swait.ge [sflag:s19], $0x2800  }
0x1b: {  	[sflag:s19] =	ssyncset.done $0x0  }
0x1c: {  	[sflag:s19] =	ssyncadd.s32 $0xFFFFD800  }
0x1d: {  	s6 =	sadd.s32 $0x0, s18;
	[bflag:$0x0] =	sbarrier.arrive $0xFFFF  }
0x1e: {  	[tilespmem:s3], [sflag:$0x3] =	stream.linear.gather [hbm4b:s6+s3], $0x50, $0x38;
	[tilespmem:$0x19200] =	vst v63  }
0x1f: {  	_ =	swait.ge [sflag:s19], $0x50  }
0x20: {  	[sflag:s19] =	ssyncset.done $0x0  }
0x21: {  	s1 =	sadd.s32 $0x0, s17;
	[sflag:s19] =	ssyncadd.s32 $0xFFFFFFB0  }
0x22: {  	[tilespmem:s20], [sflag:$0x3] =	stream.linear.gather [hbm4b:s1+s3], $0x50, $0x38;
	[tilespmem:$0x19200] =	vst v63  }
0x23: {  	_ =	swait.ge [sflag:s19], $0x50  }
0x24: {  	[sflag:s19] =	ssyncset.done $0x0  }
0x25: {  	[sflag:s19] =	ssyncadd.s32 $0xFFFFFFB0  }
0x26: {  	[tilespmem:s22], [sflag:$0x1] =	stream.indirect.gather [hbm4b:s4+s21], $0x80, s3, s21, $0xb8;
	[tilespmem:$0x19200] =	vst v63  }
0x27: {  	s5 =	sadd.s32 $0x0, s16  }
0x28: {  	[tilespmem:s23], [sflag:$0x3] =	stream.linear.gather [hbm4b:s5+s3], $0x50, $0x38;
	[tilespmem:$0x19200] =	vst v63  }
0x29: {  	_ =	swait.ge [sflag:s19], $0x50  }
0x2a: {  	[sflag:s19] =	ssyncset.done $0x0  }
0x2b: {  	s6 =	sadd.s32 $0x0, s15;
	[sflag:s19] =	ssyncadd.s32 $0xFFFFFFB0  }
0x2c: {  	[tilespmem:s24], [sflag:$0x3] =	stream.linear.gather [hbm4b:s6+s3], $0x50, $0x38;
	[tilespmem:$0x19200] =	vst v63  }
0x2d: {  	_ =	swait.ge [sflag:s19], $0x50  }
0x2e: {  	[sflag:s19] =	ssyncset.done $0x0  }
0x2f: {  	[sflag:s19] =	ssyncadd.s32 $0xFFFFFFB0  }
0x30: {  	[tilespmem:s25], [sflag:$0x2] =	stream.indirect.gather [hbm4b:s4+s21], $0x80, s23, s21, $0xb8;
	[tilespmem:$0x19200] =	vst v63  }
0x31: {  	_ =	swait.ge [sflag:s26], $0x2800  }
0x32: {  	[sflag:s26] =	ssyncset.done $0x0  }
0x33: {  	[sflag:s26] =	ssyncadd.s32 $0xFFFFD800  }
0x34: {  	[spmem:s2] =	stream.indirect.scatter.add.f32 [tilespmem:s22], [sflag:$0x3], $0x80, s20, s21, $0xb8;
	[tilespmem:$0x19200] =	vst v63  }
0x35: {  	_ =	swait.ge [sflag:s19], $0x2800  }
0x36: {  	[sflag:s19] =	ssyncset.done $0x0  }
0x37: {  	s1 =	sadd.s32 $0x0, s14;
	[sflag:s19] =	ssyncadd.s32 $0xFFFFD800  }
0x38: {  	[tilespmem:s3], [sflag:$0x3] =	stream.linear.gather [hbm4b:s1+s3], $0x50, $0x38;
	[tilespmem:$0x19200] =	vst v63  }
0x39: {  	_ =	swait.ge [sflag:s19], $0x50  }
0x3a: {  	[sflag:s19] =	ssyncset.done $0x0  }
0x3b: {  	s5 =	sadd.s32 $0x0, s13;
	[sflag:s19] =	ssyncadd.s32 $0xFFFFFFB0  }
0x3c: {  	[tilespmem:s20], [sflag:$0x3] =	stream.linear.gather [hbm4b:s5+s3], $0x50, $0x38;
	[tilespmem:$0x19200] =	vst v63  }
0x3d: {  	_ =	swait.ge [sflag:s19], $0x50  }
0x3e: {  	[sflag:s19] =	ssyncset.done $0x0  }
0x3f: {  	[sflag:s19] =	ssyncadd.s32 $0xFFFFFFB0  }
0x40: {  	[tilespmem:s22], [sflag:$0x1] =	stream.indirect.gather [hbm4b:s4+s21], $0x80, s3, s21, $0xb8;
	[tilespmem:$0x19200] =	vst v63  }
0x41: {  	_ =	swait.ge [sflag:s28], $0x2800  }
0x42: {  	[sflag:s28] =	ssyncset.done $0x0  }
0x43: {  	[sflag:s28] =	ssyncadd.s32 $0xFFFFD800  }
0x44: {  	[spmem:s2] =	stream.indirect.scatter.add.f32 [tilespmem:s25], [sflag:$0x3], $0x80, s24, s21, $0xb8;
	[tilespmem:$0x19200] =	vst v63  }
0x45: {  	_ =	swait.ge [sflag:s19], $0x2800  }
0x46: {  	[sflag:s19] =	ssyncset.done $0x0  }
0x47: {  	s6 =	sadd.s32 $0x0, s12;
	[sflag:s19] =	ssyncadd.s32 $0xFFFFD800  }
0x48: {  	[tilespmem:s23], [sflag:$0x3] =	stream.linear.gather [hbm4b:s6+s3], $0x50, $0x38;
	[tilespmem:$0x19200] =	vst v63  }
0x49: {  	_ =	swait.ge [sflag:s19], $0x50  }
0x4a: {  	[sflag:s19] =	ssyncset.done $0x0  }
0x4b: {  	s1 =	sadd.s32 $0x0, s11;
	[sflag:s19] =	ssyncadd.s32 $0xFFFFFFB0  }
0x4c: {  	[tilespmem:s24], [sflag:$0x3] =	stream.linear.gather [hbm4b:s1+s3], $0x50, $0x38;
	[tilespmem:$0x19200] =	vst v63  }
0x4d: {  	_ =	swait.ge [sflag:s19], $0x50  }
0x4e: {  	[sflag:s19] =	ssyncset.done $0x0  }
0x4f: {  	[sflag:s19] =	ssyncadd.s32 $0xFFFFFFB0  }
0x50: {  	[tilespmem:s25], [sflag:$0x2] =	stream.indirect.gather [hbm4b:s4+s21], $0x80, s23, s21, $0xb8;
	[tilespmem:$0x19200] =	vst v63  }
0x51: {  	_ =	swait.ge [sflag:s26], $0x2800  }
0x52: {  	[sflag:s26] =	ssyncset.done $0x0  }
0x53: {  	[sflag:s26] =	ssyncadd.s32 $0xFFFFD800  }
0x54: {  	[spmem:s2] =	stream.indirect.scatter.add.f32 [tilespmem:s22], [sflag:$0x3], $0x80, s20, s21, $0xb8;
	[tilespmem:$0x19200] =	vst v63  }
0x55: {  	_ =	swait.ge [sflag:s19], $0x2800  }
0x56: {  	[sflag:s19] =	ssyncset.done $0x0  }
0x57: {  	s5 =	sadd.s32 $0x0, s10;
	[sflag:s19] =	ssyncadd.s32 $0xFFFFD800  }
0x58: {  	[tilespmem:s3], [sflag:$0x3] =	stream.linear.gather [hbm4b:s5+s3], $0x50, $0x38;
	[tilespmem:$0x19200] =	vst v63  }
0x59: {  	_ =	swait.ge [sflag:s19], $0x50  }
0x5a: {  	s6 =	rddreg [dreg:$0x3];
	[sflag:s19] =	ssyncset.done $0x0  }
0x5b: {  	[sflag:s19] =	ssyncadd.s32 $0xFFFFFFB0;
	s0 =	sadd.s32 $0x0, s6  }
0x5c: {  	[tilespmem:s20], [sflag:$0x3] =	stream.linear.gather [hbm4b:s0+s3], $0x50, $0x38;
	[tilespmem:$0x19200] =	vst v63  }
0x5d: {  	_ =	swait.ge [sflag:s19], $0x50  }
0x5e: {  	[sflag:s19] =	ssyncset.done $0x0  }
0x5f: {  	[sflag:s19] =	ssyncadd.s32 $0xFFFFFFB0  }
0x60: {  	[tilespmem:s22], [sflag:$0x1] =	stream.indirect.gather [hbm4b:s4+s21], $0x80, s3, s21, $0xb8;
	[tilespmem:$0x19200] =	vst v63  }
0x61: {  	_ =	swait.ge [sflag:s28], $0x2800  }
0x62: {  	[sflag:s28] =	ssyncset.done $0x0  }
0x63: {  	[sflag:s28] =	ssyncadd.s32 $0xFFFFD800  }
0x64: {  	[spmem:s2] =	stream.indirect.scatter.add.f32 [tilespmem:s25], [sflag:$0x3], $0x80, s24, s21, $0xb8;
	[tilespmem:$0x19200] =	vst v63  }
0x65: {  	_ =	swait.ge [sflag:s19], $0x2800  }
0x66: {  	[sflag:s19] =	ssyncset.done $0x0  }
0x67: {  	[sflag:s19] =	ssyncadd.s32 $0xFFFFD800  }
0x68: {  	_ =	swait.ge [sflag:s26], $0x2800  }
0x69: {  	[sflag:s26] =	ssyncset.done $0x0  }
0x6a: {  	[sflag:s26] =	ssyncadd.s32 $0xFFFFD800  }
0x6b: {  	[spmem:s2] =	stream.indirect.scatter.add.f32 [tilespmem:s22], [sflag:$0x3], $0x80, s20, s21, $0xb8;
	[tilespmem:$0x19200] =	vst v63  }
0x6c: {  	_ =	swait.ge [sflag:s19], $0x2800  }
0x6d: {  	s31 =	simm.s32 $0x32;
	s0 =	simm.s32 $0x64;
	[sflag:s19] =	ssyncset.done $0x0  }
.LBB2_2:
0x6e: {  	s6 =	sadd.s32 s31, s18;
	[sflag:s19] =	ssyncadd.s32 $0xFFFFD800  }
0x6f: {  	[tilespmem:s3], [sflag:$0x3] =	stream.linear.gather [hbm4b:s6+s3], $0x50, $0x38;
	[tilespmem:$0x19200] =	vst v63  }
0x70: {  	_ =	swait.ge [sflag:s19], $0x50  }
0x71: {  	[sflag:s19] =	ssyncset.done $0x0  }
0x72: {  	s6 =	sadd.s32 s31, s17;
	[sflag:s19] =	ssyncadd.s32 $0xFFFFFFB0  }
0x73: {  	[tilespmem:s20], [sflag:$0x3] =	stream.linear.gather [hbm4b:s6+s3], $0x50, $0x38;
	[tilespmem:$0x19200] =	vst v63  }
0x74: {  	_ =	swait.ge [sflag:s19], $0x50  }
0x75: {  	[sflag:s19] =	ssyncset.done $0x0  }
0x76: {  	[sflag:s19] =	ssyncadd.s32 $0xFFFFFFB0  }
0x77: {  	[tilespmem:s22], [sflag:$0x1] =	stream.indirect.gather [hbm4b:s4+s21], $0x80, s3, s21, $0xb8;
	[tilespmem:$0x19200] =	vst v63  }
0x78: {  	s6 =	sadd.s32 s31, s16  }
0x79: {  	[tilespmem:s23], [sflag:$0x3] =	stream.linear.gather [hbm4b:s6+s3], $0x50, $0x38;
	[tilespmem:$0x19200] =	vst v63  }
0x7a: {  	_ =	swait.ge [sflag:s19], $0x50  }
0x7b: {  	[sflag:s19] =	ssyncset.done $0x0  }
0x7c: {  	s6 =	sadd.s32 s31, s15;
	[sflag:s19] =	ssyncadd.s32 $0xFFFFFFB0  }
0x7d: {  	[tilespmem:s24], [sflag:$0x3] =	stream.linear.gather [hbm4b:s6+s3], $0x50, $0x38;
	[tilespmem:$0x19200] =	vst v63  }
0x7e: {  	_ =	swait.ge [sflag:s19], $0x50  }
0x7f: {  	[sflag:s19] =	ssyncset.done $0x0  }
0x80: {  	[sflag:s19] =	ssyncadd.s32 $0xFFFFFFB0  }
0x81: {  	[tilespmem:s25], [sflag:$0x2] =	stream.indirect.gather [hbm4b:s4+s21], $0x80, s23, s21, $0xb8;
	[tilespmem:$0x19200] =	vst v63  }
0x82: {  	_ =	swait.ge [sflag:s26], $0x2800  }
0x83: {  	[sflag:s26] =	ssyncset.done $0x0  }
0x84: {  	[sflag:s26] =	ssyncadd.s32 $0xFFFFD800  }
0x85: {  	[spmem:s2] =	stream.indirect.scatter.add.f32 [tilespmem:s22], [sflag:$0x3], $0x80, s20, s21, $0xb8;
	[tilespmem:$0x19200] =	vst v63  }
0x86: {  	_ =	swait.ge [sflag:s19], $0x2800  }
0x87: {  	[sflag:s19] =	ssyncset.done $0x0  }
0x88: {  	s6 =	sadd.s32 s31, s14;
	[sflag:s19] =	ssyncadd.s32 $0xFFFFD800  }
0x89: {  	[tilespmem:s3], [sflag:$0x3] =	stream.linear.gather [hbm4b:s6+s3], $0x50, $0x38;
	[tilespmem:$0x19200] =	vst v63  }
0x8a: {  	_ =	swait.ge [sflag:s19], $0x50  }
0x8b: {  	[sflag:s19] =	ssyncset.done $0x0  }
0x8c: {  	s6 =	sadd.s32 s31, s13;
	[sflag:s19] =	ssyncadd.s32 $0xFFFFFFB0  }
0x8d: {  	[tilespmem:s20], [sflag:$0x3] =	stream.linear.gather [hbm4b:s6+s3], $0x50, $0x38;
	[tilespmem:$0x19200] =	vst v63  }
0x8e: {  	_ =	swait.ge [sflag:s19], $0x50  }
0x8f: {  	[sflag:s19] =	ssyncset.done $0x0  }
0x90: {  	[sflag:s19] =	ssyncadd.s32 $0xFFFFFFB0  }
0x91: {  	[tilespmem:s22], [sflag:$0x1] =	stream.indirect.gather [hbm4b:s4+s21], $0x80, s3, s21, $0xb8;
	[tilespmem:$0x19200] =	vst v63  }
0x92: {  	_ =	swait.ge [sflag:s28], $0x2800  }
0x93: {  	[sflag:s28] =	ssyncset.done $0x0  }
0x94: {  	[sflag:s28] =	ssyncadd.s32 $0xFFFFD800  }
0x95: {  	[spmem:s2] =	stream.indirect.scatter.add.f32 [tilespmem:s25], [sflag:$0x3], $0x80, s24, s21, $0xb8;
	[tilespmem:$0x19200] =	vst v63  }
0x96: {  	_ =	swait.ge [sflag:s19], $0x2800  }
0x97: {  	[sflag:s19] =	ssyncset.done $0x0  }
0x98: {  	s6 =	sadd.s32 s31, s12;
	[sflag:s19] =	ssyncadd.s32 $0xFFFFD800  }
0x99: {  	[tilespmem:s23], [sflag:$0x3] =	stream.linear.gather [hbm4b:s6+s3], $0x50, $0x38;
	[tilespmem:$0x19200] =	vst v63  }
0x9a: {  	_ =	swait.ge [sflag:s19], $0x50  }
0x9b: {  	[sflag:s19] =	ssyncset.done $0x0  }
0x9c: {  	s6 =	sadd.s32 s31, s11;
	[sflag:s19] =	ssyncadd.s32 $0xFFFFFFB0  }
0x9d: {  	[tilespmem:s24], [sflag:$0x3] =	stream.linear.gather [hbm4b:s6+s3], $0x50, $0x38;
	[tilespmem:$0x19200] =	vst v63  }
0x9e: {  	_ =	swait.ge [sflag:s19], $0x50  }
0x9f: {  	[sflag:s19] =	ssyncset.done $0x0  }
0xa0: {  	[sflag:s19] =	ssyncadd.s32 $0xFFFFFFB0  }
0xa1: {  	[tilespmem:s25], [sflag:$0x2] =	stream.indirect.gather [hbm4b:s4+s21], $0x80, s23, s21, $0xb8;
	[tilespmem:$0x19200] =	vst v63  }
0xa2: {  	_ =	swait.ge [sflag:s26], $0x2800  }
0xa3: {  	[sflag:s26] =	ssyncset.done $0x0  }
0xa4: {  	[sflag:s26] =	ssyncadd.s32 $0xFFFFD800  }
0xa5: {  	[spmem:s2] =	stream.indirect.scatter.add.f32 [tilespmem:s22], [sflag:$0x3], $0x80, s20, s21, $0xb8;
	[tilespmem:$0x19200] =	vst v63  }
0xa6: {  	_ =	swait.ge [sflag:s19], $0x2800  }
0xa7: {  	[sflag:s19] =	ssyncset.done $0x0  }
0xa8: {  	s6 =	sadd.s32 s31, s10;
	[sflag:s19] =	ssyncadd.s32 $0xFFFFD800  }
0xa9: {  	[tilespmem:s3], [sflag:$0x3] =	stream.linear.gather [hbm4b:s6+s3], $0x50, $0x38;
	[tilespmem:$0x19200] =	vst v63  }
0xaa: {  	s1 =	smov.u32 s0;
	_ =	swait.ge [sflag:s19], $0x50  }
0xab: {  	s5 =	sadd.s32 $0x32, s0;
	s6 =	rddreg [dreg:$0x3];
	[sflag:s19] =	ssyncset.done $0x0  }
0xac: {  	p0 =	sne.s32 s0, $0x4B0;
	[sflag:s19] =	ssyncadd.s32 $0xFFFFFFB0;
	s0 =	sadd.s32 s31, s6  }
0xad: {  	[tilespmem:s20], [sflag:$0x3] =	stream.linear.gather [hbm4b:s0+s3], $0x50, $0x38;
	[tilespmem:$0x19200] =	vst v63  }
0xae: {  	_ =	swait.ge [sflag:s19], $0x50  }
0xaf: {  	[sflag:s19] =	ssyncset.done $0x0  }
0xb0: {  	[sflag:s19] =	ssyncadd.s32 $0xFFFFFFB0  }
0xb1: {  	[tilespmem:s22], [sflag:$0x1] =	stream.indirect.gather [hbm4b:s4+s21], $0x80, s3, s21, $0xb8;
	[tilespmem:$0x19200] =	vst v63  }
0xb2: {  	_ =	swait.ge [sflag:s28], $0x2800  }
0xb3: {  	[sflag:s28] =	ssyncset.done $0x0  }
0xb4: {  	[sflag:s28] =	ssyncadd.s32 $0xFFFFD800  }
0xb5: {  	[spmem:s2] =	stream.indirect.scatter.add.f32 [tilespmem:s25], [sflag:$0x3], $0x80, s24, s21, $0xb8;
	[tilespmem:$0x19200] =	vst v63  }
0xb6: {  	_ =	swait.ge [sflag:s19], $0x2800  }
0xb7: {  	[sflag:s19] =	ssyncset.done $0x0  }
0xb8: {  	[sflag:s19] =	ssyncadd.s32 $0xFFFFD800  }
0xb9: {  	_ =	swait.ge [sflag:s26], $0x2800  }
.Ltmp0:
0xba: {  	[sflag:s26] =	ssyncset.done $0x0;
	(pc) =	sbr.rel @p0 .LBB2_2-.Ltmp0, $4  }
0xbb: {  	[sflag:s26] =	ssyncadd.s32 $0xFFFFD800  }
0xbc: {  	[spmem:s2] =	stream.indirect.scatter.add.f32 [tilespmem:s22], [sflag:$0x3], $0x80, s20, s21, $0xb8;
	[tilespmem:$0x19200] =	vst v63  }
0xbd: {  	_ =	swait.ge [sflag:s19], $0x2800  }
0xbe: {  	s31 =	smov.u32 s1;
	s0 =	smov.u32 s5;
	[sflag:s19] =	ssyncset.done $0x0  }
0xbf: {  	s0 =	sadd.s32 s31, s18;
	[sflag:s19] =	ssyncadd.s32 $0xFFFFD800  }
0xc0: {  	[tilespmem:s3], [sflag:$0x3] =	stream.linear.gather [hbm4b:s0+s3], $0x50, $0x38;
	[tilespmem:$0x19200] =	vst v63  }
0xc1: {  	_ =	swait.ge [sflag:s19], $0x50  }
0xc2: {  	[sflag:s19] =	ssyncset.done $0x0  }
0xc3: {  	s1 =	sadd.s32 s31, s17;
	[sflag:s19] =	ssyncadd.s32 $0xFFFFFFB0  }
0xc4: {  	[tilespmem:s20], [sflag:$0x3] =	stream.linear.gather [hbm4b:s1+s3], $0x50, $0x38;
	[tilespmem:$0x19200] =	vst v63  }
0xc5: {  	_ =	swait.ge [sflag:s19], $0x50  }
0xc6: {  	[sflag:s19] =	ssyncset.done $0x0  }
0xc7: {  	[sflag:s19] =	ssyncadd.s32 $0xFFFFFFB0  }
0xc8: {  	[tilespmem:s22], [sflag:$0x1] =	stream.indirect.gather [hbm4b:s4+s21], $0x80, s3, s21, $0xb8;
	[tilespmem:$0x19200] =	vst v63  }
0xc9: {  	s5 =	sadd.s32 s31, s16  }
0xca: {  	[tilespmem:s23], [sflag:$0x3] =	stream.linear.gather [hbm4b:s5+s3], $0x50, $0x38;
	[tilespmem:$0x19200] =	vst v63  }
0xcb: {  	_ =	swait.ge [sflag:s19], $0x50  }
0xcc: {  	[sflag:s19] =	ssyncset.done $0x0  }
0xcd: {  	s6 =	sadd.s32 s31, s15;
	[sflag:s19] =	ssyncadd.s32 $0xFFFFFFB0  }
0xce: {  	[tilespmem:s24], [sflag:$0x3] =	stream.linear.gather [hbm4b:s6+s3], $0x50, $0x38;
	[tilespmem:$0x19200] =	vst v63  }
0xcf: {  	_ =	swait.ge [sflag:s19], $0x50  }
0xd0: {  	[sflag:s19] =	ssyncset.done $0x0  }
0xd1: {  	[sflag:s19] =	ssyncadd.s32 $0xFFFFFFB0  }
0xd2: {  	[tilespmem:s25], [sflag:$0x2] =	stream.indirect.gather [hbm4b:s4+s21], $0x80, s23, s21, $0xb8;
	[tilespmem:$0x19200] =	vst v63  }
0xd3: {  	_ =	swait.ge [sflag:s26], $0x2800  }
0xd4: {  	[sflag:s26] =	ssyncset.done $0x0  }
0xd5: {  	[sflag:s26] =	ssyncadd.s32 $0xFFFFD800  }
0xd6: {  	[spmem:s2] =	stream.indirect.scatter.add.f32 [tilespmem:s22], [sflag:$0x3], $0x80, s20, s21, $0xb8;
	[tilespmem:$0x19200] =	vst v63  }
0xd7: {  	_ =	swait.ge [sflag:s19], $0x2800  }
0xd8: {  	[sflag:s19] =	ssyncset.done $0x0  }
0xd9: {  	s1 =	sadd.s32 s31, s14;
	[sflag:s19] =	ssyncadd.s32 $0xFFFFD800  }
0xda: {  	[tilespmem:s3], [sflag:$0x3] =	stream.linear.gather [hbm4b:s1+s3], $0x50, $0x38;
	[tilespmem:$0x19200] =	vst v63  }
0xdb: {  	_ =	swait.ge [sflag:s19], $0x50  }
0xdc: {  	[sflag:s19] =	ssyncset.done $0x0  }
0xdd: {  	s5 =	sadd.s32 s31, s13;
	[sflag:s19] =	ssyncadd.s32 $0xFFFFFFB0  }
0xde: {  	[tilespmem:s20], [sflag:$0x3] =	stream.linear.gather [hbm4b:s5+s3], $0x50, $0x38;
	[tilespmem:$0x19200] =	vst v63  }
0xdf: {  	_ =	swait.ge [sflag:s19], $0x50  }
0xe0: {  	[sflag:s19] =	ssyncset.done $0x0  }
0xe1: {  	[sflag:s19] =	ssyncadd.s32 $0xFFFFFFB0  }
0xe2: {  	[tilespmem:s22], [sflag:$0x1] =	stream.indirect.gather [hbm4b:s4+s21], $0x80, s3, s21, $0xb8;
	[tilespmem:$0x19200] =	vst v63  }
0xe3: {  	_ =	swait.ge [sflag:s28], $0x2800  }
0xe4: {  	[sflag:s28] =	ssyncset.done $0x0  }
0xe5: {  	[sflag:s28] =	ssyncadd.s32 $0xFFFFD800  }
0xe6: {  	[spmem:s2] =	stream.indirect.scatter.add.f32 [tilespmem:s25], [sflag:$0x3], $0x80, s24, s21, $0xb8;
	[tilespmem:$0x19200] =	vst v63  }
0xe7: {  	_ =	swait.ge [sflag:s19], $0x2800  }
0xe8: {  	[sflag:s19] =	ssyncset.done $0x0  }
0xe9: {  	s6 =	sadd.s32 s31, s12;
	[sflag:s19] =	ssyncadd.s32 $0xFFFFD800  }
0xea: {  	[tilespmem:s23], [sflag:$0x3] =	stream.linear.gather [hbm4b:s6+s3], $0x50, $0x38;
	[tilespmem:$0x19200] =	vst v63  }
0xeb: {  	_ =	swait.ge [sflag:s19], $0x50  }
0xec: {  	[sflag:s19] =	ssyncset.done $0x0  }
0xed: {  	s1 =	sadd.s32 s31, s11;
	[sflag:s19] =	ssyncadd.s32 $0xFFFFFFB0  }
0xee: {  	[tilespmem:s24], [sflag:$0x3] =	stream.linear.gather [hbm4b:s1+s3], $0x50, $0x38;
	[tilespmem:$0x19200] =	vst v63  }
0xef: {  	_ =	swait.ge [sflag:s19], $0x50  }
0xf0: {  	[sflag:s19] =	ssyncset.done $0x0  }
0xf1: {  	[sflag:s19] =	ssyncadd.s32 $0xFFFFFFB0  }
0xf2: {  	[tilespmem:s25], [sflag:$0x2] =	stream.indirect.gather [hbm4b:s4+s21], $0x80, s23, s21, $0xb8;
	[tilespmem:$0x19200] =	vst v63  }
0xf3: {  	_ =	swait.ge [sflag:s26], $0x2800  }
0xf4: {  	[sflag:s26] =	ssyncset.done $0x0  }
0xf5: {  	[sflag:s26] =	ssyncadd.s32 $0xFFFFD800  }
0xf6: {  	[spmem:s2] =	stream.indirect.scatter.add.f32 [tilespmem:s22], [sflag:$0x3], $0x80, s20, s21, $0xb8;
	[tilespmem:$0x19200] =	vst v63  }
0xf7: {  	_ =	swait.ge [sflag:s19], $0x2800  }
0xf8: {  	[sflag:s19] =	ssyncset.done $0x0  }
0xf9: {  	s5 =	sadd.s32 s31, s10;
	[sflag:s19] =	ssyncadd.s32 $0xFFFFD800  }
0xfa: {  	[tilespmem:s3], [sflag:$0x3] =	stream.linear.gather [hbm4b:s5+s3], $0x50, $0x38;
	[tilespmem:$0x19200] =	vst v63  }
0xfb: {  	_ =	swait.ge [sflag:s19], $0x50  }
0xfc: {  	s6 =	rddreg [dreg:$0x3];
	[sflag:s19] =	ssyncset.done $0x0  }
0xfd: {  	s0 =	sadd.s32 s31, s6;
	[sflag:s19] =	ssyncadd.s32 $0xFFFFFFB0  }
0xfe: {  	[tilespmem:s20], [sflag:$0x3] =	stream.linear.gather [hbm4b:s0+s3], $0x50, $0x38;
	[tilespmem:$0x19200] =	vst v63  }
0xff: {  	_ =	swait.ge [sflag:s19], $0x50  }
0x100: {  	[sflag:s19] =	ssyncset.done $0x0  }
0x101: {  	[sflag:s19] =	ssyncadd.s32 $0xFFFFFFB0  }
0x102: {  	[tilespmem:s22], [sflag:$0x1] =	stream.indirect.gather [hbm4b:s4+s21], $0x80, s3, s21, $0xb8;
	[tilespmem:$0x19200] =	vst v63  }
0x103: {  	_ =	swait.ge [sflag:s28], $0x2800  }
0x104: {  	[sflag:s28] =	ssyncset.done $0x0  }
0x105: {  	[sflag:s28] =	ssyncadd.s32 $0xFFFFD800  }
0x106: {  	[spmem:s2] =	stream.indirect.scatter.add.f32 [tilespmem:s25], [sflag:$0x3], $0x80, s24, s21, $0xb8;
	[tilespmem:$0x19200] =	vst v63  }
0x107: {  	_ =	swait.ge [sflag:s19], $0x2800  }
0x108: {  	[sflag:s19] =	ssyncset.done $0x0  }
0x109: {  	[sflag:s19] =	ssyncadd.s32 $0xFFFFD800  }
0x10a: {  	_ =	swait.ge [sflag:s26], $0x2800  }
0x10b: {  	[sflag:s26] =	ssyncset.done $0x0  }
0x10c: {  	[sflag:s26] =	ssyncadd.s32 $0xFFFFD800  }
0x10d: {  	[spmem:s2] =	stream.indirect.scatter.add.f32 [tilespmem:s22], [sflag:$0x3], $0x80, s20, s21, $0xb8;
	[tilespmem:$0x19200] =	vst v63  }
0x10e: {  	_ =	swait.ge [sflag:s19], $0x2800  }
0x10f: {  	s29 =	sadd.s32 $0x1, s29;
	[sflag:s19] =	ssyncset.done $0x0  }
0x110: {  	p0 =	sne.s32 s29, s9;
	[sflag:s19] =	ssyncadd.s32 $0xFFFFD800  }
.Ltmp1:
0x111: {  	[bflag:$0x0] =	sbarrier.arrive $0xFFFF;
	(pc) =	sbr.rel @p0 .LBB2_1-.Ltmp1, $4  }
0x112: {  	[hbm:s8], [sflag:s7] =	dma.local [spmem:s30], $0x2800  }
0x113: {  	_ =	swait.ge [sflag:s19], $0x2800  }
0x114: {  	[sflag:s19] =	ssyncset.done $0x0  }
0x115: {  	[sflag:s19] =	ssyncadd.s32 $0xFFFFD800  }
0x116: {  	_ =	sfence.sel $0x180000  }
0x117: {  	[bflag:$0x0] =	sbarrier.arrive $0xFFFF  }
0x118: {  	_ =	strace $0x9000004D  }
0x119: {  	s0 =	stileid.u32;
	[bflag:$0x2] =	sbarrier.arrive $0xFFFF  }
0x11a: {  	p0 =	sne.s32 s0, $0x0;
	s0 =	rddreg [dreg:$0x2]  }
0x11b: {  	s0 =	sadd.s32 @!p0 $0x100000, s0  }
0x11c: {  	[sflag:s0] =	ssyncadd.tile.s32 @!p0 $0x1;
	_ =	shalt  }
.Lfunc_end2:
_tile_overlayer_lowered:
.L_overlay_start_2:
0x11d: {  	(tag) =	ssettag $0x2  }
0x11e: {  	s0 =	rddreg [dreg:$0x0];
	s2 =	stileid.u32  }
0x11f: {  	s1 =	rddreg [dreg:$0x1];
	p0 =	sne.s32 s2, $0x0  }
0x120: {  	s3 =	rddreg [dreg:$0x2];
	[bflag:$0x3] =	sbarrier.arrive $0xFFFF;
	s2 =	simm.s32 @!p0 $0x1C03  }
0x121: {  	[timem:s3], [sflag:s2] =	dma.local @!p0 [hbm:s0], s1  }
0x122: {  	s0 =	simm.s32 @!p0 $0x3  }
0x123: {  	_ =	swait.ge @!p0 [sflag:s0], s1  }
0x124: {  	s1 =	ssub.s32 @!p0 $0x0, s1;
	[sflag:s0] =	ssyncset.done @!p0 $0x0  }
0x125: {  	[sflag:s0] =	ssyncadd.s32 @!p0 s1  }
0x126: {  	[bflag:$0x3] =	sbarrier.arrive $0xFFFF  }
0x127: {  	_ =	shalt  }

// kernel: kernel.18.cloned.1.call-start
scs
__scs_entry_jumppad:
0x0: {  	(pc) =	sbr.rel $0x88, $3  }
0x1: {  	(tag) =	ssettag $0x0;
	lr =	simm.s32 $0x1  }
0x2: {  	[smem:$0x3F9A] =	sst lr;
	_ =	strace $0xD0000000  }
0x3: {  	_ = 	snop  }
0x4: {  	_ = 	snop  }
0x5: {  	_ = 	snop  }
0x6: {  	_ = 	snop  }
0x7: {  	_ = 	snop  }
__scs_overlays_trampoline_lowered:
0x8: {  	[smem:$0x3FA9] =	sst s0  }
0x9: {  	[smem:$0x3FAA] =	sst s1  }
0xa: {  	[smem:$0x3FAB] =	sst s2  }
0xb: {  	[smem:$0x3FAC] =	sst s3  }
0xc: {  	[smem:$0x3FAD] =	sst s4  }
0xd: {  	[smem:$0x3FAE] =	sst s5  }
0xe: {  	[smem:$0x3FAF] =	sst s6  }
0xf: {  	[smem:$0x3FB0] =	sst s7  }
0x10: {  	[smem:$0x3FB1] =	sst s8  }
0x11: {  	[smem:$0x3FB2] =	sst s9;
	s0 =	simm.s32 @!p0 $0x0  }
0x12: {  	s1 =	sld [smem:$0x3F98];
	s0 =	simm.s32 @p0 $0x1  }
0x13: {  	[smem:$0x3FB3] =	sst s0;
	s0 =	simm.s32 @!p1 $0x0  }
0x14: {  	s2 =	sld [smem:$0x3F97];
	s0 =	simm.s32 @p1 $0x1  }
0x15: {  	[smem:$0x3FB4] =	sst s0;
	s0 =	simm.s32 @!p2 $0x0  }
0x16: {  	s3 =	sld [smem:$0x3FDB];
	s0 =	simm.s32 @p2 $0x1  }
0x17: {  	s4 =	simm.s32 $0x1BF5;
	[smem:$0x3FB6] =	sst s0  }
0x18: {  	s0 =	sld [smem:$0x3F99];
	_ =	swait.ge [sflag:s4], $0x0  }
0x19: {  	s7 =	sld [smem:$0x3F9A]  }
0x1a: {  	s8 =	sadd.s32 $0xFFFFE003, lr  }
0x1b: {  	s9 =	sadd.s32 $0xFFFFFEF7, lr;
	s5 =	simm.s32 $0xFFFFFFFF;
	p2 =	slt.u32 s8, $0xFFFFF086  }
0x1c: {  	p1 =	slt.u32 s9, $0xF7A;
	s5 =	simm.s32 @!p2 $0x0  }
0x1d: {  	s5 =	simm.s32 @p1 $0x1;
	p0 =	seq.s32 s7, s2  }
0x1e: {  	s7 =	smul.u32 @!p0 $0xF7A, s2;
	p2 =	seq.s32 @!p0 s5, $0x0  }
0x1f: {  	s9 =	smul.u32 $0xF7A, s1;
	s8 =	simm.s32 @!p0 $0x1BF5;
	p2 =	por !p2, p0  }
0x20: {  	[sflag:s8] =	ssyncset.s32 @!p0 $0xFFFFF086;
	s6 =	sadd.s32 @!p0 s3, s7;
	s7 =	simm.s32 @!p0 $0x108  }
0x21: {  	s3 =	sadd.s32 s3, s9;
	s6 =	sadd.s32 @!p0 $0x88, s6;
	s7 =	simm.s32 @p2 $0x1082  }
0x22: {  	[simem:s7], [sflag:s8] =	dma.local @!p0 [hbm:s6], $0xF7A  }
0x23: {  	s9 =	sor.u32 $0xD0000000, s2;
	s6 =	simm.s32 $0x108;
	_ =	swait.ge @!p0 [sflag:s8], $0x0  }
0x24: {  	s3 =	sadd.s32 $0x88, s3;
	s6 =	simm.s32 @!p1 $0x1082;
	[sflag:s4] =	ssyncset.s32 $0xFFFFF086  }
0x25: {  	[simem:s6], [sflag:s4] =	dma.local [hbm:s3], $0xF7A  }
0x26: {  	[smem:$0x3F9A] =	sst s1;
	(tag) =	ssettag s2;
	_ =	strace s9  }
0x27: {  	s1 =	sld [smem:$0x3FAA]  }
0x28: {  	s2 =	sld [smem:$0x3FAB]  }
0x29: {  	s4 =	sld [smem:$0x3FAD]  }
0x2a: {  	p0 =	seq.s32 s5, $0x0;
	s5 =	sld [smem:$0x3FAE]  }
0x2b: {  	s6 =	sld [smem:$0x3FAF]  }
0x2c: {  	s7 =	sld [smem:$0x3FB0]  }
0x2d: {  	s3 =	simm.s32 $0x108;
	s8 =	sld [smem:$0x3FB1]  }
0x2e: {  	s3 =	simm.s32 @!p0 $0x1082;
	s9 =	sld [smem:$0x3FB2]  }
0x2f: {  	lr =	sadd.s32 s0, s3;
	s0 =	sld [smem:$0x3FA9]  }
0x30: {  	s3 =	sld [smem:$0x3FAC]  }
0x31: {  	[smem:$0x3FB5] =	sst s10  }
0x32: {  	s10 =	sld [smem:$0x3FB3];
	_ =	sdelay $0x3  }
0x33: {  	p0 =	seq.s32 s10, $0x1;
	s10 =	sld [smem:$0x3FB5];
	_ =	sdelay $0x3  }
0x34: {  	[smem:$0x3FB5] =	sst s10  }
0x35: {  	s10 =	sld [smem:$0x3FB4];
	_ =	sdelay $0x3  }
0x36: {  	p1 =	seq.s32 s10, $0x1;
	s10 =	sld [smem:$0x3FB5];
	_ =	sdelay $0x3  }
0x37: {  	[smem:$0x3FB5] =	sst s10  }
0x38: {  	s10 =	sld [smem:$0x3FB6]  }
0x39: {  	_ = 	snop;
	(pc) =	sbr.ind lr, $3  }
0x3a: {  	_ = 	snop  }
0x3b: {  	_ = 	snop  }
0x3c: {  	p2 =	seq.s32 s10, $0x1;
	s10 =	sld [smem:$0x3FB5]  }
0x3d: {  	_ =	shalt  }
0x3e: {  	_ =	shalt  }
0x3f: {  	_ =	shalt  }
0x40: {  	_ =	shalt  }
0x41: {  	_ =	shalt  }
0x42: {  	_ =	shalt  }
0x43: {  	_ =	shalt  }
0x44: {  	_ =	shalt  }
0x45: {  	_ =	shalt  }
0x46: {  	_ =	shalt  }
0x47: {  	_ =	shalt  }
0x48: {  	_ =	shalt  }
0x49: {  	_ =	shalt  }
0x4a: {  	_ =	shalt  }
0x4b: {  	_ =	shalt  }
0x4c: {  	_ =	shalt  }
0x4d: {  	_ =	shalt  }
0x4e: {  	_ =	shalt  }
0x4f: {  	_ =	shalt  }
0x50: {  	_ =	shalt  }
0x51: {  	_ =	shalt  }
0x52: {  	_ =	shalt  }
0x53: {  	_ =	shalt  }
0x54: {  	_ =	shalt  }
0x55: {  	_ =	shalt  }
0x56: {  	_ =	shalt  }
0x57: {  	_ =	shalt  }
0x58: {  	_ =	shalt  }
0x59: {  	_ =	shalt  }
0x5a: {  	_ =	shalt  }
0x5b: {  	_ =	shalt  }
0x5c: {  	_ =	shalt  }
0x5d: {  	_ =	shalt  }
0x5e: {  	_ =	shalt  }
0x5f: {  	_ =	shalt  }
0x60: {  	_ =	shalt  }
0x61: {  	_ =	shalt  }
0x62: {  	_ =	shalt  }
0x63: {  	_ =	shalt  }
0x64: {  	_ =	shalt  }
0x65: {  	_ =	shalt  }
0x66: {  	_ =	shalt  }
0x67: {  	_ =	shalt  }
0x68: {  	_ =	shalt  }
0x69: {  	_ =	shalt  }
0x6a: {  	_ =	shalt  }
0x6b: {  	_ =	shalt  }
0x6c: {  	_ =	shalt  }
0x6d: {  	_ =	shalt  }
0x6e: {  	_ =	shalt  }
0x6f: {  	_ =	shalt  }
0x70: {  	_ =	shalt  }
0x71: {  	_ =	shalt  }
0x72: {  	_ =	shalt  }
0x73: {  	_ =	shalt  }
0x74: {  	_ =	shalt  }
0x75: {  	_ =	shalt  }
0x76: {  	_ =	shalt  }
0x77: {  	_ =	shalt  }
0x78: {  	_ =	shalt  }
0x79: {  	_ =	shalt  }
0x7a: {  	_ =	shalt  }
0x7b: {  	_ =	shalt  }
0x7c: {  	_ =	shalt  }
0x7d: {  	_ =	shalt  }
0x7e: {  	_ =	shalt  }
0x7f: {  	_ =	shalt  }
0x80: {  	_ =	shalt  }
0x81: {  	_ =	shalt  }
0x82: {  	_ =	shalt  }
0x83: {  	_ =	shalt  }
0x84: {  	_ =	shalt  }
0x85: {  	_ =	shalt  }
0x86: {  	_ =	shalt  }
0x87: {  	_ =	shalt  }
.Lfunc_end0:
.L_simem_size_0:
called_computation.3_lowered:
.L_overlay_start_0:
0x88: {  	s2 =	sld [smem:$0x3FD9]  }
0x89: {  	s3 =	sld [smem:$0x3FFE];
	_ =	sdelay $0x1  }
0x8a: {  	s1 =	srdreg.scid  }
0x8b: {  	s0 =	sand.u32 $0x1, s1  }
0x8c: {  	s16 =	sshll.u32 s0, $0xA;
	s2 =	sadd.s32 s3, s2  }
0x8d: {  	s2 =	sadd.s32 s2, s16  }
0x8e: {  	[smem:$0x3FC1] =	sst s2  }
0x8f: {  	_ = 	snop  }
0x90: {  	(tm) =	ssettm $0x1  }
0x91: {  	s17 =	sld [smem:$0x3FFB];
	_ =	sdelay $0x3  }
0x92: {  	_ =	strace s17  }
0x93: {  	s2 =	sld [smem:$0x3FFC];
	_ =	sdelay $0x3  }
0x94: {  	_ =	strace s2  }
0x95: {  	s2 =	sld [smem:$0x3FFD];
	_ =	sdelay $0x3  }
0x96: {  	_ =	strace s2  }
0x97: {  	_ =	strace $0x8FFFFFFF  }
0x98: {  	s18 =	sld [smem:$0x3FDB];
	_ =	sdelay $0x1  }
0x99: {  	s19 =	simm.s32 $_scs_section_size  }
0x9a: {  	s4 =	simm.s32 $_size__tile_overlayer_lowered;
	s5 =	simm.s32 $_tile_overlayer_lowered  }
0x9b: {  	s22 =	simm.s32 $0x1BFF;
	s21 =	sshll.u32 s5, $0x1;
	s2 =	sadd.s32 s19, s18  }
0x9c: {  	s6 =	simm.s32 $0x0;
	s20 =	sshll.u32 s4, $0x1;
	s4 =	sadd.s32 s21, s2  }
0x9d: {  	[timem:s6], [sflag:s22] =	dma.local [hbm:s4], s20  }
0x9e: {  	_ =	swait.ge [sflag:s22], s20  }
0x9f: {  	s3 =	ssub.s32 $0x0, s20;
	[sflag:s22] =	ssyncset.done $0x0  }
0xa0: {  	[sflag:s22] =	ssyncadd.s32 s3;
	_ =	sdelay $0x1  }
0xa1: {  	s23 =	simm.s32 $0x1B8B  }
0xa2: {  	_ =	swait.ge [sflag:s23], $0x1  }
0xa3: {  	[sflag:s23] =	ssyncset.done $0x0  }
0xa4: {  	s25 =	simm.s32 $0x1B8E;
	s24 =	sld [smem:$0x3FFE];
	[sflag:s23] =	ssyncadd.s32 $0xFFFFFFFF  }
0xa5: {  	s26 =	simm.s32 $execute0_lowered;
	[smem:$0x3FD2] =	sst s25  }
0xa6: {  	s4 =	sshll.u32 s26, $0x1;
	_ =	strace $0x8000004F;
	[dreg:$0x1] =	wrdreg $0xFFFFFFFF  }
0xa7: {  	s28 =	simm.s32 $_size_execute0_lowered;
	s2 =	sadd.s32 s2, s4;
	[dreg:$0x0] =	wrdreg $0x0  }
0xa8: {  	s4 =	sshll.u32 s28, $0x1;
	[dreg:$0x2] =	wrdreg s2  }
0xa9: {  	[dreg:$0x3] =	wrdreg s4  }
0xaa: {  	[dreg:$0x4] =	wrdreg $0xC0  }
0xab: {  	_ =	task [dreg:s6], $0x5FFFF  }
0xac: {  	[dreg:$0x1] =	wrdreg $0xFFFFFFFF  }
0xad: {  	[dreg:$0x0] =	wrdreg $0x60  }
0xae: {  	[dreg:$0x2] =	wrdreg s24  }
0xaf: {  	[dreg:$0x3] =	wrdreg $0x52000  }
0xb0: {  	[dreg:$0x4] =	wrdreg $0x9  }
0xb1: {  	_ =	task.clear_ibuf [dreg:s6], $0x5FFFF;
	_ =	strace $0x9000004F  }
0xb2: {  	s29 =	simm.s32 $0x9;
	_ =	strace $0x80000051  }
0xb3: {  	_ =	swait.ge [sflag:s29], $0x1  }
0xb4: {  	[sflag:s29] =	ssyncadd.s32 $0xFFFFFFFF  }
0xb5: {  	_ =	strace $0x90000051  }
0xb6: {  	_ =	sfence  }
0xb7: {  	s30 =	sld [smem:$0x0];
	_ =	sdelay $0x2  }
0xb8: {  	s31 =	sshll.u32 s1, $0xD;
	s1 =	sshrl.u32 s1, $0x2  }
0xb9: {  	s3 =	sand.u32 $0x4000, s31;
	s1 =	sadd.s32 s1, s30  }
0xba: {  	s0 =	sor.u32 s3, s0;
	s1 =	sshll.u32 s1, $0x11  }
0xbb: {  	s0 =	sor.u32 s1, s0  }
0xbc: {  	s0 =	sadd.s32 $0x8F2B, s0  }
0xbd: {  	[sflag:s0] =	ssyncadd.remote.s32 $0x1  }
0xbe: {  	_ =	sfence.sel $0xFFFF  }
0xbf: {  	[dreg:$0x0] =	wrdreg $0xFFFFFFFF;
	(pc) =	sbr.abs _section_cstart, $3  }
0xc0: {  	[dreg:$0x1] =	wrdreg $0xFFFFFFFF  }
0xc1: {  	_ =	task.clear_ibuf [dreg:s6], $0x2FFFF;
	_ =	strace $0x9FFFFFFF  }
0xc2: {  	(tm) =	ssettm $0x7FFFFFFF  }
0xc3: {  	_ =	shalt  }
tec
execute0_lowered:
.L_overlay_start_1:
0x0: {  	(tag) =	ssettag $0x1  }
0x1: {  	s0 =	rddreg [dreg:$0x0]  }
0x2: {  	s2 =	rddreg [dreg:$0x1]  }
0x3: {  	s10 =	stileid.u32;
	s1 =	srdreg.scid;
	s3 =	simm.s32 $0x0  }
0x4: {  	s28 =	simm.s32 $0x2;
	s29 =	simm.s32 $0x0;
	s5 =	smul.u32 $0x2800, s10  }
0x5: {  	s1 =	sand.u32 $0x1, s1;
	[smem:$0x7FF] =	sst s3;
	s7 =	smul.u32 $0x50000, s10  }
0x6: {  	s4 =	sadd.s32 $0x3E400, s0;
	s18 =	sadd.s32 $0xBA00, s0;
	s8 =	smul.u32 $0x4E20, s10  }
0x7: {  	s17 =	sadd.s32 $0x1C00, s0;
	s19 =	sshll.u32 s10, $0x6;
	s6 =	smul.u32 $0x28000, s1  }
0x8: {  	_ =	strace $0x80000050;
	s9 =	ssub.s32 $0x2, s1;
	s1 =	smul.u32 $0x2710, s1  }
0x9: {  	s15 =	sshrl.u32 s9, $0x1;
	s16 =	sshrl.u32 s7, $0x2;
	s7 =	sor.u32 $0x1C03, s19  }
0xa: {  	s19 =	simm.s32 $0x3;
	s6 =	sadd.s32 s5, s6;
	s5 =	sadd.s32 s5, s0  }
0xb: {  	s9 =	ssub.s32 s9, s15;
	s1 =	sadd.s32 s1, s8;
	s0 =	sadd.s32 s6, s0  }
0xc: {  	s6 =	sadd.s32 s16, s2;
	s8 =	sadd.s32 $0x140, s1;
	s5 =	sadd.s32 $0x16400, s5  }
0xd: {  	s22 =	sadd.s32 $0xF0, s1;
	s9 =	smax.u32 s9, $0x1;
	s24 =	sadd.s32 $0xA0, s1  }
0xe: {  	s26 =	sadd.s32 $0x50, s1;
	s31 =	sshrl.u32 s1, $0x3;
	[dreg:$0x4] =	wrdreg s6  }
0xf: {  	[dreg:$0x5] =	wrdreg s5;
	s20 =	sshrl.u32 s8, $0x3;
	s8 =	sadd.s32 $0x66400, s0  }
0x10: {  	s23 =	sshrl.u32 s22, $0x3;
	s25 =	sshrl.u32 s24, $0x3;
	s30 =	sshrl.u32 s26, $0x3  }
0x11: {  	s22 =	simm.s32 $0x200;
	s24 =	simm.s32 $0x180;
	s26 =	simm.s32 $0x1  }
0x12: {  	s21 =	sadd.s32 s20, s17;
	s10 =	sadd.s32 s20, s18;
	s11 =	sadd.s32 s23, s17  }
0x13: {  	s12 =	sadd.s32 s23, s18;
	s13 =	sadd.s32 s25, s17;
	s14 =	sadd.s32 s25, s18  }
0x14: {  	s15 =	sadd.s32 s30, s17;
	s16 =	sadd.s32 s30, s18;
	s17 =	sadd.s32 s31, s17  }
0x15: {  	s18 =	sadd.s32 s31, s18;
	s20 =	simm.s32 $0x80;
	s23 =	simm.s32 $0x100  }
0x16: {  	s25 =	simm.s32 $0x2A00;
	[dreg:$0x3] =	wrdreg s21;
	s21 =	simm.s32 $0x50  }
.LBB2_1:
0x17: {  	s0 =	rddreg [dreg:$0x4]  }
0x18: {  	s5 =	rddreg [dreg:$0x5];
	s30 =	sshrl.u32 s0, $0x3  }
0x19: {  	[spmem:s30], [sflag:s7] =	dma.local [hbm:s5], $0x2800  }
0x1a: {  	_ =	swait.ge [sflag:s19], $0x2800  }
0x1b: {  	[sflag:s19] =	ssyncset.done $0x0  }
0x1c: {  	[sflag:s19] =	ssyncadd.s32 $0xFFFFD800  }
0x1d: {  	s6 =	sadd.s32 $0x0, s18;
	[bflag:$0x0] =	sbarrier.arrive $0xFFFF  }
0x1e: {  	[tilespmem:s3], [sflag:$0x3] =	stream.linear.gather [hbm4b:s6+s3], $0x50, $0x38;
	[tilespmem:$0x19200] =	vst v63  }
0x1f: {  	_ =	swait.ge [sflag:s19], $0x50  }
0x20: {  	[sflag:s19] =	ssyncset.done $0x0  }
0x21: {  	s1 =	sadd.s32 $0x0, s17;
	[sflag:s19] =	ssyncadd.s32 $0xFFFFFFB0  }
0x22: {  	[tilespmem:s20], [sflag:$0x3] =	stream.linear.gather [hbm4b:s1+s3], $0x50, $0x38;
	[tilespmem:$0x19200] =	vst v63  }
0x23: {  	_ =	swait.ge [sflag:s19], $0x50  }
0x24: {  	[sflag:s19] =	ssyncset.done $0x0  }
0x25: {  	[sflag:s19] =	ssyncadd.s32 $0xFFFFFFB0  }
0x26: {  	[tilespmem:s22], [sflag:$0x1] =	stream.indirect.gather [hbm4b:s4+s21], $0x80, s3, s21, $0xb8;
	[tilespmem:$0x19200] =	vst v63  }
0x27: {  	s5 =	sadd.s32 $0x0, s16  }
0x28: {  	[tilespmem:s23], [sflag:$0x3] =	stream.linear.gather [hbm4b:s5+s3], $0x50, $0x38;
	[tilespmem:$0x19200] =	vst v63  }
0x29: {  	_ =	swait.ge [sflag:s19], $0x50  }
0x2a: {  	[sflag:s19] =	ssyncset.done $0x0  }
0x2b: {  	s6 =	sadd.s32 $0x0, s15;
	[sflag:s19] =	ssyncadd.s32 $0xFFFFFFB0  }
0x2c: {  	[tilespmem:s24], [sflag:$0x3] =	stream.linear.gather [hbm4b:s6+s3], $0x50, $0x38;
	[tilespmem:$0x19200] =	vst v63  }
0x2d: {  	_ =	swait.ge [sflag:s19], $0x50  }
0x2e: {  	[sflag:s19] =	ssyncset.done $0x0  }
0x2f: {  	[sflag:s19] =	ssyncadd.s32 $0xFFFFFFB0  }
0x30: {  	[tilespmem:s25], [sflag:$0x2] =	stream.indirect.gather [hbm4b:s4+s21], $0x80, s23, s21, $0xb8;
	[tilespmem:$0x19200] =	vst v63  }
0x31: {  	_ =	swait.ge [sflag:s26], $0x2800  }
0x32: {  	[sflag:s26] =	ssyncset.done $0x0  }
0x33: {  	[sflag:s26] =	ssyncadd.s32 $0xFFFFD800  }
0x34: {  	[spmem:s2] =	stream.indirect.scatter.add.f32 [tilespmem:s22], [sflag:$0x3], $0x80, s20, s21, $0xb8;
	[tilespmem:$0x19200] =	vst v63  }
0x35: {  	_ =	swait.ge [sflag:s19], $0x2800  }
0x36: {  	[sflag:s19] =	ssyncset.done $0x0  }
0x37: {  	s1 =	sadd.s32 $0x0, s14;
	[sflag:s19] =	ssyncadd.s32 $0xFFFFD800  }
0x38: {  	[tilespmem:s3], [sflag:$0x3] =	stream.linear.gather [hbm4b:s1+s3], $0x50, $0x38;
	[tilespmem:$0x19200] =	vst v63  }
0x39: {  	_ =	swait.ge [sflag:s19], $0x50  }
0x3a: {  	[sflag:s19] =	ssyncset.done $0x0  }
0x3b: {  	s5 =	sadd.s32 $0x0, s13;
	[sflag:s19] =	ssyncadd.s32 $0xFFFFFFB0  }
0x3c: {  	[tilespmem:s20], [sflag:$0x3] =	stream.linear.gather [hbm4b:s5+s3], $0x50, $0x38;
	[tilespmem:$0x19200] =	vst v63  }
0x3d: {  	_ =	swait.ge [sflag:s19], $0x50  }
0x3e: {  	[sflag:s19] =	ssyncset.done $0x0  }
0x3f: {  	[sflag:s19] =	ssyncadd.s32 $0xFFFFFFB0  }
0x40: {  	[tilespmem:s22], [sflag:$0x1] =	stream.indirect.gather [hbm4b:s4+s21], $0x80, s3, s21, $0xb8;
	[tilespmem:$0x19200] =	vst v63  }
0x41: {  	_ =	swait.ge [sflag:s28], $0x2800  }
0x42: {  	[sflag:s28] =	ssyncset.done $0x0  }
0x43: {  	[sflag:s28] =	ssyncadd.s32 $0xFFFFD800  }
0x44: {  	[spmem:s2] =	stream.indirect.scatter.add.f32 [tilespmem:s25], [sflag:$0x3], $0x80, s24, s21, $0xb8;
	[tilespmem:$0x19200] =	vst v63  }
0x45: {  	_ =	swait.ge [sflag:s19], $0x2800  }
0x46: {  	[sflag:s19] =	ssyncset.done $0x0  }
0x47: {  	s6 =	sadd.s32 $0x0, s12;
	[sflag:s19] =	ssyncadd.s32 $0xFFFFD800  }
0x48: {  	[tilespmem:s23], [sflag:$0x3] =	stream.linear.gather [hbm4b:s6+s3], $0x50, $0x38;
	[tilespmem:$0x19200] =	vst v63  }
0x49: {  	_ =	swait.ge [sflag:s19], $0x50  }
0x4a: {  	[sflag:s19] =	ssyncset.done $0x0  }
0x4b: {  	s1 =	sadd.s32 $0x0, s11;
	[sflag:s19] =	ssyncadd.s32 $0xFFFFFFB0  }
0x4c: {  	[tilespmem:s24], [sflag:$0x3] =	stream.linear.gather [hbm4b:s1+s3], $0x50, $0x38;
	[tilespmem:$0x19200] =	vst v63  }
0x4d: {  	_ =	swait.ge [sflag:s19], $0x50  }
0x4e: {  	[sflag:s19] =	ssyncset.done $0x0  }
0x4f: {  	[sflag:s19] =	ssyncadd.s32 $0xFFFFFFB0  }
0x50: {  	[tilespmem:s25], [sflag:$0x2] =	stream.indirect.gather [hbm4b:s4+s21], $0x80, s23, s21, $0xb8;
	[tilespmem:$0x19200] =	vst v63  }
0x51: {  	_ =	swait.ge [sflag:s26], $0x2800  }
0x52: {  	[sflag:s26] =	ssyncset.done $0x0  }
0x53: {  	[sflag:s26] =	ssyncadd.s32 $0xFFFFD800  }
0x54: {  	[spmem:s2] =	stream.indirect.scatter.add.f32 [tilespmem:s22], [sflag:$0x3], $0x80, s20, s21, $0xb8;
	[tilespmem:$0x19200] =	vst v63  }
0x55: {  	_ =	swait.ge [sflag:s19], $0x2800  }
0x56: {  	[sflag:s19] =	ssyncset.done $0x0  }
0x57: {  	s5 =	sadd.s32 $0x0, s10;
	[sflag:s19] =	ssyncadd.s32 $0xFFFFD800  }
0x58: {  	[tilespmem:s3], [sflag:$0x3] =	stream.linear.gather [hbm4b:s5+s3], $0x50, $0x38;
	[tilespmem:$0x19200] =	vst v63  }
0x59: {  	_ =	swait.ge [sflag:s19], $0x50  }
0x5a: {  	s6 =	rddreg [dreg:$0x3];
	[sflag:s19] =	ssyncset.done $0x0  }
0x5b: {  	[sflag:s19] =	ssyncadd.s32 $0xFFFFFFB0;
	s0 =	sadd.s32 $0x0, s6  }
0x5c: {  	[tilespmem:s20], [sflag:$0x3] =	stream.linear.gather [hbm4b:s0+s3], $0x50, $0x38;
	[tilespmem:$0x19200] =	vst v63  }
0x5d: {  	_ =	swait.ge [sflag:s19], $0x50  }
0x5e: {  	[sflag:s19] =	ssyncset.done $0x0  }
0x5f: {  	[sflag:s19] =	ssyncadd.s32 $0xFFFFFFB0  }
0x60: {  	[tilespmem:s22], [sflag:$0x1] =	stream.indirect.gather [hbm4b:s4+s21], $0x80, s3, s21, $0xb8;
	[tilespmem:$0x19200] =	vst v63  }
0x61: {  	_ =	swait.ge [sflag:s28], $0x2800  }
0x62: {  	[sflag:s28] =	ssyncset.done $0x0  }
0x63: {  	[sflag:s28] =	ssyncadd.s32 $0xFFFFD800  }
0x64: {  	[spmem:s2] =	stream.indirect.scatter.add.f32 [tilespmem:s25], [sflag:$0x3], $0x80, s24, s21, $0xb8;
	[tilespmem:$0x19200] =	vst v63  }
0x65: {  	_ =	swait.ge [sflag:s19], $0x2800  }
0x66: {  	[sflag:s19] =	ssyncset.done $0x0  }
0x67: {  	[sflag:s19] =	ssyncadd.s32 $0xFFFFD800  }
0x68: {  	_ =	swait.ge [sflag:s26], $0x2800  }
0x69: {  	[sflag:s26] =	ssyncset.done $0x0  }
0x6a: {  	[sflag:s26] =	ssyncadd.s32 $0xFFFFD800  }
0x6b: {  	[spmem:s2] =	stream.indirect.scatter.add.f32 [tilespmem:s22], [sflag:$0x3], $0x80, s20, s21, $0xb8;
	[tilespmem:$0x19200] =	vst v63  }
0x6c: {  	_ =	swait.ge [sflag:s19], $0x2800  }
0x6d: {  	s31 =	simm.s32 $0x32;
	s0 =	simm.s32 $0x64;
	[sflag:s19] =	ssyncset.done $0x0  }
.LBB2_2:
0x6e: {  	s6 =	sadd.s32 s31, s18;
	[sflag:s19] =	ssyncadd.s32 $0xFFFFD800  }
0x6f: {  	[tilespmem:s3], [sflag:$0x3] =	stream.linear.gather [hbm4b:s6+s3], $0x50, $0x38;
	[tilespmem:$0x19200] =	vst v63  }
0x70: {  	_ =	swait.ge [sflag:s19], $0x50  }
0x71: {  	[sflag:s19] =	ssyncset.done $0x0  }
0x72: {  	s6 =	sadd.s32 s31, s17;
	[sflag:s19] =	ssyncadd.s32 $0xFFFFFFB0  }
0x73: {  	[tilespmem:s20], [sflag:$0x3] =	stream.linear.gather [hbm4b:s6+s3], $0x50, $0x38;
	[tilespmem:$0x19200] =	vst v63  }
0x74: {  	_ =	swait.ge [sflag:s19], $0x50  }
0x75: {  	[sflag:s19] =	ssyncset.done $0x0  }
0x76: {  	[sflag:s19] =	ssyncadd.s32 $0xFFFFFFB0  }
0x77: {  	[tilespmem:s22], [sflag:$0x1] =	stream.indirect.gather [hbm4b:s4+s21], $0x80, s3, s21, $0xb8;
	[tilespmem:$0x19200] =	vst v63  }
0x78: {  	s6 =	sadd.s32 s31, s16  }
0x79: {  	[tilespmem:s23], [sflag:$0x3] =	stream.linear.gather [hbm4b:s6+s3], $0x50, $0x38;
	[tilespmem:$0x19200] =	vst v63  }
0x7a: {  	_ =	swait.ge [sflag:s19], $0x50  }
0x7b: {  	[sflag:s19] =	ssyncset.done $0x0  }
0x7c: {  	s6 =	sadd.s32 s31, s15;
	[sflag:s19] =	ssyncadd.s32 $0xFFFFFFB0  }
0x7d: {  	[tilespmem:s24], [sflag:$0x3] =	stream.linear.gather [hbm4b:s6+s3], $0x50, $0x38;
	[tilespmem:$0x19200] =	vst v63  }
0x7e: {  	_ =	swait.ge [sflag:s19], $0x50  }
0x7f: {  	[sflag:s19] =	ssyncset.done $0x0  }
0x80: {  	[sflag:s19] =	ssyncadd.s32 $0xFFFFFFB0  }
0x81: {  	[tilespmem:s25], [sflag:$0x2] =	stream.indirect.gather [hbm4b:s4+s21], $0x80, s23, s21, $0xb8;
	[tilespmem:$0x19200] =	vst v63  }
0x82: {  	_ =	swait.ge [sflag:s26], $0x2800  }
0x83: {  	[sflag:s26] =	ssyncset.done $0x0  }
0x84: {  	[sflag:s26] =	ssyncadd.s32 $0xFFFFD800  }
0x85: {  	[spmem:s2] =	stream.indirect.scatter.add.f32 [tilespmem:s22], [sflag:$0x3], $0x80, s20, s21, $0xb8;
	[tilespmem:$0x19200] =	vst v63  }
0x86: {  	_ =	swait.ge [sflag:s19], $0x2800  }
0x87: {  	[sflag:s19] =	ssyncset.done $0x0  }
0x88: {  	s6 =	sadd.s32 s31, s14;
	[sflag:s19] =	ssyncadd.s32 $0xFFFFD800  }
0x89: {  	[tilespmem:s3], [sflag:$0x3] =	stream.linear.gather [hbm4b:s6+s3], $0x50, $0x38;
	[tilespmem:$0x19200] =	vst v63  }
0x8a: {  	_ =	swait.ge [sflag:s19], $0x50  }
0x8b: {  	[sflag:s19] =	ssyncset.done $0x0  }
0x8c: {  	s6 =	sadd.s32 s31, s13;
	[sflag:s19] =	ssyncadd.s32 $0xFFFFFFB0  }
0x8d: {  	[tilespmem:s20], [sflag:$0x3] =	stream.linear.gather [hbm4b:s6+s3], $0x50, $0x38;
	[tilespmem:$0x19200] =	vst v63  }
0x8e: {  	_ =	swait.ge [sflag:s19], $0x50  }
0x8f: {  	[sflag:s19] =	ssyncset.done $0x0  }
0x90: {  	[sflag:s19] =	ssyncadd.s32 $0xFFFFFFB0  }
0x91: {  	[tilespmem:s22], [sflag:$0x1] =	stream.indirect.gather [hbm4b:s4+s21], $0x80, s3, s21, $0xb8;
	[tilespmem:$0x19200] =	vst v63  }
0x92: {  	_ =	swait.ge [sflag:s28], $0x2800  }
0x93: {  	[sflag:s28] =	ssyncset.done $0x0  }
0x94: {  	[sflag:s28] =	ssyncadd.s32 $0xFFFFD800  }
0x95: {  	[spmem:s2] =	stream.indirect.scatter.add.f32 [tilespmem:s25], [sflag:$0x3], $0x80, s24, s21, $0xb8;
	[tilespmem:$0x19200] =	vst v63  }
0x96: {  	_ =	swait.ge [sflag:s19], $0x2800  }
0x97: {  	[sflag:s19] =	ssyncset.done $0x0  }
0x98: {  	s6 =	sadd.s32 s31, s12;
	[sflag:s19] =	ssyncadd.s32 $0xFFFFD800  }
0x99: {  	[tilespmem:s23], [sflag:$0x3] =	stream.linear.gather [hbm4b:s6+s3], $0x50, $0x38;
	[tilespmem:$0x19200] =	vst v63  }
0x9a: {  	_ =	swait.ge [sflag:s19], $0x50  }
0x9b: {  	[sflag:s19] =	ssyncset.done $0x0  }
0x9c: {  	s6 =	sadd.s32 s31, s11;
	[sflag:s19] =	ssyncadd.s32 $0xFFFFFFB0  }
0x9d: {  	[tilespmem:s24], [sflag:$0x3] =	stream.linear.gather [hbm4b:s6+s3], $0x50, $0x38;
	[tilespmem:$0x19200] =	vst v63  }
0x9e: {  	_ =	swait.ge [sflag:s19], $0x50  }
0x9f: {  	[sflag:s19] =	ssyncset.done $0x0  }
0xa0: {  	[sflag:s19] =	ssyncadd.s32 $0xFFFFFFB0  }
0xa1: {  	[tilespmem:s25], [sflag:$0x2] =	stream.indirect.gather [hbm4b:s4+s21], $0x80, s23, s21, $0xb8;
	[tilespmem:$0x19200] =	vst v63  }
0xa2: {  	_ =	swait.ge [sflag:s26], $0x2800  }
0xa3: {  	[sflag:s26] =	ssyncset.done $0x0  }
0xa4: {  	[sflag:s26] =	ssyncadd.s32 $0xFFFFD800  }
0xa5: {  	[spmem:s2] =	stream.indirect.scatter.add.f32 [tilespmem:s22], [sflag:$0x3], $0x80, s20, s21, $0xb8;
	[tilespmem:$0x19200] =	vst v63  }
0xa6: {  	_ =	swait.ge [sflag:s19], $0x2800  }
0xa7: {  	[sflag:s19] =	ssyncset.done $0x0  }
0xa8: {  	s6 =	sadd.s32 s31, s10;
	[sflag:s19] =	ssyncadd.s32 $0xFFFFD800  }
0xa9: {  	[tilespmem:s3], [sflag:$0x3] =	stream.linear.gather [hbm4b:s6+s3], $0x50, $0x38;
	[tilespmem:$0x19200] =	vst v63  }
0xaa: {  	s1 =	smov.u32 s0;
	_ =	swait.ge [sflag:s19], $0x50  }
0xab: {  	s5 =	sadd.s32 $0x32, s0;
	s6 =	rddreg [dreg:$0x3];
	[sflag:s19] =	ssyncset.done $0x0  }
0xac: {  	p0 =	sne.s32 s0, $0x4B0;
	[sflag:s19] =	ssyncadd.s32 $0xFFFFFFB0;
	s0 =	sadd.s32 s31, s6  }
0xad: {  	[tilespmem:s20], [sflag:$0x3] =	stream.linear.gather [hbm4b:s0+s3], $0x50, $0x38;
	[tilespmem:$0x19200] =	vst v63  }
0xae: {  	_ =	swait.ge [sflag:s19], $0x50  }
0xaf: {  	[sflag:s19] =	ssyncset.done $0x0  }
0xb0: {  	[sflag:s19] =	ssyncadd.s32 $0xFFFFFFB0  }
0xb1: {  	[tilespmem:s22], [sflag:$0x1] =	stream.indirect.gather [hbm4b:s4+s21], $0x80, s3, s21, $0xb8;
	[tilespmem:$0x19200] =	vst v63  }
0xb2: {  	_ =	swait.ge [sflag:s28], $0x2800  }
0xb3: {  	[sflag:s28] =	ssyncset.done $0x0  }
0xb4: {  	[sflag:s28] =	ssyncadd.s32 $0xFFFFD800  }
0xb5: {  	[spmem:s2] =	stream.indirect.scatter.add.f32 [tilespmem:s25], [sflag:$0x3], $0x80, s24, s21, $0xb8;
	[tilespmem:$0x19200] =	vst v63  }
0xb6: {  	_ =	swait.ge [sflag:s19], $0x2800  }
0xb7: {  	[sflag:s19] =	ssyncset.done $0x0  }
0xb8: {  	[sflag:s19] =	ssyncadd.s32 $0xFFFFD800  }
0xb9: {  	_ =	swait.ge [sflag:s26], $0x2800  }
.Ltmp0:
0xba: {  	[sflag:s26] =	ssyncset.done $0x0;
	(pc) =	sbr.rel @p0 .LBB2_2-.Ltmp0, $4  }
0xbb: {  	[sflag:s26] =	ssyncadd.s32 $0xFFFFD800  }
0xbc: {  	[spmem:s2] =	stream.indirect.scatter.add.f32 [tilespmem:s22], [sflag:$0x3], $0x80, s20, s21, $0xb8;
	[tilespmem:$0x19200] =	vst v63  }
0xbd: {  	_ =	swait.ge [sflag:s19], $0x2800  }
0xbe: {  	s31 =	smov.u32 s1;
	s0 =	smov.u32 s5;
	[sflag:s19] =	ssyncset.done $0x0  }
0xbf: {  	s0 =	sadd.s32 s31, s18;
	[sflag:s19] =	ssyncadd.s32 $0xFFFFD800  }
0xc0: {  	[tilespmem:s3], [sflag:$0x3] =	stream.linear.gather [hbm4b:s0+s3], $0x50, $0x38;
	[tilespmem:$0x19200] =	vst v63  }
0xc1: {  	_ =	swait.ge [sflag:s19], $0x50  }
0xc2: {  	[sflag:s19] =	ssyncset.done $0x0  }
0xc3: {  	s1 =	sadd.s32 s31, s17;
	[sflag:s19] =	ssyncadd.s32 $0xFFFFFFB0  }
0xc4: {  	[tilespmem:s20], [sflag:$0x3] =	stream.linear.gather [hbm4b:s1+s3], $0x50, $0x38;
	[tilespmem:$0x19200] =	vst v63  }
0xc5: {  	_ =	swait.ge [sflag:s19], $0x50  }
0xc6: {  	[sflag:s19] =	ssyncset.done $0x0  }
0xc7: {  	[sflag:s19] =	ssyncadd.s32 $0xFFFFFFB0  }
0xc8: {  	[tilespmem:s22], [sflag:$0x1] =	stream.indirect.gather [hbm4b:s4+s21], $0x80, s3, s21, $0xb8;
	[tilespmem:$0x19200] =	vst v63  }
0xc9: {  	s5 =	sadd.s32 s31, s16  }
0xca: {  	[tilespmem:s23], [sflag:$0x3] =	stream.linear.gather [hbm4b:s5+s3], $0x50, $0x38;
	[tilespmem:$0x19200] =	vst v63  }
0xcb: {  	_ =	swait.ge [sflag:s19], $0x50  }
0xcc: {  	[sflag:s19] =	ssyncset.done $0x0  }
0xcd: {  	s6 =	sadd.s32 s31, s15;
	[sflag:s19] =	ssyncadd.s32 $0xFFFFFFB0  }
0xce: {  	[tilespmem:s24], [sflag:$0x3] =	stream.linear.gather [hbm4b:s6+s3], $0x50, $0x38;
	[tilespmem:$0x19200] =	vst v63  }
0xcf: {  	_ =	swait.ge [sflag:s19], $0x50  }
0xd0: {  	[sflag:s19] =	ssyncset.done $0x0  }
0xd1: {  	[sflag:s19] =	ssyncadd.s32 $0xFFFFFFB0  }
0xd2: {  	[tilespmem:s25], [sflag:$0x2] =	stream.indirect.gather [hbm4b:s4+s21], $0x80, s23, s21, $0xb8;
	[tilespmem:$0x19200] =	vst v63  }
0xd3: {  	_ =	swait.ge [sflag:s26], $0x2800  }
0xd4: {  	[sflag:s26] =	ssyncset.done $0x0  }
0xd5: {  	[sflag:s26] =	ssyncadd.s32 $0xFFFFD800  }
0xd6: {  	[spmem:s2] =	stream.indirect.scatter.add.f32 [tilespmem:s22], [sflag:$0x3], $0x80, s20, s21, $0xb8;
	[tilespmem:$0x19200] =	vst v63  }
0xd7: {  	_ =	swait.ge [sflag:s19], $0x2800  }
0xd8: {  	[sflag:s19] =	ssyncset.done $0x0  }
0xd9: {  	s1 =	sadd.s32 s31, s14;
	[sflag:s19] =	ssyncadd.s32 $0xFFFFD800  }
0xda: {  	[tilespmem:s3], [sflag:$0x3] =	stream.linear.gather [hbm4b:s1+s3], $0x50, $0x38;
	[tilespmem:$0x19200] =	vst v63  }
0xdb: {  	_ =	swait.ge [sflag:s19], $0x50  }
0xdc: {  	[sflag:s19] =	ssyncset.done $0x0  }
0xdd: {  	s5 =	sadd.s32 s31, s13;
	[sflag:s19] =	ssyncadd.s32 $0xFFFFFFB0  }
0xde: {  	[tilespmem:s20], [sflag:$0x3] =	stream.linear.gather [hbm4b:s5+s3], $0x50, $0x38;
	[tilespmem:$0x19200] =	vst v63  }
0xdf: {  	_ =	swait.ge [sflag:s19], $0x50  }
0xe0: {  	[sflag:s19] =	ssyncset.done $0x0  }
0xe1: {  	[sflag:s19] =	ssyncadd.s32 $0xFFFFFFB0  }
0xe2: {  	[tilespmem:s22], [sflag:$0x1] =	stream.indirect.gather [hbm4b:s4+s21], $0x80, s3, s21, $0xb8;
	[tilespmem:$0x19200] =	vst v63  }
0xe3: {  	_ =	swait.ge [sflag:s28], $0x2800  }
0xe4: {  	[sflag:s28] =	ssyncset.done $0x0  }
0xe5: {  	[sflag:s28] =	ssyncadd.s32 $0xFFFFD800  }
0xe6: {  	[spmem:s2] =	stream.indirect.scatter.add.f32 [tilespmem:s25], [sflag:$0x3], $0x80, s24, s21, $0xb8;
	[tilespmem:$0x19200] =	vst v63  }
0xe7: {  	_ =	swait.ge [sflag:s19], $0x2800  }
0xe8: {  	[sflag:s19] =	ssyncset.done $0x0  }
0xe9: {  	s6 =	sadd.s32 s31, s12;
	[sflag:s19] =	ssyncadd.s32 $0xFFFFD800  }
0xea: {  	[tilespmem:s23], [sflag:$0x3] =	stream.linear.gather [hbm4b:s6+s3], $0x50, $0x38;
	[tilespmem:$0x19200] =	vst v63  }
0xeb: {  	_ =	swait.ge [sflag:s19], $0x50  }
0xec: {  	[sflag:s19] =	ssyncset.done $0x0  }
0xed: {  	s1 =	sadd.s32 s31, s11;
	[sflag:s19] =	ssyncadd.s32 $0xFFFFFFB0  }
0xee: {  	[tilespmem:s24], [sflag:$0x3] =	stream.linear.gather [hbm4b:s1+s3], $0x50, $0x38;
	[tilespmem:$0x19200] =	vst v63  }
0xef: {  	_ =	swait.ge [sflag:s19], $0x50  }
0xf0: {  	[sflag:s19] =	ssyncset.done $0x0  }
0xf1: {  	[sflag:s19] =	ssyncadd.s32 $0xFFFFFFB0  }
0xf2: {  	[tilespmem:s25], [sflag:$0x2] =	stream.indirect.gather [hbm4b:s4+s21], $0x80, s23, s21, $0xb8;
	[tilespmem:$0x19200] =	vst v63  }
0xf3: {  	_ =	swait.ge [sflag:s26], $0x2800  }
0xf4: {  	[sflag:s26] =	ssyncset.done $0x0  }
0xf5: {  	[sflag:s26] =	ssyncadd.s32 $0xFFFFD800  }
0xf6: {  	[spmem:s2] =	stream.indirect.scatter.add.f32 [tilespmem:s22], [sflag:$0x3], $0x80, s20, s21, $0xb8;
	[tilespmem:$0x19200] =	vst v63  }
0xf7: {  	_ =	swait.ge [sflag:s19], $0x2800  }
0xf8: {  	[sflag:s19] =	ssyncset.done $0x0  }
0xf9: {  	s5 =	sadd.s32 s31, s10;
	[sflag:s19] =	ssyncadd.s32 $0xFFFFD800  }
0xfa: {  	[tilespmem:s3], [sflag:$0x3] =	stream.linear.gather [hbm4b:s5+s3], $0x50, $0x38;
	[tilespmem:$0x19200] =	vst v63  }
0xfb: {  	_ =	swait.ge [sflag:s19], $0x50  }
0xfc: {  	s6 =	rddreg [dreg:$0x3];
	[sflag:s19] =	ssyncset.done $0x0  }
0xfd: {  	s0 =	sadd.s32 s31, s6;
	[sflag:s19] =	ssyncadd.s32 $0xFFFFFFB0  }
0xfe: {  	[tilespmem:s20], [sflag:$0x3] =	stream.linear.gather [hbm4b:s0+s3], $0x50, $0x38;
	[tilespmem:$0x19200] =	vst v63  }
0xff: {  	_ =	swait.ge [sflag:s19], $0x50  }
0x100: {  	[sflag:s19] =	ssyncset.done $0x0  }
0x101: {  	[sflag:s19] =	ssyncadd.s32 $0xFFFFFFB0  }
0x102: {  	[tilespmem:s22], [sflag:$0x1] =	stream.indirect.gather [hbm4b:s4+s21], $0x80, s3, s21, $0xb8;
	[tilespmem:$0x19200] =	vst v63  }
0x103: {  	_ =	swait.ge [sflag:s28], $0x2800  }
0x104: {  	[sflag:s28] =	ssyncset.done $0x0  }
0x105: {  	[sflag:s28] =	ssyncadd.s32 $0xFFFFD800  }
0x106: {  	[spmem:s2] =	stream.indirect.scatter.add.f32 [tilespmem:s25], [sflag:$0x3], $0x80, s24, s21, $0xb8;
	[tilespmem:$0x19200] =	vst v63  }
0x107: {  	_ =	swait.ge [sflag:s19], $0x2800  }
0x108: {  	[sflag:s19] =	ssyncset.done $0x0  }
0x109: {  	[sflag:s19] =	ssyncadd.s32 $0xFFFFD800  }
0x10a: {  	_ =	swait.ge [sflag:s26], $0x2800  }
0x10b: {  	[sflag:s26] =	ssyncset.done $0x0  }
0x10c: {  	[sflag:s26] =	ssyncadd.s32 $0xFFFFD800  }
0x10d: {  	[spmem:s2] =	stream.indirect.scatter.add.f32 [tilespmem:s22], [sflag:$0x3], $0x80, s20, s21, $0xb8;
	[tilespmem:$0x19200] =	vst v63  }
0x10e: {  	_ =	swait.ge [sflag:s19], $0x2800  }
0x10f: {  	s29 =	sadd.s32 $0x1, s29;
	[sflag:s19] =	ssyncset.done $0x0  }
0x110: {  	p0 =	sne.s32 s29, s9;
	[sflag:s19] =	ssyncadd.s32 $0xFFFFD800  }
.Ltmp1:
0x111: {  	[bflag:$0x0] =	sbarrier.arrive $0xFFFF;
	(pc) =	sbr.rel @p0 .LBB2_1-.Ltmp1, $4  }
0x112: {  	[hbm:s8], [sflag:s7] =	dma.local [spmem:s30], $0x2800  }
0x113: {  	_ =	swait.ge [sflag:s19], $0x2800  }
0x114: {  	[sflag:s19] =	ssyncset.done $0x0  }
0x115: {  	[sflag:s19] =	ssyncadd.s32 $0xFFFFD800  }
0x116: {  	_ =	sfence.sel $0x180000  }
0x117: {  	[bflag:$0x0] =	sbarrier.arrive $0xFFFF  }
0x118: {  	_ =	strace $0x90000050  }
0x119: {  	s0 =	stileid.u32;
	[bflag:$0x2] =	sbarrier.arrive $0xFFFF  }
0x11a: {  	p0 =	sne.s32 s0, $0x0;
	s0 =	rddreg [dreg:$0x2]  }
0x11b: {  	s0 =	sadd.s32 @!p0 $0x100000, s0  }
0x11c: {  	[sflag:s0] =	ssyncadd.tile.s32 @!p0 $0x1;
	_ =	shalt  }
.Lfunc_end2:
_tile_overlayer_lowered:
.L_overlay_start_2:
0x11d: {  	(tag) =	ssettag $0x2  }
0x11e: {  	s0 =	rddreg [dreg:$0x0];
	s2 =	stileid.u32  }
0x11f: {  	s1 =	rddreg [dreg:$0x1];
	p0 =	sne.s32 s2, $0x0  }
0x120: {  	s3 =	rddreg [dreg:$0x2];
	[bflag:$0x3] =	sbarrier.arrive $0xFFFF;
	s2 =	simm.s32 @!p0 $0x1C03  }
0x121: {  	[timem:s3], [sflag:s2] =	dma.local @!p0 [hbm:s0], s1  }
0x122: {  	s0 =	simm.s32 @!p0 $0x3  }
0x123: {  	_ =	swait.ge @!p0 [sflag:s0], s1  }
0x124: {  	s1 =	ssub.s32 @!p0 $0x0, s1;
	[sflag:s0] =	ssyncset.done @!p0 $0x0  }
0x125: {  	[sflag:s0] =	ssyncadd.s32 @!p0 s1  }
0x126: {  	[bflag:$0x3] =	sbarrier.arrive $0xFFFF  }
0x127: {  	_ =	shalt  }

// kernel: kernel.9.cloned.1.call-start
scs
__scs_entry_jumppad:
0x0: {  	(pc) =	sbr.rel $0x88, $3  }
0x1: {  	(tag) =	ssettag $0x0;
	lr =	simm.s32 $0x1  }
0x2: {  	[smem:$0x3F9A] =	sst lr;
	_ =	strace $0xD0000000  }
0x3: {  	_ = 	snop  }
0x4: {  	_ = 	snop  }
0x5: {  	_ = 	snop  }
0x6: {  	_ = 	snop  }
0x7: {  	_ = 	snop  }
__scs_overlays_trampoline_lowered:
0x8: {  	[smem:$0x3FA9] =	sst s0  }
0x9: {  	[smem:$0x3FAA] =	sst s1  }
0xa: {  	[smem:$0x3FAB] =	sst s2  }
0xb: {  	[smem:$0x3FAC] =	sst s3  }
0xc: {  	[smem:$0x3FAD] =	sst s4  }
0xd: {  	[smem:$0x3FAE] =	sst s5  }
0xe: {  	[smem:$0x3FAF] =	sst s6  }
0xf: {  	[smem:$0x3FB0] =	sst s7  }
0x10: {  	[smem:$0x3FB1] =	sst s8  }
0x11: {  	[smem:$0x3FB2] =	sst s9;
	s0 =	simm.s32 @!p0 $0x0  }
0x12: {  	s1 =	sld [smem:$0x3F98];
	s0 =	simm.s32 @p0 $0x1  }
0x13: {  	[smem:$0x3FB3] =	sst s0;
	s0 =	simm.s32 @!p1 $0x0  }
0x14: {  	s2 =	sld [smem:$0x3F97];
	s0 =	simm.s32 @p1 $0x1  }
0x15: {  	[smem:$0x3FB4] =	sst s0;
	s0 =	simm.s32 @!p2 $0x0  }
0x16: {  	s3 =	sld [smem:$0x3FDB];
	s0 =	simm.s32 @p2 $0x1  }
0x17: {  	s4 =	simm.s32 $0x1BF5;
	[smem:$0x3FB6] =	sst s0  }
0x18: {  	s0 =	sld [smem:$0x3F99];
	_ =	swait.ge [sflag:s4], $0x0  }
0x19: {  	s7 =	sld [smem:$0x3F9A]  }
0x1a: {  	s8 =	sadd.s32 $0xFFFFE003, lr  }
0x1b: {  	s9 =	sadd.s32 $0xFFFFFEF7, lr;
	s5 =	simm.s32 $0xFFFFFFFF;
	p2 =	slt.u32 s8, $0xFFFFF086  }
0x1c: {  	p1 =	slt.u32 s9, $0xF7A;
	s5 =	simm.s32 @!p2 $0x0  }
0x1d: {  	s5 =	simm.s32 @p1 $0x1;
	p0 =	seq.s32 s7, s2  }
0x1e: {  	s7 =	smul.u32 @!p0 $0xF7A, s2;
	p2 =	seq.s32 @!p0 s5, $0x0  }
0x1f: {  	s9 =	smul.u32 $0xF7A, s1;
	s8 =	simm.s32 @!p0 $0x1BF5;
	p2 =	por !p2, p0  }
0x20: {  	[sflag:s8] =	ssyncset.s32 @!p0 $0xFFFFF086;
	s6 =	sadd.s32 @!p0 s3, s7;
	s7 =	simm.s32 @!p0 $0x108  }
0x21: {  	s3 =	sadd.s32 s3, s9;
	s6 =	sadd.s32 @!p0 $0x88, s6;
	s7 =	simm.s32 @p2 $0x1082  }
0x22: {  	[simem:s7], [sflag:s8] =	dma.local @!p0 [hbm:s6], $0xF7A  }
0x23: {  	s9 =	sor.u32 $0xD0000000, s2;
	s6 =	simm.s32 $0x108;
	_ =	swait.ge @!p0 [sflag:s8], $0x0  }
0x24: {  	s3 =	sadd.s32 $0x88, s3;
	s6 =	simm.s32 @!p1 $0x1082;
	[sflag:s4] =	ssyncset.s32 $0xFFFFF086  }
0x25: {  	[simem:s6], [sflag:s4] =	dma.local [hbm:s3], $0xF7A  }
0x26: {  	[smem:$0x3F9A] =	sst s1;
	(tag) =	ssettag s2;
	_ =	strace s9  }
0x27: {  	s1 =	sld [smem:$0x3FAA]  }
0x28: {  	s2 =	sld [smem:$0x3FAB]  }
0x29: {  	s4 =	sld [smem:$0x3FAD]  }
0x2a: {  	p0 =	seq.s32 s5, $0x0;
	s5 =	sld [smem:$0x3FAE]  }
0x2b: {  	s6 =	sld [smem:$0x3FAF]  }
0x2c: {  	s7 =	sld [smem:$0x3FB0]  }
0x2d: {  	s3 =	simm.s32 $0x108;
	s8 =	sld [smem:$0x3FB1]  }
0x2e: {  	s3 =	simm.s32 @!p0 $0x1082;
	s9 =	sld [smem:$0x3FB2]  }
0x2f: {  	lr =	sadd.s32 s0, s3;
	s0 =	sld [smem:$0x3FA9]  }
0x30: {  	s3 =	sld [smem:$0x3FAC]  }
0x31: {  	[smem:$0x3FB5] =	sst s10  }
0x32: {  	s10 =	sld [smem:$0x3FB3];
	_ =	sdelay $0x3  }
0x33: {  	p0 =	seq.s32 s10, $0x1;
	s10 =	sld [smem:$0x3FB5];
	_ =	sdelay $0x3  }
0x34: {  	[smem:$0x3FB5] =	sst s10  }
0x35: {  	s10 =	sld [smem:$0x3FB4];
	_ =	sdelay $0x3  }
0x36: {  	p1 =	seq.s32 s10, $0x1;
	s10 =	sld [smem:$0x3FB5];
	_ =	sdelay $0x3  }
0x37: {  	[smem:$0x3FB5] =	sst s10  }
0x38: {  	s10 =	sld [smem:$0x3FB6]  }
0x39: {  	_ = 	snop;
	(pc) =	sbr.ind lr, $3  }
0x3a: {  	_ = 	snop  }
0x3b: {  	_ = 	snop  }
0x3c: {  	p2 =	seq.s32 s10, $0x1;
	s10 =	sld [smem:$0x3FB5]  }
0x3d: {  	_ =	shalt  }
0x3e: {  	_ =	shalt  }
0x3f: {  	_ =	shalt  }
0x40: {  	_ =	shalt  }
0x41: {  	_ =	shalt  }
0x42: {  	_ =	shalt  }
0x43: {  	_ =	shalt  }
0x44: {  	_ =	shalt  }
0x45: {  	_ =	shalt  }
0x46: {  	_ =	shalt  }
0x47: {  	_ =	shalt  }
0x48: {  	_ =	shalt  }
0x49: {  	_ =	shalt  }
0x4a: {  	_ =	shalt  }
0x4b: {  	_ =	shalt  }
0x4c: {  	_ =	shalt  }
0x4d: {  	_ =	shalt  }
0x4e: {  	_ =	shalt  }
0x4f: {  	_ =	shalt  }
0x50: {  	_ =	shalt  }
0x51: {  	_ =	shalt  }
0x52: {  	_ =	shalt  }
0x53: {  	_ =	shalt  }
0x54: {  	_ =	shalt  }
0x55: {  	_ =	shalt  }
0x56: {  	_ =	shalt  }
0x57: {  	_ =	shalt  }
0x58: {  	_ =	shalt  }
0x59: {  	_ =	shalt  }
0x5a: {  	_ =	shalt  }
0x5b: {  	_ =	shalt  }
0x5c: {  	_ =	shalt  }
0x5d: {  	_ =	shalt  }
0x5e: {  	_ =	shalt  }
0x5f: {  	_ =	shalt  }
0x60: {  	_ =	shalt  }
0x61: {  	_ =	shalt  }
0x62: {  	_ =	shalt  }
0x63: {  	_ =	shalt  }
0x64: {  	_ =	shalt  }
0x65: {  	_ =	shalt  }
0x66: {  	_ =	shalt  }
0x67: {  	_ =	shalt  }
0x68: {  	_ =	shalt  }
0x69: {  	_ =	shalt  }
0x6a: {  	_ =	shalt  }
0x6b: {  	_ =	shalt  }
0x6c: {  	_ =	shalt  }
0x6d: {  	_ =	shalt  }
0x6e: {  	_ =	shalt  }
0x6f: {  	_ =	shalt  }
0x70: {  	_ =	shalt  }
0x71: {  	_ =	shalt  }
0x72: {  	_ =	shalt  }
0x73: {  	_ =	shalt  }
0x74: {  	_ =	shalt  }
0x75: {  	_ =	shalt  }
0x76: {  	_ =	shalt  }
0x77: {  	_ =	shalt  }
0x78: {  	_ =	shalt  }
0x79: {  	_ =	shalt  }
0x7a: {  	_ =	shalt  }
0x7b: {  	_ =	shalt  }
0x7c: {  	_ =	shalt  }
0x7d: {  	_ =	shalt  }
0x7e: {  	_ =	shalt  }
0x7f: {  	_ =	shalt  }
0x80: {  	_ =	shalt  }
0x81: {  	_ =	shalt  }
0x82: {  	_ =	shalt  }
0x83: {  	_ =	shalt  }
0x84: {  	_ =	shalt  }
0x85: {  	_ =	shalt  }
0x86: {  	_ =	shalt  }
0x87: {  	_ =	shalt  }
.Lfunc_end0:
.L_simem_size_0:
called_computation_lowered:
.L_overlay_start_0:
0x88: {  	s2 =	sld [smem:$0x3FD9]  }
0x89: {  	s3 =	sld [smem:$0x3FFE];
	_ =	sdelay $0x1  }
0x8a: {  	s1 =	srdreg.scid  }
0x8b: {  	s0 =	sand.u32 $0x1, s1  }
0x8c: {  	s17 =	sshll.u32 s0, $0xA;
	s2 =	sadd.s32 s3, s2  }
0x8d: {  	s2 =	sadd.s32 s2, s17  }
0x8e: {  	[smem:$0x3FC1] =	sst s2  }
0x8f: {  	_ = 	snop  }
0x90: {  	s18 =	sld [smem:$0x3FC7];
	(tm) =	ssettm $0x1  }
0x91: {  	s19 =	sld [smem:$0x3FFB];
	_ =	sdelay $0x3  }
0x92: {  	_ =	strace s19  }
0x93: {  	s2 =	sld [smem:$0x3FFC];
	_ =	sdelay $0x3  }
0x94: {  	_ =	strace s2  }
0x95: {  	s2 =	sld [smem:$0x3FFD];
	_ =	sdelay $0x3  }
0x96: {  	_ =	strace s2  }
0x97: {  	_ =	strace $0x8FFFFFFF  }
0x98: {  	s20 =	sld [smem:$0x3FDB];
	_ =	sdelay $0x1  }
0x99: {  	s4 =	simm.s32 $_scs_section_size  }
0x9a: {  	s5 =	simm.s32 $_size__tile_overlayer_lowered;
	s6 =	simm.s32 $_tile_overlayer_lowered  }
0x9b: {  	s7 =	simm.s32 $0x1BFF;
	s21 =	sshll.u32 s6, $0x1;
	s4 =	sadd.s32 s4, s20  }
0x9c: {  	s22 =	simm.s32 $0x0;
	s5 =	sshll.u32 s5, $0x1;
	s6 =	sadd.s32 s21, s4  }
0x9d: {  	[timem:s22], [sflag:s7] =	dma.local [hbm:s6], s5  }
0x9e: {  	_ =	swait.ge [sflag:s7], s5  }
0x9f: {  	s5 =	ssub.s32 $0x0, s5;
	[sflag:s7] =	ssyncset.done $0x0  }
0xa0: {  	[sflag:s7] =	ssyncadd.s32 s5;
	_ =	sdelay $0x1  }
0xa1: {  	s23 =	simm.s32 $0x1B8B  }
0xa2: {  	_ =	swait.ge [sflag:s23], $0x1  }
0xa3: {  	[sflag:s23] =	ssyncset.done $0x0  }
0xa4: {  	[sflag:s23] =	ssyncadd.s32 $0xFFFFFFFF  }
0xa5: {  	s5 =	sld [smem:$0x0]  }
0xa6: {  	s6 =	sand.u32 $0xFFFFFFFE, s1  }
0xa7: {  	p0 =	sne.s32 s1, s6  }
0xa8: {  	s6 =	sshll.u32 @p0 s6, $0xE  }
0xa9: {  	s6 =	sadd.s32 @p0 $0x11B8D, s6;
	s7 =	sshll.u32 @p0 s5, $0x11  }
0xaa: {  	s6 =	sor.u32 @p0 s7, s6  }
0xab: {  	[sflag:s6] =	ssyncadd.remote.s32 @p0 $0x1;
	_ =	sdelay $0x1  }
0xac: {  	s6 =	simm.s32 @p0 $0x1B8D  }
0xad: {  	_ =	swait.eq @p0 [sflag:s6], $0x1  }
0xae: {  	[sflag:s6] =	ssyncadd.s32 @p0 $0xFFFFFFFF  }
0xaf: {  	s7 =	sshll.u32 @!p0 s1, $0xE  }
0xb0: {  	s7 =	sor.u32 @!p0 $0x4000, s7;
	s6 =	simm.s32 @!p0 $0x1B8D  }
0xb1: {  	s5 =	sshll.u32 @!p0 s5, $0x11;
	s7 =	sadd.s32 @!p0 $0x11B8D, s7;
	_ =	swait.eq @!p0 [sflag:s6], $0x1  }
0xb2: {  	s5 =	sor.u32 @!p0 s5, s7;
	[sflag:s6] =	ssyncadd.s32 @!p0 $0xFFFFFFFF  }
0xb3: {  	s25 =	simm.s32 $0x1B8E;
	s24 =	sld [smem:$0x3FFE];
	[sflag:s5] =	ssyncadd.remote.s32 @!p0 $0x1  }
0xb4: {  	s26 =	simm.s32 $execute0_lowered;
	[smem:$0x3FD2] =	sst s25  }
0xb5: {  	s6 =	sshll.u32 s26, $0x1;
	_ =	strace $0x80000049;
	[dreg:$0x1] =	wrdreg $0xFFFFFFFF  }
0xb6: {  	s28 =	simm.s32 $_size_execute0_lowered;
	s4 =	sadd.s32 s4, s6;
	[dreg:$0x0] =	wrdreg $0x0  }
0xb7: {  	s6 =	sshll.u32 s28, $0x1;
	[dreg:$0x2] =	wrdreg s4  }
0xb8: {  	[dreg:$0x3] =	wrdreg s6  }
0xb9: {  	[dreg:$0x4] =	wrdreg $0xC0  }
0xba: {  	_ =	task [dreg:s22], $0x5FFFF  }
0xbb: {  	[dreg:$0x1] =	wrdreg $0xFFFFFFFF  }
0xbc: {  	[dreg:$0x0] =	wrdreg $0x60  }
0xbd: {  	[dreg:$0x2] =	wrdreg s24  }
0xbe: {  	[dreg:$0x3] =	wrdreg s18  }
0xbf: {  	[dreg:$0x4] =	wrdreg $0x9  }
0xc0: {  	_ =	task.clear_ibuf [dreg:s22], $0x5FFFF;
	_ =	strace $0x90000049  }
0xc1: {  	s29 =	simm.s32 $0x9;
	_ =	strace $0x8000004B  }
0xc2: {  	_ =	swait.ge [sflag:s29], $0x1  }
0xc3: {  	[sflag:s29] =	ssyncadd.s32 $0xFFFFFFFF  }
0xc4: {  	_ =	strace $0x9000004B  }
0xc5: {  	_ =	sfence  }
0xc6: {  	s30 =	sld [smem:$0x0];
	_ =	sdelay $0x2  }
0xc7: {  	s31 =	sshll.u32 s1, $0xD;
	s1 =	sshrl.u32 s1, $0x2  }
0xc8: {  	s4 =	sand.u32 $0x4000, s31;
	s1 =	sadd.s32 s1, s30  }
0xc9: {  	s0 =	sor.u32 s4, s0;
	s1 =	sshll.u32 s1, $0x11  }
0xca: {  	s0 =	sor.u32 s1, s0  }
0xcb: {  	s0 =	sadd.s32 $0x8F2B, s0  }
0xcc: {  	[sflag:s0] =	ssyncadd.remote.s32 $0x1  }
0xcd: {  	_ =	sfence.sel $0xFFFF  }
0xce: {  	[dreg:$0x0] =	wrdreg $0xFFFFFFFF;
	(pc) =	sbr.abs _section_cstart, $3  }
0xcf: {  	[dreg:$0x1] =	wrdreg $0xFFFFFFFF  }
0xd0: {  	_ =	task.clear_ibuf [dreg:s22], $0x2FFFF;
	_ =	strace $0x9FFFFFFF  }
0xd1: {  	(tm) =	ssettm $0x7FFFFFFF  }
tec
execute0_lowered:
.L_overlay_start_1:
0x0: {  	(tag) =	ssettag $0x1  }
0x1: {  	s1 =	srdreg.scid;
	s0 =	stileid.u32  }
0x2: {  	s17 =	sand.u32 $0x1, s1;
	s26 =	sshll.u32 s0, $0x1  }
0x3: {  	s9 =	rddreg [dreg:$0x0];
	s10 =	sor.u32 s17, s26  }
0x4: {  	s2 =	rddreg [dreg:$0x1];
	s18 =	smul.u32 $0x140, s10  }
0x5: {  	s3 =	simm.s32 $0x0;
	s1 =	rddreg [dreg:$0x2]  }
0x6: {  	[smem:$0x7FF] =	sst s3;
	s16 =	sadd.s32 $0x8E400, s9;
	s4 =	sshrl.u32 s18, $0x3  }
0x7: {  	_ =	strace $0x8000004A;
	s5 =	sadd.s32 s16, s4;
	s4 =	simm.s32 $0x2  }
0x8: {  	[tilespmem:s3], [sflag:$0x2] =	stream.linear.gather [hbm4b:s5+s3], $0x40, $0x38;
	[tilespmem:$0x2080] =	vst v63  }
0x9: {  	_ =	swait.ge [sflag:s4], $0x40  }
0xa: {  	s6 =	simm.s32 $0x40;
	[sflag:s4] =	ssyncset.done $0x0  }
0xb: {  	s7 =	simm.s32 $0x80;
	s8 =	simm.s32 $0x1;
	[sflag:s4] =	ssyncadd.s32 $0xFFFFFFC0  }
0xc: {  	[tilespmem:s7], [sflag:$0x1] =	stream.indirect.gather [hbm4b:s2+s6], $0x80, s3, s6, $0xb8;
	[tilespmem:$0x2080] =	vst v63  }
0xd: {  	s10 =	smul.u32 $0x1400, s10;
	_ =	swait.ge [sflag:s8], $0x2000  }
0xe: {  	s19 =	sadd.s32 $0x8EA00, s9;
	[sflag:s8] =	ssyncset.done $0x0  }
0xf: {  	s9 =	sadd.s32 s19, s10;
	[sflag:s8] =	ssyncadd.s32 $0xFFFFE000  }
0x10: {  	[hbm4b:s9+s3] =	stream.linear.scatter [tilespmem:s7], [sflag:$0x2], $0x2000, $0x38;
	[tilespmem:$0x2080] =	vst v63  }
0x11: {  	s11 =	sadd.s32 $0x40, s18;
	_ =	swait.ge [sflag:s4], $0x2000  }
0x12: {  	s28 =	sshrl.u32 s11, $0x3;
	[sflag:s4] =	ssyncset.done $0x0  }
0x13: {  	s10 =	sadd.s32 s16, s28;
	[sflag:s4] =	ssyncadd.s32 $0xFFFFE000  }
0x14: {  	[tilespmem:s3], [sflag:$0x2] =	stream.linear.gather [hbm4b:s10+s3], $0x40, $0x38;
	[tilespmem:$0x2080] =	vst v63  }
0x15: {  	_ =	swait.ge [sflag:s4], $0x40  }
0x16: {  	[sflag:s4] =	ssyncset.done $0x0  }
0x17: {  	[sflag:s4] =	ssyncadd.s32 $0xFFFFFFC0  }
0x18: {  	[tilespmem:s7], [sflag:$0x1] =	stream.indirect.gather [hbm4b:s2+s6], $0x80, s3, s6, $0xb8;
	[tilespmem:$0x2080] =	vst v63  }
0x19: {  	_ =	swait.ge [sflag:s8], $0x2000  }
0x1a: {  	s11 =	sshll.u32 s11, $0x4;
	[sflag:s8] =	ssyncset.done $0x0  }
0x1b: {  	s11 =	sadd.s32 s19, s11;
	[sflag:s8] =	ssyncadd.s32 $0xFFFFE000  }
0x1c: {  	[hbm4b:s11+s3] =	stream.linear.scatter [tilespmem:s7], [sflag:$0x2], $0x2000, $0x38;
	[tilespmem:$0x2080] =	vst v63  }
0x1d: {  	s13 =	sadd.s32 $0x80, s18;
	_ =	swait.ge [sflag:s4], $0x2000  }
0x1e: {  	s12 =	sshrl.u32 s13, $0x3;
	[sflag:s4] =	ssyncset.done $0x0  }
0x1f: {  	s12 =	sadd.s32 s16, s12;
	[sflag:s4] =	ssyncadd.s32 $0xFFFFE000  }
0x20: {  	[tilespmem:s3], [sflag:$0x2] =	stream.linear.gather [hbm4b:s12+s3], $0x40, $0x38;
	[tilespmem:$0x2080] =	vst v63  }
0x21: {  	_ =	swait.ge [sflag:s4], $0x40  }
0x22: {  	[sflag:s4] =	ssyncset.done $0x0  }
0x23: {  	[sflag:s4] =	ssyncadd.s32 $0xFFFFFFC0  }
0x24: {  	[tilespmem:s7], [sflag:$0x1] =	stream.indirect.gather [hbm4b:s2+s6], $0x80, s3, s6, $0xb8;
	[tilespmem:$0x2080] =	vst v63  }
0x25: {  	_ =	swait.ge [sflag:s8], $0x2000  }
0x26: {  	s13 =	sshll.u32 s13, $0x4;
	[sflag:s8] =	ssyncset.done $0x0  }
0x27: {  	s13 =	sadd.s32 s19, s13;
	[sflag:s8] =	ssyncadd.s32 $0xFFFFE000  }
0x28: {  	[hbm4b:s13+s3] =	stream.linear.scatter [tilespmem:s7], [sflag:$0x2], $0x2000, $0x38;
	[tilespmem:$0x2080] =	vst v63  }
0x29: {  	s15 =	sadd.s32 $0xC0, s18;
	_ =	swait.ge [sflag:s4], $0x2000  }
0x2a: {  	s14 =	sshrl.u32 s15, $0x3;
	[sflag:s4] =	ssyncset.done $0x0  }
0x2b: {  	s14 =	sadd.s32 s16, s14;
	[sflag:s4] =	ssyncadd.s32 $0xFFFFE000  }
0x2c: {  	[tilespmem:s3], [sflag:$0x2] =	stream.linear.gather [hbm4b:s14+s3], $0x40, $0x38;
	[tilespmem:$0x2080] =	vst v63  }
0x2d: {  	_ =	swait.ge [sflag:s4], $0x40  }
0x2e: {  	[sflag:s4] =	ssyncset.done $0x0  }
0x2f: {  	[sflag:s4] =	ssyncadd.s32 $0xFFFFFFC0  }
0x30: {  	[tilespmem:s7], [sflag:$0x1] =	stream.indirect.gather [hbm4b:s2+s6], $0x80, s3, s6, $0xb8;
	[tilespmem:$0x2080] =	vst v63  }
0x31: {  	_ =	swait.ge [sflag:s8], $0x2000  }
0x32: {  	s15 =	sshll.u32 s15, $0x4;
	[sflag:s8] =	ssyncset.done $0x0  }
0x33: {  	s15 =	sadd.s32 s19, s15;
	[sflag:s8] =	ssyncadd.s32 $0xFFFFE000  }
0x34: {  	[hbm4b:s15+s3] =	stream.linear.scatter [tilespmem:s7], [sflag:$0x2], $0x2000, $0x38;
	[tilespmem:$0x2080] =	vst v63  }
0x35: {  	s18 =	sadd.s32 $0x100, s18;
	_ =	swait.ge [sflag:s4], $0x2000  }
0x36: {  	s20 =	sshrl.u32 s18, $0x3;
	[sflag:s4] =	ssyncset.done $0x0  }
0x37: {  	s17 =	ssub.s32 $0x2, s17;
	s16 =	sadd.s32 s16, s20;
	[sflag:s4] =	ssyncadd.s32 $0xFFFFE000  }
0x38: {  	[tilespmem:s3], [sflag:$0x2] =	stream.linear.gather [hbm4b:s16+s3], $0x40, $0x38;
	[tilespmem:$0x2080] =	vst v63  }
0x39: {  	s29 =	sshrl.u32 s17, $0x1;
	_ =	swait.ge [sflag:s4], $0x40  }
0x3a: {  	s20 =	ssub.s32 s17, s29;
	[sflag:s4] =	ssyncset.done $0x0  }
0x3b: {  	s31 =	smax.u32 s20, $0x1;
	[sflag:s4] =	ssyncadd.s32 $0xFFFFFFC0  }
0x3c: {  	[tilespmem:s7], [sflag:$0x1] =	stream.indirect.gather [hbm4b:s2+s6], $0x80, s3, s6, $0xb8;
	[tilespmem:$0x2080] =	vst v63  }
0x3d: {  	p0 =	sne.s32 s31, $0x1;
	_ =	swait.ge [sflag:s8], $0x2000  }
.Ltmp0:
0x3e: {  	s30 =	sshll.u32 s18, $0x4;
	[sflag:s8] =	ssyncset.done $0x0;
	(pc) =	sbr.rel @!p0 .LBB2_2-.Ltmp0, $4  }
0x3f: {  	s17 =	sadd.s32 s19, s30;
	[sflag:s8] =	ssyncadd.s32 $0xFFFFE000  }
0x40: {  	[hbm4b:s17+s3] =	stream.linear.scatter [tilespmem:s7], [sflag:$0x2], $0x2000, $0x38;
	[tilespmem:$0x2080] =	vst v63  }
0x41: {  	_ =	swait.ge [sflag:s4], $0x2000  }
0x42: {  	s18 =	sadd.s32 $0xFFFFFFFF, s31;
	[sflag:s4] =	ssyncset.done $0x0  }
.LBB2_1:
0x43: {  	p0 =	sne.s32 s18, $0x1;
	s18 =	sadd.s32 $0xFFFFFFFF, s18;
	[sflag:s4] =	ssyncadd.s32 $0xFFFFE000  }
0x44: {  	[tilespmem:s3], [sflag:$0x2] =	stream.linear.gather [hbm4b:s5+s3], $0x40, $0x38;
	[tilespmem:$0x2080] =	vst v63  }
0x45: {  	_ =	swait.ge [sflag:s4], $0x40  }
0x46: {  	[sflag:s4] =	ssyncset.done $0x0  }
0x47: {  	[sflag:s4] =	ssyncadd.s32 $0xFFFFFFC0  }
0x48: {  	[tilespmem:s7], [sflag:$0x1] =	stream.indirect.gather [hbm4b:s2+s6], $0x80, s3, s6, $0xb8;
	[tilespmem:$0x2080] =	vst v63  }
0x49: {  	_ =	swait.ge [sflag:s8], $0x2000  }
0x4a: {  	[sflag:s8] =	ssyncset.done $0x0  }
0x4b: {  	[sflag:s8] =	ssyncadd.s32 $0xFFFFE000  }
0x4c: {  	[hbm4b:s9+s3] =	stream.linear.scatter [tilespmem:s7], [sflag:$0x2], $0x2000, $0x38;
	[tilespmem:$0x2080] =	vst v63  }
0x4d: {  	_ =	swait.ge [sflag:s4], $0x2000  }
0x4e: {  	[sflag:s4] =	ssyncset.done $0x0  }
0x4f: {  	[sflag:s4] =	ssyncadd.s32 $0xFFFFE000  }
0x50: {  	[tilespmem:s3], [sflag:$0x2] =	stream.linear.gather [hbm4b:s10+s3], $0x40, $0x38;
	[tilespmem:$0x2080] =	vst v63  }
0x51: {  	_ =	swait.ge [sflag:s4], $0x40  }
0x52: {  	[sflag:s4] =	ssyncset.done $0x0  }
0x53: {  	[sflag:s4] =	ssyncadd.s32 $0xFFFFFFC0  }
0x54: {  	[tilespmem:s7], [sflag:$0x1] =	stream.indirect.gather [hbm4b:s2+s6], $0x80, s3, s6, $0xb8;
	[tilespmem:$0x2080] =	vst v63  }
0x55: {  	_ =	swait.ge [sflag:s8], $0x2000  }
0x56: {  	[sflag:s8] =	ssyncset.done $0x0  }
0x57: {  	[sflag:s8] =	ssyncadd.s32 $0xFFFFE000  }
0x58: {  	[hbm4b:s11+s3] =	stream.linear.scatter [tilespmem:s7], [sflag:$0x2], $0x2000, $0x38;
	[tilespmem:$0x2080] =	vst v63  }
0x59: {  	_ =	swait.ge [sflag:s4], $0x2000  }
0x5a: {  	[sflag:s4] =	ssyncset.done $0x0  }
0x5b: {  	[sflag:s4] =	ssyncadd.s32 $0xFFFFE000  }
0x5c: {  	[tilespmem:s3], [sflag:$0x2] =	stream.linear.gather [hbm4b:s12+s3], $0x40, $0x38;
	[tilespmem:$0x2080] =	vst v63  }
0x5d: {  	_ =	swait.ge [sflag:s4], $0x40  }
0x5e: {  	[sflag:s4] =	ssyncset.done $0x0  }
0x5f: {  	[sflag:s4] =	ssyncadd.s32 $0xFFFFFFC0  }
0x60: {  	[tilespmem:s7], [sflag:$0x1] =	stream.indirect.gather [hbm4b:s2+s6], $0x80, s3, s6, $0xb8;
	[tilespmem:$0x2080] =	vst v63  }
0x61: {  	_ =	swait.ge [sflag:s8], $0x2000  }
0x62: {  	[sflag:s8] =	ssyncset.done $0x0  }
0x63: {  	[sflag:s8] =	ssyncadd.s32 $0xFFFFE000  }
0x64: {  	[hbm4b:s13+s3] =	stream.linear.scatter [tilespmem:s7], [sflag:$0x2], $0x2000, $0x38;
	[tilespmem:$0x2080] =	vst v63  }
0x65: {  	_ =	swait.ge [sflag:s4], $0x2000  }
0x66: {  	[sflag:s4] =	ssyncset.done $0x0  }
0x67: {  	[sflag:s4] =	ssyncadd.s32 $0xFFFFE000  }
0x68: {  	[tilespmem:s3], [sflag:$0x2] =	stream.linear.gather [hbm4b:s14+s3], $0x40, $0x38;
	[tilespmem:$0x2080] =	vst v63  }
0x69: {  	_ =	swait.ge [sflag:s4], $0x40  }
0x6a: {  	[sflag:s4] =	ssyncset.done $0x0  }
0x6b: {  	[sflag:s4] =	ssyncadd.s32 $0xFFFFFFC0  }
0x6c: {  	[tilespmem:s7], [sflag:$0x1] =	stream.indirect.gather [hbm4b:s2+s6], $0x80, s3, s6, $0xb8;
	[tilespmem:$0x2080] =	vst v63  }
0x6d: {  	_ =	swait.ge [sflag:s8], $0x2000  }
0x6e: {  	[sflag:s8] =	ssyncset.done $0x0  }
0x6f: {  	[sflag:s8] =	ssyncadd.s32 $0xFFFFE000  }
0x70: {  	[hbm4b:s15+s3] =	stream.linear.scatter [tilespmem:s7], [sflag:$0x2], $0x2000, $0x38;
	[tilespmem:$0x2080] =	vst v63  }
0x71: {  	_ =	swait.ge [sflag:s4], $0x2000  }
0x72: {  	[sflag:s4] =	ssyncset.done $0x0  }
0x73: {  	[sflag:s4] =	ssyncadd.s32 $0xFFFFE000  }
0x74: {  	[tilespmem:s3], [sflag:$0x2] =	stream.linear.gather [hbm4b:s16+s3], $0x40, $0x38;
	[tilespmem:$0x2080] =	vst v63  }
0x75: {  	_ =	swait.ge [sflag:s4], $0x40  }
0x76: {  	[sflag:s4] =	ssyncset.done $0x0  }
0x77: {  	[sflag:s4] =	ssyncadd.s32 $0xFFFFFFC0  }
0x78: {  	[tilespmem:s7], [sflag:$0x1] =	stream.indirect.gather [hbm4b:s2+s6], $0x80, s3, s6, $0xb8;
	[tilespmem:$0x2080] =	vst v63  }
0x79: {  	_ =	swait.ge [sflag:s8], $0x2000  }
.Ltmp1:
0x7a: {  	[sflag:s8] =	ssyncset.done $0x0;
	(pc) =	sbr.rel @p0 .LBB2_1-.Ltmp1, $4  }
0x7b: {  	[sflag:s8] =	ssyncadd.s32 $0xFFFFE000  }
0x7c: {  	[hbm4b:s17+s3] =	stream.linear.scatter [tilespmem:s7], [sflag:$0x2], $0x2000, $0x38;
	[tilespmem:$0x2080] =	vst v63  }
0x7d: {  	_ =	swait.ge [sflag:s4], $0x2000  }
0x7e: {  	[sflag:s4] =	ssyncset.done $0x0  }
.LBB2_2:
0x7f: {  	[sflag:s4] =	ssyncadd.s32 $0xFFFFE000  }
0x80: {  	_ =	sfence.sel $0x180000  }
0x81: {  	[bflag:$0x0] =	sbarrier.arrive $0xFFFF  }
0x82: {  	p0 =	sne.s32 s0, $0x0;
	_ =	strace $0x9000004A  }
0x83: {  	s0 =	sadd.s32 @!p0 $0x100000, s1;
	[bflag:$0x2] =	sbarrier.arrive $0xFFFF  }
0x84: {  	[sflag:s0] =	ssyncadd.tile.s32 @!p0 $0x1;
	_ =	shalt  }
.Lfunc_end2:
_tile_overlayer_lowered:
.L_overlay_start_2:
0x85: {  	(tag) =	ssettag $0x2  }
0x86: {  	s0 =	rddreg [dreg:$0x0];
	s2 =	stileid.u32  }
0x87: {  	s1 =	rddreg [dreg:$0x1];
	p0 =	sne.s32 s2, $0x0  }
0x88: {  	s3 =	rddreg [dreg:$0x2];
	[bflag:$0x3] =	sbarrier.arrive $0xFFFF;
	s2 =	simm.s32 @!p0 $0x1C02  }
0x89: {  	[timem:s3], [sflag:s2] =	dma.local @!p0 [hbm:s0], s1  }
0x8a: {  	s0 =	simm.s32 @!p0 $0x2  }
0x8b: {  	_ =	swait.ge @!p0 [sflag:s0], s1  }
0x8c: {  	s1 =	ssub.s32 @!p0 $0x0, s1;
	[sflag:s0] =	ssyncset.done @!p0 $0x0  }
0x8d: {  	[sflag:s0] =	ssyncadd.s32 @!p0 s1  }
0x8e: {  	[bflag:$0x3] =	sbarrier.arrive $0xFFFF  }
0x8f: {  	_ =	shalt  }

</sc_bundles>
